<compile_context>
chip_gen: v7x
topology: tpu7x:2x2x1
jax: 0.10.2.dev20260603
libtpu: 0.0.44.dev20260713+nightly
codegen_flags: <defaults>
</compile_context>

<pallas_src>
import functools
import jax
import jax.numpy as jnp
from jax import lax
from jax.experimental import pallas as pl
from jax.experimental.pallas import tpu as pltpu
from jax.experimental.pallas import tpu_sc as plsc


NC = 2
NS = 16
NW = NC * NS
R = 32
UNROLL = 8


def kernel(x, pos_emb):
    B, L, D = x.shape
    xf = x.reshape(B * L * D)
    pf = pos_emb.reshape(L * D)
    LW = L // NW
    n_chunks = LW // R
    n_steps = n_chunks * B
    CHUNK = R * D

    mesh = plsc.VectorSubcoreMesh(core_axis_name="c", subcore_axis_name="s")

    @functools.partial(
        pl.kernel,
        out_type=jax.ShapeDtypeStruct((B * L * D,), jnp.float32),
        mesh=mesh,
        scratch_types=[
            pltpu.VMEM((CHUNK,), jnp.float32),
            pltpu.VMEM((CHUNK,), jnp.float32),
            pltpu.VMEM((CHUNK,), jnp.float32),
            pltpu.SemaphoreType.DMA,
            pltpu.SemaphoreType.DMA,
            pltpu.SemaphoreType.DMA,
            pltpu.SemaphoreType.DMA,
            pltpu.SemaphoreType.DMA,
        ],
    )
    def sc_add(x_hbm, pos_hbm, out_hbm, va, vb, vp0,
               sa_in, sb_in, sa_out, sb_out, sp0):
        cid = lax.axis_index("c")
        sid = lax.axis_index("s")
        wid = sid * NC + cid
        row0 = wid * LW

        bufs = (va, vb)
        sin = (sa_in, sb_in)
        sout = (sa_out, sb_out)

        def x_off(k):
            c, b = divmod(k, B)
            return (b * L + row0 + c * R) * D

        def p_off(c):
            return (row0 + c * R) * D

        hp = pltpu.async_copy(pos_hbm.at[pl.ds(p_off(0), CHUNK)], vp0, sp0)
        hin = [None] * n_steps
        hout = [None] * n_steps
        hin[0] = pltpu.async_copy(x_hbm.at[pl.ds(x_off(0), CHUNK)], va, sa_in)

        for k in range(n_steps):
            i = k % 2
            cur = bufs[i]
            c = k // B
            pcur = vp0

            if k % B == 0 and k > 0:
                hp = pltpu.async_copy(
                    pos_hbm.at[pl.ds(p_off(c), CHUNK)], vp0, sp0)

            if k + 1 < n_steps:
                j = (k + 1) % 2
                if k >= 1:
                    hout[k - 1].wait()
                hin[k + 1] = pltpu.async_copy(
                    x_hbm.at[pl.ds(x_off(k + 1), CHUNK)], bufs[j], sin[j])

            if k % B == 0:
                hp.wait()
            hin[k].wait()

            if False:
                def body(t, _):
                    base = t * (16 * UNROLL)
                    for u in range(UNROLL):
                        s = pl.ds(base + u * 16, 16)
                        plsc.addupdate(cur.at[s], pcur[s])
                    return 0

                lax.fori_loop(0, CHUNK // (16 * UNROLL), body, 0)

            hout[k] = pltpu.async_copy(
                cur, out_hbm.at[pl.ds(x_off(k), CHUNK)], sout[i])

        hout[n_steps - 2].wait()
        hout[n_steps - 1].wait()

    out = sc_add(xf, pf)
    return out.reshape(B, L, D)

# --- scband reference (transcript-rebuilt; emitter-appended) ---
"""Pipeline reference for scband-learnable-positional-encoding-36112085024943 (READ-ONLY COPY).

The authoritative reference and input builder live on the scoring server;
editing this copy changes nothing except your own understanding.
"""

import jax, jax.numpy as jnp
import numpy as np

D_MODEL = 1024
MAX_LEN = 8192
BATCH = 4
SEQ_LEN = 8192

def setup_inputs(seed: int = 0) -> dict:
    key = jax.random.key(seed)
    k_x, k_emb = jax.random.split(key)
    x = jax.random.normal(k_x, (BATCH, SEQ_LEN, D_MODEL), dtype=jnp.float32)
    # nn.Embedding default init: N(0, 1)
    pos_emb = jax.random.normal(k_emb, (MAX_LEN, D_MODEL), dtype=jnp.float32)
    return {"x": x, "pos_emb": pos_emb}

def reference(x, pos_emb):
    B, L, D = x.shape
    pos = jnp.arange(L)
    pos_embedding = jnp.take(pos_emb, pos, axis=0)[None, :, :]
    return x + pos_embedding

if __name__ == "__main__":
    import jax
    _d = setup_inputs()
    print(jax.jit(kernel)(*tuple(_d.values())))

</pallas_src>

<mosaic_0001>
#map = affine_map<(d0, d1) -> (0)>
module attributes {stable_mosaic.version = 14 : i64} {
  func.func @sc_add(%arg0: i32, %arg1: i32, %arg2: memref<33554432xf32, #tpu.memory_space<hbm>>, %arg3: memref<8388608xf32, #tpu.memory_space<hbm>>, %arg4: memref<33554432xf32, #tpu.memory_space<hbm>>, %arg5: memref<32768xf32, #tpu.memory_space<vmem>>, %arg6: memref<32768xf32, #tpu.memory_space<vmem>>, %arg7: memref<32768xf32, #tpu.memory_space<vmem>>, %arg8: memref<!tpu.dma_semaphore, #tpu.memory_space<semaphore_mem>>, %arg9: memref<!tpu.dma_semaphore, #tpu.memory_space<semaphore_mem>>, %arg10: memref<!tpu.dma_semaphore, #tpu.memory_space<semaphore_mem>>, %arg11: memref<!tpu.dma_semaphore, #tpu.memory_space<semaphore_mem>>, %arg12: memref<!tpu.dma_semaphore, #tpu.memory_space<semaphore_mem>>) attributes {dimension_semantics = [#tpu.dimension_semantics<core_parallel>, #tpu.dimension_semantics<subcore_parallel>], iteration_bounds = array<i64: 2, 16>, scalar_prefetch = 0 : i64, scratch_operands = 8 : i64, tpu.core_type = #tpu.core_type<sc_vector_subcore>, window_params = [{transform_indices = #map}, {transform_indices = #map}, {transform_indices = #map}]} {
    %mul3A = arith.constant 2 : i32
    %mul3A_0 = arith.muli %arg1, %mul3A : i32
    %add3A = arith.addi %mul3A_0, %arg0 : i32
    %mul3A_1 = arith.constant 256 : i32
    %mul3A_2 = arith.muli %add3A, %mul3A_1 : i32
    %add3A_3 = arith.constant 0 : i32
    %add3A_4 = arith.addi %mul3A_2, %add3A_3 : i32
    %mul3A_5 = arith.constant 1024 : i32
    %mul3A_6 = arith.muli %add3A_4, %mul3A_5 : i32
    %dma_start3A = tpu.memref_slice %arg3[%mul3A_6] : memref<8388608xf32, #tpu.memory_space<hbm>> -> memref<32768xf32, #tpu.memory_space<hbm>>
    %dma_start3A_7 = tpu.memref_slice %arg3[%mul3A_6] : memref<8388608xf32, #tpu.memory_space<hbm>> -> memref<32768xf32, #tpu.memory_space<hbm>>
    tpu.enqueue_dma source(%dma_start3A_7 : memref<32768xf32, #tpu.memory_space<hbm>>) target(%arg7 : memref<32768xf32, #tpu.memory_space<vmem>>) target_semaphore(%arg12 : memref<!tpu.dma_semaphore, #tpu.memory_space<semaphore_mem>>)
    %add3A_8 = arith.constant 0 : i32
    %add3A_9 = arith.addi %add3A_8, %mul3A_2 : i32
    %add3A_10 = arith.constant 0 : i32
    %add3A_11 = arith.addi %add3A_9, %add3A_10 : i32
    %mul3A_12 = arith.constant 1024 : i32
    %mul3A_13 = arith.muli %add3A_11, %mul3A_12 : i32
    %dma_start3A_14 = tpu.memref_slice %arg2[%mul3A_13] : memref<33554432xf32, #tpu.memory_space<hbm>> -> memref<32768xf32, #tpu.memory_space<hbm>>
    %dma_start3A_15 = tpu.memref_slice %arg2[%mul3A_13] : memref<33554432xf32, #tpu.memory_space<hbm>> -> memref<32768xf32, #tpu.memory_space<hbm>>
    tpu.enqueue_dma source(%dma_start3A_15 : memref<32768xf32, #tpu.memory_space<hbm>>) target(%arg5 : memref<32768xf32, #tpu.memory_space<vmem>>) target_semaphore(%arg8 : memref<!tpu.dma_semaphore, #tpu.memory_space<semaphore_mem>>)
    %add3A_16 = arith.constant 8192 : i32
    %add3A_17 = arith.addi %add3A_16, %mul3A_2 : i32
    %add3A_18 = arith.constant 0 : i32
    %add3A_19 = arith.addi %add3A_17, %add3A_18 : i32
    %mul3A_20 = arith.constant 1024 : i32
    %mul3A_21 = arith.muli %add3A_19, %mul3A_20 : i32
    %dma_start3A_22 = tpu.memref_slice %arg2[%mul3A_21] : memref<33554432xf32, #tpu.memory_space<hbm>> -> memref<32768xf32, #tpu.memory_space<hbm>>
    %dma_start3A_23 = tpu.memref_slice %arg2[%mul3A_21] : memref<33554432xf32, #tpu.memory_space<hbm>> -> memref<32768xf32, #tpu.memory_space<hbm>>
    tpu.enqueue_dma source(%dma_start3A_23 : memref<32768xf32, #tpu.memory_space<hbm>>) target(%arg6 : memref<32768xf32, #tpu.memory_space<vmem>>) target_semaphore(%arg9 : memref<!tpu.dma_semaphore, #tpu.memory_space<semaphore_mem>>)
    %dma_wait3A = tpu.memref_slice %arg3[%mul3A_6] : memref<8388608xf32, #tpu.memory_space<hbm>> -> memref<32768xf32, #tpu.memory_space<hbm>>
    %dma_wait3A_24 = tpu.memref_slice %arg3[%mul3A_6] : memref<8388608xf32, #tpu.memory_space<hbm>> -> memref<32768xf32, #tpu.memory_space<hbm>>
    tpu.wait_dma2 semaphore(%arg12 : memref<!tpu.dma_semaphore, #tpu.memory_space<semaphore_mem>>) src(%dma_wait3A_24 : memref<32768xf32, #tpu.memory_space<hbm>>) dst(%arg7 : memref<32768xf32, #tpu.memory_space<vmem>>)
    %dma_wait3A_25 = tpu.memref_slice %arg2[%mul3A_13] : memref<33554432xf32, #tpu.memory_space<hbm>> -> memref<32768xf32, #tpu.memory_space<hbm>>
    %dma_wait3A_26 = tpu.memref_slice %arg2[%mul3A_13] : memref<33554432xf32, #tpu.memory_space<hbm>> -> memref<32768xf32, #tpu.memory_space<hbm>>
    tpu.wait_dma2 semaphore(%arg8 : memref<!tpu.dma_semaphore, #tpu.memory_space<semaphore_mem>>) src(%dma_wait3A_26 : memref<32768xf32, #tpu.memory_space<hbm>>) dst(%arg5 : memref<32768xf32, #tpu.memory_space<vmem>>)
    %add3A_27 = arith.constant 0 : i32
    %add3A_28 = arith.addi %add3A_27, %mul3A_2 : i32
    %add3A_29 = arith.constant 0 : i32
    %add3A_30 = arith.addi %add3A_28, %add3A_29 : i32
    %mul3A_31 = arith.constant 1024 : i32
    %mul3A_32 = arith.muli %add3A_30, %mul3A_31 : i32
    %dma_start3A_33 = tpu.memref_slice %arg4[%mul3A_32] : memref<33554432xf32, #tpu.memory_space<hbm>> -> memref<32768xf32, #tpu.memory_space<hbm>>
    %dma_start3A_34 = tpu.memref_slice %arg4[%mul3A_32] : memref<33554432xf32, #tpu.memory_space<hbm>> -> memref<32768xf32, #tpu.memory_space<hbm>>
    tpu.enqueue_dma source(%arg5 : memref<32768xf32, #tpu.memory_space<vmem>>) target(%dma_start3A_34 : memref<32768xf32, #tpu.memory_space<hbm>>) target_semaphore(%arg10 : memref<!tpu.dma_semaphore, #tpu.memory_space<semaphore_mem>>)
    %dma_wait3A_35 = tpu.memref_slice %arg4[%mul3A_32] : memref<33554432xf32, #tpu.memory_space<hbm>> -> memref<32768xf32, #tpu.memory_space<hbm>>
    %dma_wait3A_36 = tpu.memref_slice %arg4[%mul3A_32] : memref<33554432xf32, #tpu.memory_space<hbm>> -> memref<32768xf32, #tpu.memory_space<hbm>>
    tpu.wait_dma2 semaphore(%arg10 : memref<!tpu.dma_semaphore, #tpu.memory_space<semaphore_mem>>) src(%arg5 : memref<32768xf32, #tpu.memory_space<vmem>>) dst(%dma_wait3A_36 : memref<32768xf32, #tpu.memory_space<hbm>>)
    %add3A_37 = arith.constant 16384 : i32
    %add3A_38 = arith.addi %add3A_37, %mul3A_2 : i32
    %add3A_39 = arith.constant 0 : i32
    %add3A_40 = arith.addi %add3A_38, %add3A_39 : i32
    %mul3A_41 = arith.constant 1024 : i32
    %mul3A_42 = arith.muli %add3A_40, %mul3A_41 : i32
    %dma_start3A_43 = tpu.memref_slice %arg2[%mul3A_42] : memref<33554432xf32, #tpu.memory_space<hbm>> -> memref<32768xf32, #tpu.memory_space<hbm>>
    %dma_start3A_44 = tpu.memref_slice %arg2[%mul3A_42] : memref<33554432xf32, #tpu.memory_space<hbm>> -> memref<32768xf32, #tpu.memory_space<hbm>>
    tpu.enqueue_dma source(%dma_start3A_44 : memref<32768xf32, #tpu.memory_space<hbm>>) target(%arg5 : memref<32768xf32, #tpu.memory_space<vmem>>) target_semaphore(%arg8 : memref<!tpu.dma_semaphore, #tpu.memory_space<semaphore_mem>>)
    %dma_wait3A_45 = tpu.memref_slice %arg2[%mul3A_21] : memref<33554432xf32, #tpu.memory_space<hbm>> -> memref<32768xf32, #tpu.memory_space<hbm>>
    %dma_wait3A_46 = tpu.memref_slice %arg2[%mul3A_21] : memref<33554432xf32, #tpu.memory_space<hbm>> -> memref<32768xf32, #tpu.memory_space<hbm>>
    tpu.wait_dma2 semaphore(%arg9 : memref<!tpu.dma_semaphore, #tpu.memory_space<semaphore_mem>>) src(%dma_wait3A_46 : memref<32768xf32, #tpu.memory_space<hbm>>) dst(%arg6 : memref<32768xf32, #tpu.memory_space<vmem>>)
    %add3A_47 = arith.constant 8192 : i32
    %add3A_48 = arith.addi %add3A_47, %mul3A_2 : i32
    %add3A_49 = arith.constant 0 : i32
    %add3A_50 = arith.addi %add3A_48, %add3A_49 : i32
    %mul3A_51 = arith.constant 1024 : i32
    %mul3A_52 = arith.muli %add3A_50, %mul3A_51 : i32
    %dma_start3A_53 = tpu.memref_slice %arg4[%mul3A_52] : memref<33554432xf32, #tpu.memory_space<hbm>> -> memref<32768xf32, #tpu.memory_space<hbm>>
    %dma_start3A_54 = tpu.memref_slice %arg4[%mul3A_52] : memref<33554432xf32, #tpu.memory_space<hbm>> -> memref<32768xf32, #tpu.memory_space<hbm>>
    tpu.enqueue_dma source(%arg6 : memref<32768xf32, #tpu.memory_space<vmem>>) target(%dma_start3A_54 : memref<32768xf32, #tpu.memory_space<hbm>>) target_semaphore(%arg11 : memref<!tpu.dma_semaphore, #tpu.memory_space<semaphore_mem>>)
    %dma_wait3A_55 = tpu.memref_slice %arg4[%mul3A_52] : memref<33554432xf32, #tpu.memory_space<hbm>> -> memref<32768xf32, #tpu.memory_space<hbm>>
    %dma_wait3A_56 = tpu.memref_slice %arg4[%mul3A_52] : memref<33554432xf32, #tpu.memory_space<hbm>> -> memref<32768xf32, #tpu.memory_space<hbm>>
    tpu.wait_dma2 semaphore(%arg11 : memref<!tpu.dma_semaphore, #tpu.memory_space<semaphore_mem>>) src(%arg6 : memref<32768xf32, #tpu.memory_space<vmem>>) dst(%dma_wait3A_56 : memref<32768xf32, #tpu.memory_space<hbm>>)
    %add3A_57 = arith.constant 24576 : i32
    %add3A_58 = arith.addi %add3A_57, %mul3A_2 : i32
    %add3A_59 = arith.constant 0 : i32
    %add3A_60 = arith.addi %add3A_58, %add3A_59 : i32
    %mul3A_61 = arith.constant 1024 : i32
    %mul3A_62 = arith.muli %add3A_60, %mul3A_61 : i32
    %dma_start3A_63 = tpu.memref_slice %arg2[%mul3A_62] : memref<33554432xf32, #tpu.memory_space<hbm>> -> memref<32768xf32, #tpu.memory_space<hbm>>
    %dma_start3A_64 = tpu.memref_slice %arg2[%mul3A_62] : memref<33554432xf32, #tpu.memory_space<hbm>> -> memref<32768xf32, #tpu.memory_space<hbm>>
    tpu.enqueue_dma source(%dma_start3A_64 : memref<32768xf32, #tpu.memory_space<hbm>>) target(%arg6 : memref<32768xf32, #tpu.memory_space<vmem>>) target_semaphore(%arg9 : memref<!tpu.dma_semaphore, #tpu.memory_space<semaphore_mem>>)
    %dma_wait3A_65 = tpu.memref_slice %arg2[%mul3A_42] : memref<33554432xf32, #tpu.memory_space<hbm>> -> memref<32768xf32, #tpu.memory_space<hbm>>
    %dma_wait3A_66 = tpu.memref_slice %arg2[%mul3A_42] : memref<33554432xf32, #tpu.memory_space<hbm>> -> memref<32768xf32, #tpu.memory_space<hbm>>
    tpu.wait_dma2 semaphore(%arg8 : memref<!tpu.dma_semaphore, #tpu.memory_space<semaphore_mem>>) src(%dma_wait3A_66 : memref<32768xf32, #tpu.memory_space<hbm>>) dst(%arg5 : memref<32768xf32, #tpu.memory_space<vmem>>)
    %add3A_67 = arith.constant 16384 : i32
    %add3A_68 = arith.addi %add3A_67, %mul3A_2 : i32
    %add3A_69 = arith.constant 0 : i32
    %add3A_70 = arith.addi %add3A_68, %add3A_69 : i32
    %mul3A_71 = arith.constant 1024 : i32
    %mul3A_72 = arith.muli %add3A_70, %mul3A_71 : i32
    %dma_start3A_73 = tpu.memref_slice %arg4[%mul3A_72] : memref<33554432xf32, #tpu.memory_space<hbm>> -> memref<32768xf32, #tpu.memory_space<hbm>>
    %dma_start3A_74 = tpu.memref_slice %arg4[%mul3A_72] : memref<33554432xf32, #tpu.memory_space<hbm>> -> memref<32768xf32, #tpu.memory_space<hbm>>
    tpu.enqueue_dma source(%arg5 : memref<32768xf32, #tpu.memory_space<vmem>>) target(%dma_start3A_74 : memref<32768xf32, #tpu.memory_space<hbm>>) target_semaphore(%arg10 : memref<!tpu.dma_semaphore, #tpu.memory_space<semaphore_mem>>)
    %dma_wait3A_75 = tpu.memref_slice %arg4[%mul3A_72] : memref<33554432xf32, #tpu.memory_space<hbm>> -> memref<32768xf32, #tpu.memory_space<hbm>>
    %dma_wait3A_76 = tpu.memref_slice %arg4[%mul3A_72] : memref<33554432xf32, #tpu.memory_space<hbm>> -> memref<32768xf32, #tpu.memory_space<hbm>>
    tpu.wait_dma2 semaphore(%arg10 : memref<!tpu.dma_semaphore, #tpu.memory_space<semaphore_mem>>) src(%arg5 : memref<32768xf32, #tpu.memory_space<vmem>>) dst(%dma_wait3A_76 : memref<32768xf32, #tpu.memory_space<hbm>>)
    %add3A_77 = arith.constant 0 : i32
    %add3A_78 = arith.addi %add3A_77, %mul3A_2 : i32
    %add3A_79 = arith.constant 32 : i32
    %add3A_80 = arith.addi %add3A_78, %add3A_79 : i32
    %mul3A_81 = arith.constant 1024 : i32
    %mul3A_82 = arith.muli %add3A_80, %mul3A_81 : i32
    %dma_start3A_83 = tpu.memref_slice %arg2[%mul3A_82] : memref<33554432xf32, #tpu.memory_space<hbm>> -> memref<32768xf32, #tpu.memory_space<hbm>>
    %dma_start3A_84 = tpu.memref_slice %arg2[%mul3A_82] : memref<33554432xf32, #tpu.memory_space<hbm>> -> memref<32768xf32, #tpu.memory_space<hbm>>
    tpu.enqueue_dma source(%dma_start3A_84 : memref<32768xf32, #tpu.memory_space<hbm>>) target(%arg5 : memref<32768xf32, #tpu.memory_space<vmem>>) target_semaphore(%arg8 : memref<!tpu.dma_semaphore, #tpu.memory_space<semaphore_mem>>)
    %dma_wait3A_85 = tpu.memref_slice %arg2[%mul3A_62] : memref<33554432xf32, #tpu.memory_space<hbm>> -> memref<32768xf32, #tpu.memory_space<hbm>>
    %dma_wait3A_86 = tpu.memref_slice %arg2[%mul3A_62] : memref<33554432xf32, #tpu.memory_space<hbm>> -> memref<32768xf32, #tpu.memory_space<hbm>>
    tpu.wait_dma2 semaphore(%arg9 : memref<!tpu.dma_semaphore, #tpu.memory_space<semaphore_mem>>) src(%dma_wait3A_86 : memref<32768xf32, #tpu.memory_space<hbm>>) dst(%arg6 : memref<32768xf32, #tpu.memory_space<vmem>>)
    %add3A_87 = arith.constant 24576 : i32
    %add3A_88 = arith.addi %add3A_87, %mul3A_2 : i32
    %add3A_89 = arith.constant 0 : i32
    %add3A_90 = arith.addi %add3A_88, %add3A_89 : i32
    %mul3A_91 = arith.constant 1024 : i32
    %mul3A_92 = arith.muli %add3A_90, %mul3A_91 : i32
    %dma_start3A_93 = tpu.memref_slice %arg4[%mul3A_92] : memref<33554432xf32, #tpu.memory_space<hbm>> -> memref<32768xf32, #tpu.memory_space<hbm>>
    %dma_start3A_94 = tpu.memref_slice %arg4[%mul3A_92] : memref<33554432xf32, #tpu.memory_space<hbm>> -> memref<32768xf32, #tpu.memory_space<hbm>>
    tpu.enqueue_dma source(%arg6 : memref<32768xf32, #tpu.memory_space<vmem>>) target(%dma_start3A_94 : memref<32768xf32, #tpu.memory_space<hbm>>) target_semaphore(%arg11 : memref<!tpu.dma_semaphore, #tpu.memory_space<semaphore_mem>>)
    %add3A_95 = arith.constant 32 : i32
    %add3A_96 = arith.addi %mul3A_2, %add3A_95 : i32
    %mul3A_97 = arith.constant 1024 : i32
    %mul3A_98 = arith.muli %add3A_96, %mul3A_97 : i32
    %dma_start3A_99 = tpu.memref_slice %arg3[%mul3A_98] : memref<8388608xf32, #tpu.memory_space<hbm>> -> memref<32768xf32, #tpu.memory_space<hbm>>
    %dma_start3A_100 = tpu.memref_slice %arg3[%mul3A_98] : memref<8388608xf32, #tpu.memory_space<hbm>> -> memref<32768xf32, #tpu.memory_space<hbm>>
    tpu.enqueue_dma source(%dma_start3A_100 : memref<32768xf32, #tpu.memory_space<hbm>>) target(%arg7 : memref<32768xf32, #tpu.memory_space<vmem>>) target_semaphore(%arg12 : memref<!tpu.dma_semaphore, #tpu.memory_space<semaphore_mem>>)
    %dma_wait3A_101 = tpu.memref_slice %arg4[%mul3A_92] : memref<33554432xf32, #tpu.memory_space<hbm>> -> memref<32768xf32, #tpu.memory_space<hbm>>
    %dma_wait3A_102 = tpu.memref_slice %arg4[%mul3A_92] : memref<33554432xf32, #tpu.memory_space<hbm>> -> memref<32768xf32, #tpu.memory_space<hbm>>
    tpu.wait_dma2 semaphore(%arg11 : memref<!tpu.dma_semaphore, #tpu.memory_space<semaphore_mem>>) src(%arg6 : memref<32768xf32, #tpu.memory_space<vmem>>) dst(%dma_wait3A_102 : memref<32768xf32, #tpu.memory_space<hbm>>)
    %add3A_103 = arith.constant 8192 : i32
    %add3A_104 = arith.addi %add3A_103, %mul3A_2 : i32
    %add3A_105 = arith.constant 32 : i32
    %add3A_106 = arith.addi %add3A_104, %add3A_105 : i32
    %mul3A_107 = arith.constant 1024 : i32
    %mul3A_108 = arith.muli %add3A_106, %mul3A_107 : i32
    %dma_start3A_109 = tpu.memref_slice %arg2[%mul3A_108] : memref<33554432xf32, #tpu.memory_space<hbm>> -> memref<32768xf32, #tpu.memory_space<hbm>>
    %dma_start3A_110 = tpu.memref_slice %arg2[%mul3A_108] : memref<33554432xf32, #tpu.memory_space<hbm>> -> memref<32768xf32, #tpu.memory_space<hbm>>
    tpu.enqueue_dma source(%dma_start3A_110 : memref<32768xf32, #tpu.memory_space<hbm>>) target(%arg6 : memref<32768xf32, #tpu.memory_space<vmem>>) target_semaphore(%arg9 : memref<!tpu.dma_semaphore, #tpu.memory_space<semaphore_mem>>)
    %dma_wait3A_111 = tpu.memref_slice %arg3[%mul3A_98] : memref<8388608xf32, #tpu.memory_space<hbm>> -> memref<32768xf32, #tpu.memory_space<hbm>>
    %dma_wait3A_112 = tpu.memref_slice %arg3[%mul3A_98] : memref<8388608xf32, #tpu.memory_space<hbm>> -> memref<32768xf32, #tpu.memory_space<hbm>>
    tpu.wait_dma2 semaphore(%arg12 : memref<!tpu.dma_semaphore, #tpu.memory_space<semaphore_mem>>) src(%dma_wait3A_112 : memref<32768xf32, #tpu.memory_space<hbm>>) dst(%arg7 : memref<32768xf32, #tpu.memory_space<vmem>>)
    %dma_wait3A_113 = tpu.memref_slice %arg2[%mul3A_82] : memref<33554432xf32, #tpu.memory_space<hbm>> -> memref<32768xf32, #tpu.memory_space<hbm>>
    %dma_wait3A_114 = tpu.memref_slice %arg2[%mul3A_82] : memref<33554432xf32, #tpu.memory_space<hbm>> -> memref<32768xf32, #tpu.memory_space<hbm>>
    tpu.wait_dma2 semaphore(%arg8 : memref<!tpu.dma_semaphore, #tpu.memory_space<semaphore_mem>>) src(%dma_wait3A_114 : memref<32768xf32, #tpu.memory_space<hbm>>) dst(%arg5 : memref<32768xf32, #tpu.memory_space<vmem>>)
    %add3A_115 = arith.constant 0 : i32
    %add3A_116 = arith.addi %add3A_115, %mul3A_2 : i32
    %add3A_117 = arith.constant 32 : i32
    %add3A_118 = arith.addi %add3A_116, %add3A_117 : i32
    %mul3A_119 = arith.constant 1024 : i32
    %mul3A_120 = arith.muli %add3A_118, %mul3A_119 : i32
    %dma_start3A_121 = tpu.memref_slice %arg4[%mul3A_120] : memref<33554432xf32, #tpu.memory_space<hbm>> -> memref<32768xf32, #tpu.memory_space<hbm>>
    %dma_start3A_122 = tpu.memref_slice %arg4[%mul3A_120] : memref<33554432xf32, #tpu.memory_space<hbm>> -> memref<32768xf32, #tpu.memory_space<hbm>>
    tpu.enqueue_dma source(%arg5 : memref<32768xf32, #tpu.memory_space<vmem>>) target(%dma_start3A_122 : memref<32768xf32, #tpu.memory_space<hbm>>) target_semaphore(%arg10 : memref<!tpu.dma_semaphore, #tpu.memory_space<semaphore_mem>>)
    %dma_wait3A_123 = tpu.memref_slice %arg4[%mul3A_120] : memref<33554432xf32, #tpu.memory_space<hbm>> -> memref<32768xf32, #tpu.memory_space<hbm>>
    %dma_wait3A_124 = tpu.memref_slice %arg4[%mul3A_120] : memref<33554432xf32, #tpu.memory_space<hbm>> -> memref<32768xf32, #tpu.memory_space<hbm>>
    tpu.wait_dma2 semaphore(%arg10 : memref<!tpu.dma_semaphore, #tpu.memory_space<semaphore_mem>>) src(%arg5 : memref<32768xf32, #tpu.memory_space<vmem>>) dst(%dma_wait3A_124 : memref<32768xf32, #tpu.memory_space<hbm>>)
    %add3A_125 = arith.constant 16384 : i32
    %add3A_126 = arith.addi %add3A_125, %mul3A_2 : i32
    %add3A_127 = arith.constant 32 : i32
    %add3A_128 = arith.addi %add3A_126, %add3A_127 : i32
    %mul3A_129 = arith.constant 1024 : i32
    %mul3A_130 = arith.muli %add3A_128, %mul3A_129 : i32
    %dma_start3A_131 = tpu.memref_slice %arg2[%mul3A_130] : memref<33554432xf32, #tpu.memory_space<hbm>> -> memref<32768xf32, #tpu.memory_space<hbm>>
    %dma_start3A_132 = tpu.memref_slice %arg2[%mul3A_130] : memref<33554432xf32, #tpu.memory_space<hbm>> -> memref<32768xf32, #tpu.memory_space<hbm>>
    tpu.enqueue_dma source(%dma_start3A_132 : memref<32768xf32, #tpu.memory_space<hbm>>) target(%arg5 : memref<32768xf32, #tpu.memory_space<vmem>>) target_semaphore(%arg8 : memref<!tpu.dma_semaphore, #tpu.memory_space<semaphore_mem>>)
    %dma_wait3A_133 = tpu.memref_slice %arg2[%mul3A_108] : memref<33554432xf32, #tpu.memory_space<hbm>> -> memref<32768xf32, #tpu.memory_space<hbm>>
    %dma_wait3A_134 = tpu.memref_slice %arg2[%mul3A_108] : memref<33554432xf32, #tpu.memory_space<hbm>> -> memref<32768xf32, #tpu.memory_space<hbm>>
    tpu.wait_dma2 semaphore(%arg9 : memref<!tpu.dma_semaphore, #tpu.memory_space<semaphore_mem>>) src(%dma_wait3A_134 : memref<32768xf32, #tpu.memory_space<hbm>>) dst(%arg6 : memref<32768xf32, #tpu.memory_space<vmem>>)
    %add3A_135 = arith.constant 8192 : i32
    %add3A_136 = arith.addi %add3A_135, %mul3A_2 : i32
    %add3A_137 = arith.constant 32 : i32
    %add3A_138 = arith.addi %add3A_136, %add3A_137 : i32
    %mul3A_139 = arith.constant 1024 : i32
    %mul3A_140 = arith.muli %add3A_138, %mul3A_139 : i32
    %dma_start3A_141 = tpu.memref_slice %arg4[%mul3A_140] : memref<33554432xf32, #tpu.memory_space<hbm>> -> memref<32768xf32, #tpu.memory_space<hbm>>
    %dma_start3A_142 = tpu.memref_slice %arg4[%mul3A_140] : memref<33554432xf32, #tpu.memory_space<hbm>> -> memref<32768xf32, #tpu.memory_space<hbm>>
    tpu.enqueue_dma source(%arg6 : memref<32768xf32, #tpu.memory_space<vmem>>) target(%dma_start3A_142 : memref<32768xf32, #tpu.memory_space<hbm>>) target_semaphore(%arg11 : memref<!tpu.dma_semaphore, #tpu.memory_space<semaphore_mem>>)
    %dma_wait3A_143 = tpu.memref_slice %arg4[%mul3A_140] : memref<33554432xf32, #tpu.memory_space<hbm>> -> memref<32768xf32, #tpu.memory_space<hbm>>
    %dma_wait3A_144 = tpu.memref_slice %arg4[%mul3A_140] : memref<33554432xf32, #tpu.memory_space<hbm>> -> memref<32768xf32, #tpu.memory_space<hbm>>
    tpu.wait_dma2 semaphore(%arg11 : memref<!tpu.dma_semaphore, #tpu.memory_space<semaphore_mem>>) src(%arg6 : memref<32768xf32, #tpu.memory_space<vmem>>) dst(%dma_wait3A_144 : memref<32768xf32, #tpu.memory_space<hbm>>)
    %add3A_145 = arith.constant 24576 : i32
    %add3A_146 = arith.addi %add3A_145, %mul3A_2 : i32
    %add3A_147 = arith.constant 32 : i32
    %add3A_148 = arith.addi %add3A_146, %add3A_147 : i32
    %mul3A_149 = arith.constant 1024 : i32
    %mul3A_150 = arith.muli %add3A_148, %mul3A_149 : i32
    %dma_start3A_151 = tpu.memref_slice %arg2[%mul3A_150] : memref<33554432xf32, #tpu.memory_space<hbm>> -> memref<32768xf32, #tpu.memory_space<hbm>>
    %dma_start3A_152 = tpu.memref_slice %arg2[%mul3A_150] : memref<33554432xf32, #tpu.memory_space<hbm>> -> memref<32768xf32, #tpu.memory_space<hbm>>
    tpu.enqueue_dma source(%dma_start3A_152 : memref<32768xf32, #tpu.memory_space<hbm>>) target(%arg6 : memref<32768xf32, #tpu.memory_space<vmem>>) target_semaphore(%arg9 : memref<!tpu.dma_semaphore, #tpu.memory_space<semaphore_mem>>)
    %dma_wait3A_153 = tpu.memref_slice %arg2[%mul3A_130] : memref<33554432xf32, #tpu.memory_space<hbm>> -> memref<32768xf32, #tpu.memory_space<hbm>>
    %dma_wait3A_154 = tpu.memref_slice %arg2[%mul3A_130] : memref<33554432xf32, #tpu.memory_space<hbm>> -> memref<32768xf32, #tpu.memory_space<hbm>>
    tpu.wait_dma2 semaphore(%arg8 : memref<!tpu.dma_semaphore, #tpu.memory_space<semaphore_mem>>) src(%dma_wait3A_154 : memref<32768xf32, #tpu.memory_space<hbm>>) dst(%arg5 : memref<32768xf32, #tpu.memory_space<vmem>>)
    %add3A_155 = arith.constant 16384 : i32
    %add3A_156 = arith.addi %add3A_155, %mul3A_2 : i32
    %add3A_157 = arith.constant 32 : i32
    %add3A_158 = arith.addi %add3A_156, %add3A_157 : i32
    %mul3A_159 = arith.constant 1024 : i32
    %mul3A_160 = arith.muli %add3A_158, %mul3A_159 : i32
    %dma_start3A_161 = tpu.memref_slice %arg4[%mul3A_160] : memref<33554432xf32, #tpu.memory_space<hbm>> -> memref<32768xf32, #tpu.memory_space<hbm>>
    %dma_start3A_162 = tpu.memref_slice %arg4[%mul3A_160] : memref<33554432xf32, #tpu.memory_space<hbm>> -> memref<32768xf32, #tpu.memory_space<hbm>>
    tpu.enqueue_dma source(%arg5 : memref<32768xf32, #tpu.memory_space<vmem>>) target(%dma_start3A_162 : memref<32768xf32, #tpu.memory_space<hbm>>) target_semaphore(%arg10 : memref<!tpu.dma_semaphore, #tpu.memory_space<semaphore_mem>>)
    %dma_wait3A_163 = tpu.memref_slice %arg4[%mul3A_160] : memref<33554432xf32, #tpu.memory_space<hbm>> -> memref<32768xf32, #tpu.memory_space<hbm>>
    %dma_wait3A_164 = tpu.memref_slice %arg4[%mul3A_160] : memref<33554432xf32, #tpu.memory_space<hbm>> -> memref<32768xf32, #tpu.memory_space<hbm>>
    tpu.wait_dma2 semaphore(%arg10 : memref<!tpu.dma_semaphore, #tpu.memory_space<semaphore_mem>>) src(%arg5 : memref<32768xf32, #tpu.memory_space<vmem>>) dst(%dma_wait3A_164 : memref<32768xf32, #tpu.memory_space<hbm>>)
    %add3A_165 = arith.constant 0 : i32
    %add3A_166 = arith.addi %add3A_165, %mul3A_2 : i32
    %add3A_167 = arith.constant 64 : i32
    %add3A_168 = arith.addi %add3A_166, %add3A_167 : i32
    %mul3A_169 = arith.constant 1024 : i32
    %mul3A_170 = arith.muli %add3A_168, %mul3A_169 : i32
    %dma_start3A_171 = tpu.memref_slice %arg2[%mul3A_170] : memref<33554432xf32, #tpu.memory_space<hbm>> -> memref<32768xf32, #tpu.memory_space<hbm>>
    %dma_start3A_172 = tpu.memref_slice %arg2[%mul3A_170] : memref<33554432xf32, #tpu.memory_space<hbm>> -> memref<32768xf32, #tpu.memory_space<hbm>>
    tpu.enqueue_dma source(%dma_start3A_172 : memref<32768xf32, #tpu.memory_space<hbm>>) target(%arg5 : memref<32768xf32, #tpu.memory_space<vmem>>) target_semaphore(%arg8 : memref<!tpu.dma_semaphore, #tpu.memory_space<semaphore_mem>>)
    %dma_wait3A_173 = tpu.memref_slice %arg2[%mul3A_150] : memref<33554432xf32, #tpu.memory_space<hbm>> -> memref<32768xf32, #tpu.memory_space<hbm>>
    %dma_wait3A_174 = tpu.memref_slice %arg2[%mul3A_150] : memref<33554432xf32, #tpu.memory_space<hbm>> -> memref<32768xf32, #tpu.memory_space<hbm>>
    tpu.wait_dma2 semaphore(%arg9 : memref<!tpu.dma_semaphore, #tpu.memory_space<semaphore_mem>>) src(%dma_wait3A_174 : memref<32768xf32, #tpu.memory_space<hbm>>) dst(%arg6 : memref<32768xf32, #tpu.memory_space<vmem>>)
    %add3A_175 = arith.constant 24576 : i32
    %add3A_176 = arith.addi %add3A_175, %mul3A_2 : i32
    %add3A_177 = arith.constant 32 : i32
    %add3A_178 = arith.addi %add3A_176, %add3A_177 : i32
    %mul3A_179 = arith.constant 1024 : i32
    %mul3A_180 = arith.muli %add3A_178, %mul3A_179 : i32
    %dma_start3A_181 = tpu.memref_slice %arg4[%mul3A_180] : memref<33554432xf32, #tpu.memory_space<hbm>> -> memref<32768xf32, #tpu.memory_space<hbm>>
    %dma_start3A_182 = tpu.memref_slice %arg4[%mul3A_180] : memref<33554432xf32, #tpu.memory_space<hbm>> -> memref<32768xf32, #tpu.memory_space<hbm>>
    tpu.enqueue_dma source(%arg6 : memref<32768xf32, #tpu.memory_space<vmem>>) target(%dma_start3A_182 : memref<32768xf32, #tpu.memory_space<hbm>>) target_semaphore(%arg11 : memref<!tpu.dma_semaphore, #tpu.memory_space<semaphore_mem>>)
    %add3A_183 = arith.constant 64 : i32
    %add3A_184 = arith.addi %mul3A_2, %add3A_183 : i32
    %mul3A_185 = arith.constant 1024 : i32
    %mul3A_186 = arith.muli %add3A_184, %mul3A_185 : i32
    %dma_start3A_187 = tpu.memref_slice %arg3[%mul3A_186] : memref<8388608xf32, #tpu.memory_space<hbm>> -> memref<32768xf32, #tpu.memory_space<hbm>>
    %dma_start3A_188 = tpu.memref_slice %arg3[%mul3A_186] : memref<8388608xf32, #tpu.memory_space<hbm>> -> memref<32768xf32, #tpu.memory_space<hbm>>
    tpu.enqueue_dma source(%dma_start3A_188 : memref<32768xf32, #tpu.memory_space<hbm>>) target(%arg7 : memref<32768xf32, #tpu.memory_space<vmem>>) target_semaphore(%arg12 : memref<!tpu.dma_semaphore, #tpu.memory_space<semaphore_mem>>)
    %dma_wait3A_189 = tpu.memref_slice %arg4[%mul3A_180] : memref<33554432xf32, #tpu.memory_space<hbm>> -> memref<32768xf32, #tpu.memory_space<hbm>>
    %dma_wait3A_190 = tpu.memref_slice %arg4[%mul3A_180] : memref<33554432xf32, #tpu.memory_space<hbm>> -> memref<32768xf32, #tpu.memory_space<hbm>>
    tpu.wait_dma2 semaphore(%arg11 : memref<!tpu.dma_semaphore, #tpu.memory_space<semaphore_mem>>) src(%arg6 : memref<32768xf32, #tpu.memory_space<vmem>>) dst(%dma_wait3A_190 : memref<32768xf32, #tpu.memory_space<hbm>>)
    %add3A_191 = arith.constant 8192 : i32
    %add3A_192 = arith.addi %add3A_191, %mul3A_2 : i32
    %add3A_193 = arith.constant 64 : i32
    %add3A_194 = arith.addi %add3A_192, %add3A_193 : i32
    %mul3A_195 = arith.constant 1024 : i32
    %mul3A_196 = arith.muli %add3A_194, %mul3A_195 : i32
    %dma_start3A_197 = tpu.memref_slice %arg2[%mul3A_196] : memref<33554432xf32, #tpu.memory_space<hbm>> -> memref<32768xf32, #tpu.memory_space<hbm>>
    %dma_start3A_198 = tpu.memref_slice %arg2[%mul3A_196] : memref<33554432xf32, #tpu.memory_space<hbm>> -> memref<32768xf32, #tpu.memory_space<hbm>>
    tpu.enqueue_dma source(%dma_start3A_198 : memref<32768xf32, #tpu.memory_space<hbm>>) target(%arg6 : memref<32768xf32, #tpu.memory_space<vmem>>) target_semaphore(%arg9 : memref<!tpu.dma_semaphore, #tpu.memory_space<semaphore_mem>>)
    %dma_wait3A_199 = tpu.memref_slice %arg3[%mul3A_186] : memref<8388608xf32, #tpu.memory_space<hbm>> -> memref<32768xf32, #tpu.memory_space<hbm>>
    %dma_wait3A_200 = tpu.memref_slice %arg3[%mul3A_186] : memref<8388608xf32, #tpu.memory_space<hbm>> -> memref<32768xf32, #tpu.memory_space<hbm>>
    tpu.wait_dma2 semaphore(%arg12 : memref<!tpu.dma_semaphore, #tpu.memory_space<semaphore_mem>>) src(%dma_wait3A_200 : memref<32768xf32, #tpu.memory_space<hbm>>) dst(%arg7 : memref<32768xf32, #tpu.memory_space<vmem>>)
    %dma_wait3A_201 = tpu.memref_slice %arg2[%mul3A_170] : memref<33554432xf32, #tpu.memory_space<hbm>> -> memref<32768xf32, #tpu.memory_space<hbm>>
    %dma_wait3A_202 = tpu.memref_slice %arg2[%mul3A_170] : memref<33554432xf32, #tpu.memory_space<hbm>> -> memref<32768xf32, #tpu.memory_space<hbm>>
    tpu.wait_dma2 semaphore(%arg8 : memref<!tpu.dma_semaphore, #tpu.memory_space<semaphore_mem>>) src(%dma_wait3A_202 : memref<32768xf32, #tpu.memory_space<hbm>>) dst(%arg5 : memref<32768xf32, #tpu.memory_space<vmem>>)
    %add3A_203 = arith.constant 0 : i32
    %add3A_204 = arith.addi %add3A_203, %mul3A_2 : i32
    %add3A_205 = arith.constant 64 : i32
    %add3A_206 = arith.addi %add3A_204, %add3A_205 : i32
    %mul3A_207 = arith.constant 1024 : i32
    %mul3A_208 = arith.muli %add3A_206, %mul3A_207 : i32
    %dma_start3A_209 = tpu.memref_slice %arg4[%mul3A_208] : memref<33554432xf32, #tpu.memory_space<hbm>> -> memref<32768xf32, #tpu.memory_space<hbm>>
    %dma_start3A_210 = tpu.memref_slice %arg4[%mul3A_208] : memref<33554432xf32, #tpu.memory_space<hbm>> -> memref<32768xf32, #tpu.memory_space<hbm>>
    tpu.enqueue_dma source(%arg5 : memref<32768xf32, #tpu.memory_space<vmem>>) target(%dma_start3A_210 : memref<32768xf32, #tpu.memory_space<hbm>>) target_semaphore(%arg10 : memref<!tpu.dma_semaphore, #tpu.memory_space<semaphore_mem>>)
    %dma_wait3A_211 = tpu.memref_slice %arg4[%mul3A_208] : memref<33554432xf32, #tpu.memory_space<hbm>> -> memref<32768xf32, #tpu.memory_space<hbm>>
    %dma_wait3A_212 = tpu.memref_slice %arg4[%mul3A_208] : memref<33554432xf32, #tpu.memory_space<hbm>> -> memref<32768xf32, #tpu.memory_space<hbm>>
    tpu.wait_dma2 semaphore(%arg10 : memref<!tpu.dma_semaphore, #tpu.memory_space<semaphore_mem>>) src(%arg5 : memref<32768xf32, #tpu.memory_space<vmem>>) dst(%dma_wait3A_212 : memref<32768xf32, #tpu.memory_space<hbm>>)
    %add3A_213 = arith.constant 16384 : i32
    %add3A_214 = arith.addi %add3A_213, %mul3A_2 : i32
    %add3A_215 = arith.constant 64 : i32
    %add3A_216 = arith.addi %add3A_214, %add3A_215 : i32
    %mul3A_217 = arith.constant 1024 : i32
    %mul3A_218 = arith.muli %add3A_216, %mul3A_217 : i32
    %dma_start3A_219 = tpu.memref_slice %arg2[%mul3A_218] : memref<33554432xf32, #tpu.memory_space<hbm>> -> memref<32768xf32, #tpu.memory_space<hbm>>
    %dma_start3A_220 = tpu.memref_slice %arg2[%mul3A_218] : memref<33554432xf32, #tpu.memory_space<hbm>> -> memref<32768xf32, #tpu.memory_space<hbm>>
    tpu.enqueue_dma source(%dma_start3A_220 : memref<32768xf32, #tpu.memory_space<hbm>>) target(%arg5 : memref<32768xf32, #tpu.memory_space<vmem>>) target_semaphore(%arg8 : memref<!tpu.dma_semaphore, #tpu.memory_space<semaphore_mem>>)
    %dma_wait3A_221 = tpu.memref_slice %arg2[%mul3A_196] : memref<33554432xf32, #tpu.memory_space<hbm>> -> memref<32768xf32, #tpu.memory_space<hbm>>
    %dma_wait3A_222 = tpu.memref_slice %arg2[%mul3A_196] : memref<33554432xf32, #tpu.memory_space<hbm>> -> memref<32768xf32, #tpu.memory_space<hbm>>
    tpu.wait_dma2 semaphore(%arg9 : memref<!tpu.dma_semaphore, #tpu.memory_space<semaphore_mem>>) src(%dma_wait3A_222 : memref<32768xf32, #tpu.memory_space<hbm>>) dst(%arg6 : memref<32768xf32, #tpu.memory_space<vmem>>)
    %add3A_223 = arith.constant 8192 : i32
    %add3A_224 = arith.addi %add3A_223, %mul3A_2 : i32
    %add3A_225 = arith.constant 64 : i32
    %add3A_226 = arith.addi %add3A_224, %add3A_225 : i32
    %mul3A_227 = arith.constant 1024 : i32
    %mul3A_228 = arith.muli %add3A_226, %mul3A_227 : i32
    %dma_start3A_229 = tpu.memref_slice %arg4[%mul3A_228] : memref<33554432xf32, #tpu.memory_space<hbm>> -> memref<32768xf32, #tpu.memory_space<hbm>>
    %dma_start3A_230 = tpu.memref_slice %arg4[%mul3A_228] : memref<33554432xf32, #tpu.memory_space<hbm>> -> memref<32768xf32, #tpu.memory_space<hbm>>
    tpu.enqueue_dma source(%arg6 : memref<32768xf32, #tpu.memory_space<vmem>>) target(%dma_start3A_230 : memref<32768xf32, #tpu.memory_space<hbm>>) target_semaphore(%arg11 : memref<!tpu.dma_semaphore, #tpu.memory_space<semaphore_mem>>)
    %dma_wait3A_231 = tpu.memref_slice %arg4[%mul3A_228] : memref<33554432xf32, #tpu.memory_space<hbm>> -> memref<32768xf32, #tpu.memory_space<hbm>>
    %dma_wait3A_232 = tpu.memref_slice %arg4[%mul3A_228] : memref<33554432xf32, #tpu.memory_space<hbm>> -> memref<32768xf32, #tpu.memory_space<hbm>>
    tpu.wait_dma2 semaphore(%arg11 : memref<!tpu.dma_semaphore, #tpu.memory_space<semaphore_mem>>) src(%arg6 : memref<32768xf32, #tpu.memory_space<vmem>>) dst(%dma_wait3A_232 : memref<32768xf32, #tpu.memory_space<hbm>>)
    %add3A_233 = arith.constant 24576 : i32
    %add3A_234 = arith.addi %add3A_233, %mul3A_2 : i32
    %add3A_235 = arith.constant 64 : i32
    %add3A_236 = arith.addi %add3A_234, %add3A_235 : i32
    %mul3A_237 = arith.constant 1024 : i32
    %mul3A_238 = arith.muli %add3A_236, %mul3A_237 : i32
    %dma_start3A_239 = tpu.memref_slice %arg2[%mul3A_238] : memref<33554432xf32, #tpu.memory_space<hbm>> -> memref<32768xf32, #tpu.memory_space<hbm>>
    %dma_start3A_240 = tpu.memref_slice %arg2[%mul3A_238] : memref<33554432xf32, #tpu.memory_space<hbm>> -> memref<32768xf32, #tpu.memory_space<hbm>>
    tpu.enqueue_dma source(%dma_start3A_240 : memref<32768xf32, #tpu.memory_space<hbm>>) target(%arg6 : memref<32768xf32, #tpu.memory_space<vmem>>) target_semaphore(%arg9 : memref<!tpu.dma_semaphore, #tpu.memory_space<semaphore_mem>>)
    %dma_wait3A_241 = tpu.memref_slice %arg2[%mul3A_218] : memref<33554432xf32, #tpu.memory_space<hbm>> -> memref<32768xf32, #tpu.memory_space<hbm>>
    %dma_wait3A_242 = tpu.memref_slice %arg2[%mul3A_218] : memref<33554432xf32, #tpu.memory_space<hbm>> -> memref<32768xf32, #tpu.memory_space<hbm>>
    tpu.wait_dma2 semaphore(%arg8 : memref<!tpu.dma_semaphore, #tpu.memory_space<semaphore_mem>>) src(%dma_wait3A_242 : memref<32768xf32, #tpu.memory_space<hbm>>) dst(%arg5 : memref<32768xf32, #tpu.memory_space<vmem>>)
    %add3A_243 = arith.constant 16384 : i32
    %add3A_244 = arith.addi %add3A_243, %mul3A_2 : i32
    %add3A_245 = arith.constant 64 : i32
    %add3A_246 = arith.addi %add3A_244, %add3A_245 : i32
    %mul3A_247 = arith.constant 1024 : i32
    %mul3A_248 = arith.muli %add3A_246, %mul3A_247 : i32
    %dma_start3A_249 = tpu.memref_slice %arg4[%mul3A_248] : memref<33554432xf32, #tpu.memory_space<hbm>> -> memref<32768xf32, #tpu.memory_space<hbm>>
    %dma_start3A_250 = tpu.memref_slice %arg4[%mul3A_248] : memref<33554432xf32, #tpu.memory_space<hbm>> -> memref<32768xf32, #tpu.memory_space<hbm>>
    tpu.enqueue_dma source(%arg5 : memref<32768xf32, #tpu.memory_space<vmem>>) target(%dma_start3A_250 : memref<32768xf32, #tpu.memory_space<hbm>>) target_semaphore(%arg10 : memref<!tpu.dma_semaphore, #tpu.memory_space<semaphore_mem>>)
    %dma_wait3A_251 = tpu.memref_slice %arg4[%mul3A_248] : memref<33554432xf32, #tpu.memory_space<hbm>> -> memref<32768xf32, #tpu.memory_space<hbm>>
    %dma_wait3A_252 = tpu.memref_slice %arg4[%mul3A_248] : memref<33554432xf32, #tpu.memory_space<hbm>> -> memref<32768xf32, #tpu.memory_space<hbm>>
    tpu.wait_dma2 semaphore(%arg10 : memref<!tpu.dma_semaphore, #tpu.memory_space<semaphore_mem>>) src(%arg5 : memref<32768xf32, #tpu.memory_space<vmem>>) dst(%dma_wait3A_252 : memref<32768xf32, #tpu.memory_space<hbm>>)
    %add3A_253 = arith.constant 0 : i32
    %add3A_254 = arith.addi %add3A_253, %mul3A_2 : i32
    %add3A_255 = arith.constant 96 : i32
    %add3A_256 = arith.addi %add3A_254, %add3A_255 : i32
    %mul3A_257 = arith.constant 1024 : i32
    %mul3A_258 = arith.muli %add3A_256, %mul3A_257 : i32
    %dma_start3A_259 = tpu.memref_slice %arg2[%mul3A_258] : memref<33554432xf32, #tpu.memory_space<hbm>> -> memref<32768xf32, #tpu.memory_space<hbm>>
    %dma_start3A_260 = tpu.memref_slice %arg2[%mul3A_258] : memref<33554432xf32, #tpu.memory_space<hbm>> -> memref<32768xf32, #tpu.memory_space<hbm>>
    tpu.enqueue_dma source(%dma_start3A_260 : memref<32768xf32, #tpu.memory_space<hbm>>) target(%arg5 : memref<32768xf32, #tpu.memory_space<vmem>>) target_semaphore(%arg8 : memref<!tpu.dma_semaphore, #tpu.memory_space<semaphore_mem>>)
    %dma_wait3A_261 = tpu.memref_slice %arg2[%mul3A_238] : memref<33554432xf32, #tpu.memory_space<hbm>> -> memref<32768xf32, #tpu.memory_space<hbm>>
    %dma_wait3A_262 = tpu.memref_slice %arg2[%mul3A_238] : memref<33554432xf32, #tpu.memory_space<hbm>> -> memref<32768xf32, #tpu.memory_space<hbm>>
    tpu.wait_dma2 semaphore(%arg9 : memref<!tpu.dma_semaphore, #tpu.memory_space<semaphore_mem>>) src(%dma_wait3A_262 : memref<32768xf32, #tpu.memory_space<hbm>>) dst(%arg6 : memref<32768xf32, #tpu.memory_space<vmem>>)
    %add3A_263 = arith.constant 24576 : i32
    %add3A_264 = arith.addi %add3A_263, %mul3A_2 : i32
    %add3A_265 = arith.constant 64 : i32
    %add3A_266 = arith.addi %add3A_264, %add3A_265 : i32
    %mul3A_267 = arith.constant 1024 : i32
    %mul3A_268 = arith.muli %add3A_266, %mul3A_267 : i32
    %dma_start3A_269 = tpu.memref_slice %arg4[%mul3A_268] : memref<33554432xf32, #tpu.memory_space<hbm>> -> memref<32768xf32, #tpu.memory_space<hbm>>
    %dma_start3A_270 = tpu.memref_slice %arg4[%mul3A_268] : memref<33554432xf32, #tpu.memory_space<hbm>> -> memref<32768xf32, #tpu.memory_space<hbm>>
    tpu.enqueue_dma source(%arg6 : memref<32768xf32, #tpu.memory_space<vmem>>) target(%dma_start3A_270 : memref<32768xf32, #tpu.memory_space<hbm>>) target_semaphore(%arg11 : memref<!tpu.dma_semaphore, #tpu.memory_space<semaphore_mem>>)
    %add3A_271 = arith.constant 96 : i32
    %add3A_272 = arith.addi %mul3A_2, %add3A_271 : i32
    %mul3A_273 = arith.constant 1024 : i32
    %mul3A_274 = arith.muli %add3A_272, %mul3A_273 : i32
    %dma_start3A_275 = tpu.memref_slice %arg3[%mul3A_274] : memref<8388608xf32, #tpu.memory_space<hbm>> -> memref<32768xf32, #tpu.memory_space<hbm>>
    %dma_start3A_276 = tpu.memref_slice %arg3[%mul3A_274] : memref<8388608xf32, #tpu.memory_space<hbm>> -> memref<32768xf32, #tpu.memory_space<hbm>>
    tpu.enqueue_dma source(%dma_start3A_276 : memref<32768xf32, #tpu.memory_space<hbm>>) target(%arg7 : memref<32768xf32, #tpu.memory_space<vmem>>) target_semaphore(%arg12 : memref<!tpu.dma_semaphore, #tpu.memory_space<semaphore_mem>>)
    %dma_wait3A_277 = tpu.memref_slice %arg4[%mul3A_268] : memref<33554432xf32, #tpu.memory_space<hbm>> -> memref<32768xf32, #tpu.memory_space<hbm>>
    %dma_wait3A_278 = tpu.memref_slice %arg4[%mul3A_268] : memref<33554432xf32, #tpu.memory_space<hbm>> -> memref<32768xf32, #tpu.memory_space<hbm>>
    tpu.wait_dma2 semaphore(%arg11 : memref<!tpu.dma_semaphore, #tpu.memory_space<semaphore_mem>>) src(%arg6 : memref<32768xf32, #tpu.memory_space<vmem>>) dst(%dma_wait3A_278 : memref<32768xf32, #tpu.memory_space<hbm>>)
    %add3A_279 = arith.constant 8192 : i32
    %add3A_280 = arith.addi %add3A_279, %mul3A_2 : i32
    %add3A_281 = arith.constant 96 : i32
    %add3A_282 = arith.addi %add3A_280, %add3A_281 : i32
    %mul3A_283 = arith.constant 1024 : i32
    %mul3A_284 = arith.muli %add3A_282, %mul3A_283 : i32
    %dma_start3A_285 = tpu.memref_slice %arg2[%mul3A_284] : memref<33554432xf32, #tpu.memory_space<hbm>> -> memref<32768xf32, #tpu.memory_space<hbm>>
    %dma_start3A_286 = tpu.memref_slice %arg2[%mul3A_284] : memref<33554432xf32, #tpu.memory_space<hbm>> -> memref<32768xf32, #tpu.memory_space<hbm>>
    tpu.enqueue_dma source(%dma_start3A_286 : memref<32768xf32, #tpu.memory_space<hbm>>) target(%arg6 : memref<32768xf32, #tpu.memory_space<vmem>>) target_semaphore(%arg9 : memref<!tpu.dma_semaphore, #tpu.memory_space<semaphore_mem>>)
    %dma_wait3A_287 = tpu.memref_slice %arg3[%mul3A_274] : memref<8388608xf32, #tpu.memory_space<hbm>> -> memref<32768xf32, #tpu.memory_space<hbm>>
    %dma_wait3A_288 = tpu.memref_slice %arg3[%mul3A_274] : memref<8388608xf32, #tpu.memory_space<hbm>> -> memref<32768xf32, #tpu.memory_space<hbm>>
    tpu.wait_dma2 semaphore(%arg12 : memref<!tpu.dma_semaphore, #tpu.memory_space<semaphore_mem>>) src(%dma_wait3A_288 : memref<32768xf32, #tpu.memory_space<hbm>>) dst(%arg7 : memref<32768xf32, #tpu.memory_space<vmem>>)
    %dma_wait3A_289 = tpu.memref_slice %arg2[%mul3A_258] : memref<33554432xf32, #tpu.memory_space<hbm>> -> memref<32768xf32, #tpu.memory_space<hbm>>
    %dma_wait3A_290 = tpu.memref_slice %arg2[%mul3A_258] : memref<33554432xf32, #tpu.memory_space<hbm>> -> memref<32768xf32, #tpu.memory_space<hbm>>
    tpu.wait_dma2 semaphore(%arg8 : memref<!tpu.dma_semaphore, #tpu.memory_space<semaphore_mem>>) src(%dma_wait3A_290 : memref<32768xf32, #tpu.memory_space<hbm>>) dst(%arg5 : memref<32768xf32, #tpu.memory_space<vmem>>)
    %add3A_291 = arith.constant 0 : i32
    %add3A_292 = arith.addi %add3A_291, %mul3A_2 : i32
    %add3A_293 = arith.constant 96 : i32
    %add3A_294 = arith.addi %add3A_292, %add3A_293 : i32
    %mul3A_295 = arith.constant 1024 : i32
    %mul3A_296 = arith.muli %add3A_294, %mul3A_295 : i32
    %dma_start3A_297 = tpu.memref_slice %arg4[%mul3A_296] : memref<33554432xf32, #tpu.memory_space<hbm>> -> memref<32768xf32, #tpu.memory_space<hbm>>
    %dma_start3A_298 = tpu.memref_slice %arg4[%mul3A_296] : memref<33554432xf32, #tpu.memory_space<hbm>> -> memref<32768xf32, #tpu.memory_space<hbm>>
    tpu.enqueue_dma source(%arg5 : memref<32768xf32, #tpu.memory_space<vmem>>) target(%dma_start3A_298 : memref<32768xf32, #tpu.memory_space<hbm>>) target_semaphore(%arg10 : memref<!tpu.dma_semaphore, #tpu.memory_space<semaphore_mem>>)
    %dma_wait3A_299 = tpu.memref_slice %arg4[%mul3A_296] : memref<33554432xf32, #tpu.memory_space<hbm>> -> memref<32768xf32, #tpu.memory_space<hbm>>
    %dma_wait3A_300 = tpu.memref_slice %arg4[%mul3A_296] : memref<33554432xf32, #tpu.memory_space<hbm>> -> memref<32768xf32, #tpu.memory_space<hbm>>
    tpu.wait_dma2 semaphore(%arg10 : memref<!tpu.dma_semaphore, #tpu.memory_space<semaphore_mem>>) src(%arg5 : memref<32768xf32, #tpu.memory_space<vmem>>) dst(%dma_wait3A_300 : memref<32768xf32, #tpu.memory_space<hbm>>)
    %add3A_301 = arith.constant 16384 : i32
    %add3A_302 = arith.addi %add3A_301, %mul3A_2 : i32
    %add3A_303 = arith.constant 96 : i32
    %add3A_304 = arith.addi %add3A_302, %add3A_303 : i32
    %mul3A_305 = arith.constant 1024 : i32
    %mul3A_306 = arith.muli %add3A_304, %mul3A_305 : i32
    %dma_start3A_307 = tpu.memref_slice %arg2[%mul3A_306] : memref<33554432xf32, #tpu.memory_space<hbm>> -> memref<32768xf32, #tpu.memory_space<hbm>>
    %dma_start3A_308 = tpu.memref_slice %arg2[%mul3A_306] : memref<33554432xf32, #tpu.memory_space<hbm>> -> memref<32768xf32, #tpu.memory_space<hbm>>
    tpu.enqueue_dma source(%dma_start3A_308 : memref<32768xf32, #tpu.memory_space<hbm>>) target(%arg5 : memref<32768xf32, #tpu.memory_space<vmem>>) target_semaphore(%arg8 : memref<!tpu.dma_semaphore, #tpu.memory_space<semaphore_mem>>)
    %dma_wait3A_309 = tpu.memref_slice %arg2[%mul3A_284] : memref<33554432xf32, #tpu.memory_space<hbm>> -> memref<32768xf32, #tpu.memory_space<hbm>>
    %dma_wait3A_310 = tpu.memref_slice %arg2[%mul3A_284] : memref<33554432xf32, #tpu.memory_space<hbm>> -> memref<32768xf32, #tpu.memory_space<hbm>>
    tpu.wait_dma2 semaphore(%arg9 : memref<!tpu.dma_semaphore, #tpu.memory_space<semaphore_mem>>) src(%dma_wait3A_310 : memref<32768xf32, #tpu.memory_space<hbm>>) dst(%arg6 : memref<32768xf32, #tpu.memory_space<vmem>>)
    %add3A_311 = arith.constant 8192 : i32
    %add3A_312 = arith.addi %add3A_311, %mul3A_2 : i32
    %add3A_313 = arith.constant 96 : i32
    %add3A_314 = arith.addi %add3A_312, %add3A_313 : i32
    %mul3A_315 = arith.constant 1024 : i32
    %mul3A_316 = arith.muli %add3A_314, %mul3A_315 : i32
    %dma_start3A_317 = tpu.memref_slice %arg4[%mul3A_316] : memref<33554432xf32, #tpu.memory_space<hbm>> -> memref<32768xf32, #tpu.memory_space<hbm>>
    %dma_start3A_318 = tpu.memref_slice %arg4[%mul3A_316] : memref<33554432xf32, #tpu.memory_space<hbm>> -> memref<32768xf32, #tpu.memory_space<hbm>>
    tpu.enqueue_dma source(%arg6 : memref<32768xf32, #tpu.memory_space<vmem>>) target(%dma_start3A_318 : memref<32768xf32, #tpu.memory_space<hbm>>) target_semaphore(%arg11 : memref<!tpu.dma_semaphore, #tpu.memory_space<semaphore_mem>>)
    %dma_wait3A_319 = tpu.memref_slice %arg4[%mul3A_316] : memref<33554432xf32, #tpu.memory_space<hbm>> -> memref<32768xf32, #tpu.memory_space<hbm>>
    %dma_wait3A_320 = tpu.memref_slice %arg4[%mul3A_316] : memref<33554432xf32, #tpu.memory_space<hbm>> -> memref<32768xf32, #tpu.memory_space<hbm>>
    tpu.wait_dma2 semaphore(%arg11 : memref<!tpu.dma_semaphore, #tpu.memory_space<semaphore_mem>>) src(%arg6 : memref<32768xf32, #tpu.memory_space<vmem>>) dst(%dma_wait3A_320 : memref<32768xf32, #tpu.memory_space<hbm>>)
    %add3A_321 = arith.constant 24576 : i32
    %add3A_322 = arith.addi %add3A_321, %mul3A_2 : i32
    %add3A_323 = arith.constant 96 : i32
    %add3A_324 = arith.addi %add3A_322, %add3A_323 : i32
    %mul3A_325 = arith.constant 1024 : i32
    %mul3A_326 = arith.muli %add3A_324, %mul3A_325 : i32
    %dma_start3A_327 = tpu.memref_slice %arg2[%mul3A_326] : memref<33554432xf32, #tpu.memory_space<hbm>> -> memref<32768xf32, #tpu.memory_space<hbm>>
    %dma_start3A_328 = tpu.memref_slice %arg2[%mul3A_326] : memref<33554432xf32, #tpu.memory_space<hbm>> -> memref<32768xf32, #tpu.memory_space<hbm>>
    tpu.enqueue_dma source(%dma_start3A_328 : memref<32768xf32, #tpu.memory_space<hbm>>) target(%arg6 : memref<32768xf32, #tpu.memory_space<vmem>>) target_semaphore(%arg9 : memref<!tpu.dma_semaphore, #tpu.memory_space<semaphore_mem>>)
    %dma_wait3A_329 = tpu.memref_slice %arg2[%mul3A_306] : memref<33554432xf32, #tpu.memory_space<hbm>> -> memref<32768xf32, #tpu.memory_space<hbm>>
    %dma_wait3A_330 = tpu.memref_slice %arg2[%mul3A_306] : memref<33554432xf32, #tpu.memory_space<hbm>> -> memref<32768xf32, #tpu.memory_space<hbm>>
    tpu.wait_dma2 semaphore(%arg8 : memref<!tpu.dma_semaphore, #tpu.memory_space<semaphore_mem>>) src(%dma_wait3A_330 : memref<32768xf32, #tpu.memory_space<hbm>>) dst(%arg5 : memref<32768xf32, #tpu.memory_space<vmem>>)
    %add3A_331 = arith.constant 16384 : i32
    %add3A_332 = arith.addi %add3A_331, %mul3A_2 : i32
    %add3A_333 = arith.constant 96 : i32
    %add3A_334 = arith.addi %add3A_332, %add3A_333 : i32
    %mul3A_335 = arith.constant 1024 : i32
    %mul3A_336 = arith.muli %add3A_334, %mul3A_335 : i32
    %dma_start3A_337 = tpu.memref_slice %arg4[%mul3A_336] : memref<33554432xf32, #tpu.memory_space<hbm>> -> memref<32768xf32, #tpu.memory_space<hbm>>
    %dma_start3A_338 = tpu.memref_slice %arg4[%mul3A_336] : memref<33554432xf32, #tpu.memory_space<hbm>> -> memref<32768xf32, #tpu.memory_space<hbm>>
    tpu.enqueue_dma source(%arg5 : memref<32768xf32, #tpu.memory_space<vmem>>) target(%dma_start3A_338 : memref<32768xf32, #tpu.memory_space<hbm>>) target_semaphore(%arg10 : memref<!tpu.dma_semaphore, #tpu.memory_space<semaphore_mem>>)
    %dma_wait3A_339 = tpu.memref_slice %arg4[%mul3A_336] : memref<33554432xf32, #tpu.memory_space<hbm>> -> memref<32768xf32, #tpu.memory_space<hbm>>
    %dma_wait3A_340 = tpu.memref_slice %arg4[%mul3A_336] : memref<33554432xf32, #tpu.memory_space<hbm>> -> memref<32768xf32, #tpu.memory_space<hbm>>
    tpu.wait_dma2 semaphore(%arg10 : memref<!tpu.dma_semaphore, #tpu.memory_space<semaphore_mem>>) src(%arg5 : memref<32768xf32, #tpu.memory_space<vmem>>) dst(%dma_wait3A_340 : memref<32768xf32, #tpu.memory_space<hbm>>)
    %add3A_341 = arith.constant 0 : i32
    %add3A_342 = arith.addi %add3A_341, %mul3A_2 : i32
    %add3A_343 = arith.constant 128 : i32
    %add3A_344 = arith.addi %add3A_342, %add3A_343 : i32
    %mul3A_345 = arith.constant 1024 : i32
    %mul3A_346 = arith.muli %add3A_344, %mul3A_345 : i32
    %dma_start3A_347 = tpu.memref_slice %arg2[%mul3A_346] : memref<33554432xf32, #tpu.memory_space<hbm>> -> memref<32768xf32, #tpu.memory_space<hbm>>
    %dma_start3A_348 = tpu.memref_slice %arg2[%mul3A_346] : memref<33554432xf32, #tpu.memory_space<hbm>> -> memref<32768xf32, #tpu.memory_space<hbm>>
    tpu.enqueue_dma source(%dma_start3A_348 : memref<32768xf32, #tpu.memory_space<hbm>>) target(%arg5 : memref<32768xf32, #tpu.memory_space<vmem>>) target_semaphore(%arg8 : memref<!tpu.dma_semaphore, #tpu.memory_space<semaphore_mem>>)
    %dma_wait3A_349 = tpu.memref_slice %arg2[%mul3A_326] : memref<33554432xf32, #tpu.memory_space<hbm>> -> memref<32768xf32, #tpu.memory_space<hbm>>
    %dma_wait3A_350 = tpu.memref_slice %arg2[%mul3A_326] : memref<33554432xf32, #tpu.memory_space<hbm>> -> memref<32768xf32, #tpu.memory_space<hbm>>
    tpu.wait_dma2 semaphore(%arg9 : memref<!tpu.dma_semaphore, #tpu.memory_space<semaphore_mem>>) src(%dma_wait3A_350 : memref<32768xf32, #tpu.memory_space<hbm>>) dst(%arg6 : memref<32768xf32, #tpu.memory_space<vmem>>)
    %add3A_351 = arith.constant 24576 : i32
    %add3A_352 = arith.addi %add3A_351, %mul3A_2 : i32
    %add3A_353 = arith.constant 96 : i32
    %add3A_354 = arith.addi %add3A_352, %add3A_353 : i32
    %mul3A_355 = arith.constant 1024 : i32
    %mul3A_356 = arith.muli %add3A_354, %mul3A_355 : i32
    %dma_start3A_357 = tpu.memref_slice %arg4[%mul3A_356] : memref<33554432xf32, #tpu.memory_space<hbm>> -> memref<32768xf32, #tpu.memory_space<hbm>>
    %dma_start3A_358 = tpu.memref_slice %arg4[%mul3A_356] : memref<33554432xf32, #tpu.memory_space<hbm>> -> memref<32768xf32, #tpu.memory_space<hbm>>
    tpu.enqueue_dma source(%arg6 : memref<32768xf32, #tpu.memory_space<vmem>>) target(%dma_start3A_358 : memref<32768xf32, #tpu.memory_space<hbm>>) target_semaphore(%arg11 : memref<!tpu.dma_semaphore, #tpu.memory_space<semaphore_mem>>)
    %add3A_359 = arith.constant 128 : i32
    %add3A_360 = arith.addi %mul3A_2, %add3A_359 : i32
    %mul3A_361 = arith.constant 1024 : i32
    %mul3A_362 = arith.muli %add3A_360, %mul3A_361 : i32
    %dma_start3A_363 = tpu.memref_slice %arg3[%mul3A_362] : memref<8388608xf32, #tpu.memory_space<hbm>> -> memref<32768xf32, #tpu.memory_space<hbm>>
    %dma_start3A_364 = tpu.memref_slice %arg3[%mul3A_362] : memref<8388608xf32, #tpu.memory_space<hbm>> -> memref<32768xf32, #tpu.memory_space<hbm>>
    tpu.enqueue_dma source(%dma_start3A_364 : memref<32768xf32, #tpu.memory_space<hbm>>) target(%arg7 : memref<32768xf32, #tpu.memory_space<vmem>>) target_semaphore(%arg12 : memref<!tpu.dma_semaphore, #tpu.memory_space<semaphore_mem>>)
    %dma_wait3A_365 = tpu.memref_slice %arg4[%mul3A_356] : memref<33554432xf32, #tpu.memory_space<hbm>> -> memref<32768xf32, #tpu.memory_space<hbm>>
    %dma_wait3A_366 = tpu.memref_slice %arg4[%mul3A_356] : memref<33554432xf32, #tpu.memory_space<hbm>> -> memref<32768xf32, #tpu.memory_space<hbm>>
    tpu.wait_dma2 semaphore(%arg11 : memref<!tpu.dma_semaphore, #tpu.memory_space<semaphore_mem>>) src(%arg6 : memref<32768xf32, #tpu.memory_space<vmem>>) dst(%dma_wait3A_366 : memref<32768xf32, #tpu.memory_space<hbm>>)
    %add3A_367 = arith.constant 8192 : i32
    %add3A_368 = arith.addi %add3A_367, %mul3A_2 : i32
    %add3A_369 = arith.constant 128 : i32
    %add3A_370 = arith.addi %add3A_368, %add3A_369 : i32
    %mul3A_371 = arith.constant 1024 : i32
    %mul3A_372 = arith.muli %add3A_370, %mul3A_371 : i32
    %dma_start3A_373 = tpu.memref_slice %arg2[%mul3A_372] : memref<33554432xf32, #tpu.memory_space<hbm>> -> memref<32768xf32, #tpu.memory_space<hbm>>
    %dma_start3A_374 = tpu.memref_slice %arg2[%mul3A_372] : memref<33554432xf32, #tpu.memory_space<hbm>> -> memref<32768xf32, #tpu.memory_space<hbm>>
    tpu.enqueue_dma source(%dma_start3A_374 : memref<32768xf32, #tpu.memory_space<hbm>>) target(%arg6 : memref<32768xf32, #tpu.memory_space<vmem>>) target_semaphore(%arg9 : memref<!tpu.dma_semaphore, #tpu.memory_space<semaphore_mem>>)
    %dma_wait3A_375 = tpu.memref_slice %arg3[%mul3A_362] : memref<8388608xf32, #tpu.memory_space<hbm>> -> memref<32768xf32, #tpu.memory_space<hbm>>
    %dma_wait3A_376 = tpu.memref_slice %arg3[%mul3A_362] : memref<8388608xf32, #tpu.memory_space<hbm>> -> memref<32768xf32, #tpu.memory_space<hbm>>
    tpu.wait_dma2 semaphore(%arg12 : memref<!tpu.dma_semaphore, #tpu.memory_space<semaphore_mem>>) src(%dma_wait3A_376 : memref<32768xf32, #tpu.memory_space<hbm>>) dst(%arg7 : memref<32768xf32, #tpu.memory_space<vmem>>)
    %dma_wait3A_377 = tpu.memref_slice %arg2[%mul3A_346] : memref<33554432xf32, #tpu.memory_space<hbm>> -> memref<32768xf32, #tpu.memory_space<hbm>>
    %dma_wait3A_378 = tpu.memref_slice %arg2[%mul3A_346] : memref<33554432xf32, #tpu.memory_space<hbm>> -> memref<32768xf32, #tpu.memory_space<hbm>>
    tpu.wait_dma2 semaphore(%arg8 : memref<!tpu.dma_semaphore, #tpu.memory_space<semaphore_mem>>) src(%dma_wait3A_378 : memref<32768xf32, #tpu.memory_space<hbm>>) dst(%arg5 : memref<32768xf32, #tpu.memory_space<vmem>>)
    %add3A_379 = arith.constant 0 : i32
    %add3A_380 = arith.addi %add3A_379, %mul3A_2 : i32
    %add3A_381 = arith.constant 128 : i32
    %add3A_382 = arith.addi %add3A_380, %add3A_381 : i32
    %mul3A_383 = arith.constant 1024 : i32
    %mul3A_384 = arith.muli %add3A_382, %mul3A_383 : i32
    %dma_start3A_385 = tpu.memref_slice %arg4[%mul3A_384] : memref<33554432xf32, #tpu.memory_space<hbm>> -> memref<32768xf32, #tpu.memory_space<hbm>>
    %dma_start3A_386 = tpu.memref_slice %arg4[%mul3A_384] : memref<33554432xf32, #tpu.memory_space<hbm>> -> memref<32768xf32, #tpu.memory_space<hbm>>
    tpu.enqueue_dma source(%arg5 : memref<32768xf32, #tpu.memory_space<vmem>>) target(%dma_start3A_386 : memref<32768xf32, #tpu.memory_space<hbm>>) target_semaphore(%arg10 : memref<!tpu.dma_semaphore, #tpu.memory_space<semaphore_mem>>)
    %dma_wait3A_387 = tpu.memref_slice %arg4[%mul3A_384] : memref<33554432xf32, #tpu.memory_space<hbm>> -> memref<32768xf32, #tpu.memory_space<hbm>>
    %dma_wait3A_388 = tpu.memref_slice %arg4[%mul3A_384] : memref<33554432xf32, #tpu.memory_space<hbm>> -> memref<32768xf32, #tpu.memory_space<hbm>>
    tpu.wait_dma2 semaphore(%arg10 : memref<!tpu.dma_semaphore, #tpu.memory_space<semaphore_mem>>) src(%arg5 : memref<32768xf32, #tpu.memory_space<vmem>>) dst(%dma_wait3A_388 : memref<32768xf32, #tpu.memory_space<hbm>>)
    %add3A_389 = arith.constant 16384 : i32
    %add3A_390 = arith.addi %add3A_389, %mul3A_2 : i32
    %add3A_391 = arith.constant 128 : i32
    %add3A_392 = arith.addi %add3A_390, %add3A_391 : i32
    %mul3A_393 = arith.constant 1024 : i32
    %mul3A_394 = arith.muli %add3A_392, %mul3A_393 : i32
    %dma_start3A_395 = tpu.memref_slice %arg2[%mul3A_394] : memref<33554432xf32, #tpu.memory_space<hbm>> -> memref<32768xf32, #tpu.memory_space<hbm>>
    %dma_start3A_396 = tpu.memref_slice %arg2[%mul3A_394] : memref<33554432xf32, #tpu.memory_space<hbm>> -> memref<32768xf32, #tpu.memory_space<hbm>>
    tpu.enqueue_dma source(%dma_start3A_396 : memref<32768xf32, #tpu.memory_space<hbm>>) target(%arg5 : memref<32768xf32, #tpu.memory_space<vmem>>) target_semaphore(%arg8 : memref<!tpu.dma_semaphore, #tpu.memory_space<semaphore_mem>>)
    %dma_wait3A_397 = tpu.memref_slice %arg2[%mul3A_372] : memref<33554432xf32, #tpu.memory_space<hbm>> -> memref<32768xf32, #tpu.memory_space<hbm>>
    %dma_wait3A_398 = tpu.memref_slice %arg2[%mul3A_372] : memref<33554432xf32, #tpu.memory_space<hbm>> -> memref<32768xf32, #tpu.memory_space<hbm>>
    tpu.wait_dma2 semaphore(%arg9 : memref<!tpu.dma_semaphore, #tpu.memory_space<semaphore_mem>>) src(%dma_wait3A_398 : memref<32768xf32, #tpu.memory_space<hbm>>) dst(%arg6 : memref<32768xf32, #tpu.memory_space<vmem>>)
    %add3A_399 = arith.constant 8192 : i32
    %add3A_400 = arith.addi %add3A_399, %mul3A_2 : i32
    %add3A_401 = arith.constant 128 : i32
    %add3A_402 = arith.addi %add3A_400, %add3A_401 : i32
    %mul3A_403 = arith.constant 1024 : i32
    %mul3A_404 = arith.muli %add3A_402, %mul3A_403 : i32
    %dma_start3A_405 = tpu.memref_slice %arg4[%mul3A_404] : memref<33554432xf32, #tpu.memory_space<hbm>> -> memref<32768xf32, #tpu.memory_space<hbm>>
    %dma_start3A_406 = tpu.memref_slice %arg4[%mul3A_404] : memref<33554432xf32, #tpu.memory_space<hbm>> -> memref<32768xf32, #tpu.memory_space<hbm>>
    tpu.enqueue_dma source(%arg6 : memref<32768xf32, #tpu.memory_space<vmem>>) target(%dma_start3A_406 : memref<32768xf32, #tpu.memory_space<hbm>>) target_semaphore(%arg11 : memref<!tpu.dma_semaphore, #tpu.memory_space<semaphore_mem>>)
    %dma_wait3A_407 = tpu.memref_slice %arg4[%mul3A_404] : memref<33554432xf32, #tpu.memory_space<hbm>> -> memref<32768xf32, #tpu.memory_space<hbm>>
    %dma_wait3A_408 = tpu.memref_slice %arg4[%mul3A_404] : memref<33554432xf32, #tpu.memory_space<hbm>> -> memref<32768xf32, #tpu.memory_space<hbm>>
    tpu.wait_dma2 semaphore(%arg11 : memref<!tpu.dma_semaphore, #tpu.memory_space<semaphore_mem>>) src(%arg6 : memref<32768xf32, #tpu.memory_space<vmem>>) dst(%dma_wait3A_408 : memref<32768xf32, #tpu.memory_space<hbm>>)
    %add3A_409 = arith.constant 24576 : i32
    %add3A_410 = arith.addi %add3A_409, %mul3A_2 : i32
    %add3A_411 = arith.constant 128 : i32
    %add3A_412 = arith.addi %add3A_410, %add3A_411 : i32
    %mul3A_413 = arith.constant 1024 : i32
    %mul3A_414 = arith.muli %add3A_412, %mul3A_413 : i32
    %dma_start3A_415 = tpu.memref_slice %arg2[%mul3A_414] : memref<33554432xf32, #tpu.memory_space<hbm>> -> memref<32768xf32, #tpu.memory_space<hbm>>
    %dma_start3A_416 = tpu.memref_slice %arg2[%mul3A_414] : memref<33554432xf32, #tpu.memory_space<hbm>> -> memref<32768xf32, #tpu.memory_space<hbm>>
    tpu.enqueue_dma source(%dma_start3A_416 : memref<32768xf32, #tpu.memory_space<hbm>>) target(%arg6 : memref<32768xf32, #tpu.memory_space<vmem>>) target_semaphore(%arg9 : memref<!tpu.dma_semaphore, #tpu.memory_space<semaphore_mem>>)
    %dma_wait3A_417 = tpu.memref_slice %arg2[%mul3A_394] : memref<33554432xf32, #tpu.memory_space<hbm>> -> memref<32768xf32, #tpu.memory_space<hbm>>
    %dma_wait3A_418 = tpu.memref_slice %arg2[%mul3A_394] : memref<33554432xf32, #tpu.memory_space<hbm>> -> memref<32768xf32, #tpu.memory_space<hbm>>
    tpu.wait_dma2 semaphore(%arg8 : memref<!tpu.dma_semaphore, #tpu.memory_space<semaphore_mem>>) src(%dma_wait3A_418 : memref<32768xf32, #tpu.memory_space<hbm>>) dst(%arg5 : memref<32768xf32, #tpu.memory_space<vmem>>)
    %add3A_419 = arith.constant 16384 : i32
    %add3A_420 = arith.addi %add3A_419, %mul3A_2 : i32
    %add3A_421 = arith.constant 128 : i32
    %add3A_422 = arith.addi %add3A_420, %add3A_421 : i32
    %mul3A_423 = arith.constant 1024 : i32
    %mul3A_424 = arith.muli %add3A_422, %mul3A_423 : i32
    %dma_start3A_425 = tpu.memref_slice %arg4[%mul3A_424] : memref<33554432xf32, #tpu.memory_space<hbm>> -> memref<32768xf32, #tpu.memory_space<hbm>>
    %dma_start3A_426 = tpu.memref_slice %arg4[%mul3A_424] : memref<33554432xf32, #tpu.memory_space<hbm>> -> memref<32768xf32, #tpu.memory_space<hbm>>
    tpu.enqueue_dma source(%arg5 : memref<32768xf32, #tpu.memory_space<vmem>>) target(%dma_start3A_426 : memref<32768xf32, #tpu.memory_space<hbm>>) target_semaphore(%arg10 : memref<!tpu.dma_semaphore, #tpu.memory_space<semaphore_mem>>)
    %dma_wait3A_427 = tpu.memref_slice %arg4[%mul3A_424] : memref<33554432xf32, #tpu.memory_space<hbm>> -> memref<32768xf32, #tpu.memory_space<hbm>>
    %dma_wait3A_428 = tpu.memref_slice %arg4[%mul3A_424] : memref<33554432xf32, #tpu.memory_space<hbm>> -> memref<32768xf32, #tpu.memory_space<hbm>>
    tpu.wait_dma2 semaphore(%arg10 : memref<!tpu.dma_semaphore, #tpu.memory_space<semaphore_mem>>) src(%arg5 : memref<32768xf32, #tpu.memory_space<vmem>>) dst(%dma_wait3A_428 : memref<32768xf32, #tpu.memory_space<hbm>>)
    %add3A_429 = arith.constant 0 : i32
    %add3A_430 = arith.addi %add3A_429, %mul3A_2 : i32
    %add3A_431 = arith.constant 160 : i32
    %add3A_432 = arith.addi %add3A_430, %add3A_431 : i32
    %mul3A_433 = arith.constant 1024 : i32
    %mul3A_434 = arith.muli %add3A_432, %mul3A_433 : i32
    %dma_start3A_435 = tpu.memref_slice %arg2[%mul3A_434] : memref<33554432xf32, #tpu.memory_space<hbm>> -> memref<32768xf32, #tpu.memory_space<hbm>>
    %dma_start3A_436 = tpu.memref_slice %arg2[%mul3A_434] : memref<33554432xf32, #tpu.memory_space<hbm>> -> memref<32768xf32, #tpu.memory_space<hbm>>
    tpu.enqueue_dma source(%dma_start3A_436 : memref<32768xf32, #tpu.memory_space<hbm>>) target(%arg5 : memref<32768xf32, #tpu.memory_space<vmem>>) target_semaphore(%arg8 : memref<!tpu.dma_semaphore, #tpu.memory_space<semaphore_mem>>)
    %dma_wait3A_437 = tpu.memref_slice %arg2[%mul3A_414] : memref<33554432xf32, #tpu.memory_space<hbm>> -> memref<32768xf32, #tpu.memory_space<hbm>>
    %dma_wait3A_438 = tpu.memref_slice %arg2[%mul3A_414] : memref<33554432xf32, #tpu.memory_space<hbm>> -> memref<32768xf32, #tpu.memory_space<hbm>>
    tpu.wait_dma2 semaphore(%arg9 : memref<!tpu.dma_semaphore, #tpu.memory_space<semaphore_mem>>) src(%dma_wait3A_438 : memref<32768xf32, #tpu.memory_space<hbm>>) dst(%arg6 : memref<32768xf32, #tpu.memory_space<vmem>>)
    %add3A_439 = arith.constant 24576 : i32
    %add3A_440 = arith.addi %add3A_439, %mul3A_2 : i32
    %add3A_441 = arith.constant 128 : i32
    %add3A_442 = arith.addi %add3A_440, %add3A_441 : i32
    %mul3A_443 = arith.constant 1024 : i32
    %mul3A_444 = arith.muli %add3A_442, %mul3A_443 : i32
    %dma_start3A_445 = tpu.memref_slice %arg4[%mul3A_444] : memref<33554432xf32, #tpu.memory_space<hbm>> -> memref<32768xf32, #tpu.memory_space<hbm>>
    %dma_start3A_446 = tpu.memref_slice %arg4[%mul3A_444] : memref<33554432xf32, #tpu.memory_space<hbm>> -> memref<32768xf32, #tpu.memory_space<hbm>>
    tpu.enqueue_dma source(%arg6 : memref<32768xf32, #tpu.memory_space<vmem>>) target(%dma_start3A_446 : memref<32768xf32, #tpu.memory_space<hbm>>) target_semaphore(%arg11 : memref<!tpu.dma_semaphore, #tpu.memory_space<semaphore_mem>>)
    %add3A_447 = arith.constant 160 : i32
    %add3A_448 = arith.addi %mul3A_2, %add3A_447 : i32
    %mul3A_449 = arith.constant 1024 : i32
    %mul3A_450 = arith.muli %add3A_448, %mul3A_449 : i32
    %dma_start3A_451 = tpu.memref_slice %arg3[%mul3A_450] : memref<8388608xf32, #tpu.memory_space<hbm>> -> memref<32768xf32, #tpu.memory_space<hbm>>
    %dma_start3A_452 = tpu.memref_slice %arg3[%mul3A_450] : memref<8388608xf32, #tpu.memory_space<hbm>> -> memref<32768xf32, #tpu.memory_space<hbm>>
    tpu.enqueue_dma source(%dma_start3A_452 : memref<32768xf32, #tpu.memory_space<hbm>>) target(%arg7 : memref<32768xf32, #tpu.memory_space<vmem>>) target_semaphore(%arg12 : memref<!tpu.dma_semaphore, #tpu.memory_space<semaphore_mem>>)
    %dma_wait3A_453 = tpu.memref_slice %arg4[%mul3A_444] : memref<33554432xf32, #tpu.memory_space<hbm>> -> memref<32768xf32, #tpu.memory_space<hbm>>
    %dma_wait3A_454 = tpu.memref_slice %arg4[%mul3A_444] : memref<33554432xf32, #tpu.memory_space<hbm>> -> memref<32768xf32, #tpu.memory_space<hbm>>
    tpu.wait_dma2 semaphore(%arg11 : memref<!tpu.dma_semaphore, #tpu.memory_space<semaphore_mem>>) src(%arg6 : memref<32768xf32, #tpu.memory_space<vmem>>) dst(%dma_wait3A_454 : memref<32768xf32, #tpu.memory_space<hbm>>)
    %add3A_455 = arith.constant 8192 : i32
    %add3A_456 = arith.addi %add3A_455, %mul3A_2 : i32
    %add3A_457 = arith.constant 160 : i32
    %add3A_458 = arith.addi %add3A_456, %add3A_457 : i32
    %mul3A_459 = arith.constant 1024 : i32
    %mul3A_460 = arith.muli %add3A_458, %mul3A_459 : i32
    %dma_start3A_461 = tpu.memref_slice %arg2[%mul3A_460] : memref<33554432xf32, #tpu.memory_space<hbm>> -> memref<32768xf32, #tpu.memory_space<hbm>>
    %dma_start3A_462 = tpu.memref_slice %arg2[%mul3A_460] : memref<33554432xf32, #tpu.memory_space<hbm>> -> memref<32768xf32, #tpu.memory_space<hbm>>
    tpu.enqueue_dma source(%dma_start3A_462 : memref<32768xf32, #tpu.memory_space<hbm>>) target(%arg6 : memref<32768xf32, #tpu.memory_space<vmem>>) target_semaphore(%arg9 : memref<!tpu.dma_semaphore, #tpu.memory_space<semaphore_mem>>)
    %dma_wait3A_463 = tpu.memref_slice %arg3[%mul3A_450] : memref<8388608xf32, #tpu.memory_space<hbm>> -> memref<32768xf32, #tpu.memory_space<hbm>>
    %dma_wait3A_464 = tpu.memref_slice %arg3[%mul3A_450] : memref<8388608xf32, #tpu.memory_space<hbm>> -> memref<32768xf32, #tpu.memory_space<hbm>>
    tpu.wait_dma2 semaphore(%arg12 : memref<!tpu.dma_semaphore, #tpu.memory_space<semaphore_mem>>) src(%dma_wait3A_464 : memref<32768xf32, #tpu.memory_space<hbm>>) dst(%arg7 : memref<32768xf32, #tpu.memory_space<vmem>>)
    %dma_wait3A_465 = tpu.memref_slice %arg2[%mul3A_434] : memref<33554432xf32, #tpu.memory_space<hbm>> -> memref<32768xf32, #tpu.memory_space<hbm>>
    %dma_wait3A_466 = tpu.memref_slice %arg2[%mul3A_434] : memref<33554432xf32, #tpu.memory_space<hbm>> -> memref<32768xf32, #tpu.memory_space<hbm>>
    tpu.wait_dma2 semaphore(%arg8 : memref<!tpu.dma_semaphore, #tpu.memory_space<semaphore_mem>>) src(%dma_wait3A_466 : memref<32768xf32, #tpu.memory_space<hbm>>) dst(%arg5 : memref<32768xf32, #tpu.memory_space<vmem>>)
    %add3A_467 = arith.constant 0 : i32
    %add3A_468 = arith.addi %add3A_467, %mul3A_2 : i32
    %add3A_469 = arith.constant 160 : i32
    %add3A_470 = arith.addi %add3A_468, %add3A_469 : i32
    %mul3A_471 = arith.constant 1024 : i32
    %mul3A_472 = arith.muli %add3A_470, %mul3A_471 : i32
    %dma_start3A_473 = tpu.memref_slice %arg4[%mul3A_472] : memref<33554432xf32, #tpu.memory_space<hbm>> -> memref<32768xf32, #tpu.memory_space<hbm>>
    %dma_start3A_474 = tpu.memref_slice %arg4[%mul3A_472] : memref<33554432xf32, #tpu.memory_space<hbm>> -> memref<32768xf32, #tpu.memory_space<hbm>>
    tpu.enqueue_dma source(%arg5 : memref<32768xf32, #tpu.memory_space<vmem>>) target(%dma_start3A_474 : memref<32768xf32, #tpu.memory_space<hbm>>) target_semaphore(%arg10 : memref<!tpu.dma_semaphore, #tpu.memory_space<semaphore_mem>>)
    %dma_wait3A_475 = tpu.memref_slice %arg4[%mul3A_472] : memref<33554432xf32, #tpu.memory_space<hbm>> -> memref<32768xf32, #tpu.memory_space<hbm>>
    %dma_wait3A_476 = tpu.memref_slice %arg4[%mul3A_472] : memref<33554432xf32, #tpu.memory_space<hbm>> -> memref<32768xf32, #tpu.memory_space<hbm>>
    tpu.wait_dma2 semaphore(%arg10 : memref<!tpu.dma_semaphore, #tpu.memory_space<semaphore_mem>>) src(%arg5 : memref<32768xf32, #tpu.memory_space<vmem>>) dst(%dma_wait3A_476 : memref<32768xf32, #tpu.memory_space<hbm>>)
    %add3A_477 = arith.constant 16384 : i32
    %add3A_478 = arith.addi %add3A_477, %mul3A_2 : i32
    %add3A_479 = arith.constant 160 : i32
    %add3A_480 = arith.addi %add3A_478, %add3A_479 : i32
    %mul3A_481 = arith.constant 1024 : i32
    %mul3A_482 = arith.muli %add3A_480, %mul3A_481 : i32
    %dma_start3A_483 = tpu.memref_slice %arg2[%mul3A_482] : memref<33554432xf32, #tpu.memory_space<hbm>> -> memref<32768xf32, #tpu.memory_space<hbm>>
    %dma_start3A_484 = tpu.memref_slice %arg2[%mul3A_482] : memref<33554432xf32, #tpu.memory_space<hbm>> -> memref<32768xf32, #tpu.memory_space<hbm>>
    tpu.enqueue_dma source(%dma_start3A_484 : memref<32768xf32, #tpu.memory_space<hbm>>) target(%arg5 : memref<32768xf32, #tpu.memory_space<vmem>>) target_semaphore(%arg8 : memref<!tpu.dma_semaphore, #tpu.memory_space<semaphore_mem>>)
    %dma_wait3A_485 = tpu.memref_slice %arg2[%mul3A_460] : memref<33554432xf32, #tpu.memory_space<hbm>> -> memref<32768xf32, #tpu.memory_space<hbm>>
    %dma_wait3A_486 = tpu.memref_slice %arg2[%mul3A_460] : memref<33554432xf32, #tpu.memory_space<hbm>> -> memref<32768xf32, #tpu.memory_space<hbm>>
    tpu.wait_dma2 semaphore(%arg9 : memref<!tpu.dma_semaphore, #tpu.memory_space<semaphore_mem>>) src(%dma_wait3A_486 : memref<32768xf32, #tpu.memory_space<hbm>>) dst(%arg6 : memref<32768xf32, #tpu.memory_space<vmem>>)
    %add3A_487 = arith.constant 8192 : i32
    %add3A_488 = arith.addi %add3A_487, %mul3A_2 : i32
    %add3A_489 = arith.constant 160 : i32
    %add3A_490 = arith.addi %add3A_488, %add3A_489 : i32
    %mul3A_491 = arith.constant 1024 : i32
    %mul3A_492 = arith.muli %add3A_490, %mul3A_491 : i32
    %dma_start3A_493 = tpu.memref_slice %arg4[%mul3A_492] : memref<33554432xf32, #tpu.memory_space<hbm>> -> memref<32768xf32, #tpu.memory_space<hbm>>
    %dma_start3A_494 = tpu.memref_slice %arg4[%mul3A_492] : memref<33554432xf32, #tpu.memory_space<hbm>> -> memref<32768xf32, #tpu.memory_space<hbm>>
    tpu.enqueue_dma source(%arg6 : memref<32768xf32, #tpu.memory_space<vmem>>) target(%dma_start3A_494 : memref<32768xf32, #tpu.memory_space<hbm>>) target_semaphore(%arg11 : memref<!tpu.dma_semaphore, #tpu.memory_space<semaphore_mem>>)
    %dma_wait3A_495 = tpu.memref_slice %arg4[%mul3A_492] : memref<33554432xf32, #tpu.memory_space<hbm>> -> memref<32768xf32, #tpu.memory_space<hbm>>
    %dma_wait3A_496 = tpu.memref_slice %arg4[%mul3A_492] : memref<33554432xf32, #tpu.memory_space<hbm>> -> memref<32768xf32, #tpu.memory_space<hbm>>
    tpu.wait_dma2 semaphore(%arg11 : memref<!tpu.dma_semaphore, #tpu.memory_space<semaphore_mem>>) src(%arg6 : memref<32768xf32, #tpu.memory_space<vmem>>) dst(%dma_wait3A_496 : memref<32768xf32, #tpu.memory_space<hbm>>)
    %add3A_497 = arith.constant 24576 : i32
    %add3A_498 = arith.addi %add3A_497, %mul3A_2 : i32
    %add3A_499 = arith.constant 160 : i32
    %add3A_500 = arith.addi %add3A_498, %add3A_499 : i32
    %mul3A_501 = arith.constant 1024 : i32
    %mul3A_502 = arith.muli %add3A_500, %mul3A_501 : i32
    %dma_start3A_503 = tpu.memref_slice %arg2[%mul3A_502] : memref<33554432xf32, #tpu.memory_space<hbm>> -> memref<32768xf32, #tpu.memory_space<hbm>>
    %dma_start3A_504 = tpu.memref_slice %arg2[%mul3A_502] : memref<33554432xf32, #tpu.memory_space<hbm>> -> memref<32768xf32, #tpu.memory_space<hbm>>
    tpu.enqueue_dma source(%dma_start3A_504 : memref<32768xf32, #tpu.memory_space<hbm>>) target(%arg6 : memref<32768xf32, #tpu.memory_space<vmem>>) target_semaphore(%arg9 : memref<!tpu.dma_semaphore, #tpu.memory_space<semaphore_mem>>)
    %dma_wait3A_505 = tpu.memref_slice %arg2[%mul3A_482] : memref<33554432xf32, #tpu.memory_space<hbm>> -> memref<32768xf32, #tpu.memory_space<hbm>>
    %dma_wait3A_506 = tpu.memref_slice %arg2[%mul3A_482] : memref<33554432xf32, #tpu.memory_space<hbm>> -> memref<32768xf32, #tpu.memory_space<hbm>>
    tpu.wait_dma2 semaphore(%arg8 : memref<!tpu.dma_semaphore, #tpu.memory_space<semaphore_mem>>) src(%dma_wait3A_506 : memref<32768xf32, #tpu.memory_space<hbm>>) dst(%arg5 : memref<32768xf32, #tpu.memory_space<vmem>>)
    %add3A_507 = arith.constant 16384 : i32
    %add3A_508 = arith.addi %add3A_507, %mul3A_2 : i32
    %add3A_509 = arith.constant 160 : i32
    %add3A_510 = arith.addi %add3A_508, %add3A_509 : i32
    %mul3A_511 = arith.constant 1024 : i32
    %mul3A_512 = arith.muli %add3A_510, %mul3A_511 : i32
    %dma_start3A_513 = tpu.memref_slice %arg4[%mul3A_512] : memref<33554432xf32, #tpu.memory_space<hbm>> -> memref<32768xf32, #tpu.memory_space<hbm>>
    %dma_start3A_514 = tpu.memref_slice %arg4[%mul3A_512] : memref<33554432xf32, #tpu.memory_space<hbm>> -> memref<32768xf32, #tpu.memory_space<hbm>>
    tpu.enqueue_dma source(%arg5 : memref<32768xf32, #tpu.memory_space<vmem>>) target(%dma_start3A_514 : memref<32768xf32, #tpu.memory_space<hbm>>) target_semaphore(%arg10 : memref<!tpu.dma_semaphore, #tpu.memory_space<semaphore_mem>>)
    %dma_wait3A_515 = tpu.memref_slice %arg4[%mul3A_512] : memref<33554432xf32, #tpu.memory_space<hbm>> -> memref<32768xf32, #tpu.memory_space<hbm>>
    %dma_wait3A_516 = tpu.memref_slice %arg4[%mul3A_512] : memref<33554432xf32, #tpu.memory_space<hbm>> -> memref<32768xf32, #tpu.memory_space<hbm>>
    tpu.wait_dma2 semaphore(%arg10 : memref<!tpu.dma_semaphore, #tpu.memory_space<semaphore_mem>>) src(%arg5 : memref<32768xf32, #tpu.memory_space<vmem>>) dst(%dma_wait3A_516 : memref<32768xf32, #tpu.memory_space<hbm>>)
    %add3A_517 = arith.constant 0 : i32
    %add3A_518 = arith.addi %add3A_517, %mul3A_2 : i32
    %add3A_519 = arith.constant 192 : i32
    %add3A_520 = arith.addi %add3A_518, %add3A_519 : i32
    %mul3A_521 = arith.constant 1024 : i32
    %mul3A_522 = arith.muli %add3A_520, %mul3A_521 : i32
    %dma_start3A_523 = tpu.memref_slice %arg2[%mul3A_522] : memref<33554432xf32, #tpu.memory_space<hbm>> -> memref<32768xf32, #tpu.memory_space<hbm>>
    %dma_start3A_524 = tpu.memref_slice %arg2[%mul3A_522] : memref<33554432xf32, #tpu.memory_space<hbm>> -> memref<32768xf32, #tpu.memory_space<hbm>>
    tpu.enqueue_dma source(%dma_start3A_524 : memref<32768xf32, #tpu.memory_space<hbm>>) target(%arg5 : memref<32768xf32, #tpu.memory_space<vmem>>) target_semaphore(%arg8 : memref<!tpu.dma_semaphore, #tpu.memory_space<semaphore_mem>>)
    %dma_wait3A_525 = tpu.memref_slice %arg2[%mul3A_502] : memref<33554432xf32, #tpu.memory_space<hbm>> -> memref<32768xf32, #tpu.memory_space<hbm>>
    %dma_wait3A_526 = tpu.memref_slice %arg2[%mul3A_502] : memref<33554432xf32, #tpu.memory_space<hbm>> -> memref<32768xf32, #tpu.memory_space<hbm>>
    tpu.wait_dma2 semaphore(%arg9 : memref<!tpu.dma_semaphore, #tpu.memory_space<semaphore_mem>>) src(%dma_wait3A_526 : memref<32768xf32, #tpu.memory_space<hbm>>) dst(%arg6 : memref<32768xf32, #tpu.memory_space<vmem>>)
    %add3A_527 = arith.constant 24576 : i32
    %add3A_528 = arith.addi %add3A_527, %mul3A_2 : i32
    %add3A_529 = arith.constant 160 : i32
    %add3A_530 = arith.addi %add3A_528, %add3A_529 : i32
    %mul3A_531 = arith.constant 1024 : i32
    %mul3A_532 = arith.muli %add3A_530, %mul3A_531 : i32
    %dma_start3A_533 = tpu.memref_slice %arg4[%mul3A_532] : memref<33554432xf32, #tpu.memory_space<hbm>> -> memref<32768xf32, #tpu.memory_space<hbm>>
    %dma_start3A_534 = tpu.memref_slice %arg4[%mul3A_532] : memref<33554432xf32, #tpu.memory_space<hbm>> -> memref<32768xf32, #tpu.memory_space<hbm>>
    tpu.enqueue_dma source(%arg6 : memref<32768xf32, #tpu.memory_space<vmem>>) target(%dma_start3A_534 : memref<32768xf32, #tpu.memory_space<hbm>>) target_semaphore(%arg11 : memref<!tpu.dma_semaphore, #tpu.memory_space<semaphore_mem>>)
    %add3A_535 = arith.constant 192 : i32
    %add3A_536 = arith.addi %mul3A_2, %add3A_535 : i32
    %mul3A_537 = arith.constant 1024 : i32
    %mul3A_538 = arith.muli %add3A_536, %mul3A_537 : i32
    %dma_start3A_539 = tpu.memref_slice %arg3[%mul3A_538] : memref<8388608xf32, #tpu.memory_space<hbm>> -> memref<32768xf32, #tpu.memory_space<hbm>>
    %dma_start3A_540 = tpu.memref_slice %arg3[%mul3A_538] : memref<8388608xf32, #tpu.memory_space<hbm>> -> memref<32768xf32, #tpu.memory_space<hbm>>
    tpu.enqueue_dma source(%dma_start3A_540 : memref<32768xf32, #tpu.memory_space<hbm>>) target(%arg7 : memref<32768xf32, #tpu.memory_space<vmem>>) target_semaphore(%arg12 : memref<!tpu.dma_semaphore, #tpu.memory_space<semaphore_mem>>)
    %dma_wait3A_541 = tpu.memref_slice %arg4[%mul3A_532] : memref<33554432xf32, #tpu.memory_space<hbm>> -> memref<32768xf32, #tpu.memory_space<hbm>>
    %dma_wait3A_542 = tpu.memref_slice %arg4[%mul3A_532] : memref<33554432xf32, #tpu.memory_space<hbm>> -> memref<32768xf32, #tpu.memory_space<hbm>>
    tpu.wait_dma2 semaphore(%arg11 : memref<!tpu.dma_semaphore, #tpu.memory_space<semaphore_mem>>) src(%arg6 : memref<32768xf32, #tpu.memory_space<vmem>>) dst(%dma_wait3A_542 : memref<32768xf32, #tpu.memory_space<hbm>>)
    %add3A_543 = arith.constant 8192 : i32
    %add3A_544 = arith.addi %add3A_543, %mul3A_2 : i32
    %add3A_545 = arith.constant 192 : i32
    %add3A_546 = arith.addi %add3A_544, %add3A_545 : i32
    %mul3A_547 = arith.constant 1024 : i32
    %mul3A_548 = arith.muli %add3A_546, %mul3A_547 : i32
    %dma_start3A_549 = tpu.memref_slice %arg2[%mul3A_548] : memref<33554432xf32, #tpu.memory_space<hbm>> -> memref<32768xf32, #tpu.memory_space<hbm>>
    %dma_start3A_550 = tpu.memref_slice %arg2[%mul3A_548] : memref<33554432xf32, #tpu.memory_space<hbm>> -> memref<32768xf32, #tpu.memory_space<hbm>>
    tpu.enqueue_dma source(%dma_start3A_550 : memref<32768xf32, #tpu.memory_space<hbm>>) target(%arg6 : memref<32768xf32, #tpu.memory_space<vmem>>) target_semaphore(%arg9 : memref<!tpu.dma_semaphore, #tpu.memory_space<semaphore_mem>>)
    %dma_wait3A_551 = tpu.memref_slice %arg3[%mul3A_538] : memref<8388608xf32, #tpu.memory_space<hbm>> -> memref<32768xf32, #tpu.memory_space<hbm>>
    %dma_wait3A_552 = tpu.memref_slice %arg3[%mul3A_538] : memref<8388608xf32, #tpu.memory_space<hbm>> -> memref<32768xf32, #tpu.memory_space<hbm>>
    tpu.wait_dma2 semaphore(%arg12 : memref<!tpu.dma_semaphore, #tpu.memory_space<semaphore_mem>>) src(%dma_wait3A_552 : memref<32768xf32, #tpu.memory_space<hbm>>) dst(%arg7 : memref<32768xf32, #tpu.memory_space<vmem>>)
    %dma_wait3A_553 = tpu.memref_slice %arg2[%mul3A_522] : memref<33554432xf32, #tpu.memory_space<hbm>> -> memref<32768xf32, #tpu.memory_space<hbm>>
    %dma_wait3A_554 = tpu.memref_slice %arg2[%mul3A_522] : memref<33554432xf32, #tpu.memory_space<hbm>> -> memref<32768xf32, #tpu.memory_space<hbm>>
    tpu.wait_dma2 semaphore(%arg8 : memref<!tpu.dma_semaphore, #tpu.memory_space<semaphore_mem>>) src(%dma_wait3A_554 : memref<32768xf32, #tpu.memory_space<hbm>>) dst(%arg5 : memref<32768xf32, #tpu.memory_space<vmem>>)
    %add3A_555 = arith.constant 0 : i32
    %add3A_556 = arith.addi %add3A_555, %mul3A_2 : i32
    %add3A_557 = arith.constant 192 : i32
    %add3A_558 = arith.addi %add3A_556, %add3A_557 : i32
    %mul3A_559 = arith.constant 1024 : i32
    %mul3A_560 = arith.muli %add3A_558, %mul3A_559 : i32
    %dma_start3A_561 = tpu.memref_slice %arg4[%mul3A_560] : memref<33554432xf32, #tpu.memory_space<hbm>> -> memref<32768xf32, #tpu.memory_space<hbm>>
    %dma_start3A_562 = tpu.memref_slice %arg4[%mul3A_560] : memref<33554432xf32, #tpu.memory_space<hbm>> -> memref<32768xf32, #tpu.memory_space<hbm>>
    tpu.enqueue_dma source(%arg5 : memref<32768xf32, #tpu.memory_space<vmem>>) target(%dma_start3A_562 : memref<32768xf32, #tpu.memory_space<hbm>>) target_semaphore(%arg10 : memref<!tpu.dma_semaphore, #tpu.memory_space<semaphore_mem>>)
    %dma_wait3A_563 = tpu.memref_slice %arg4[%mul3A_560] : memref<33554432xf32, #tpu.memory_space<hbm>> -> memref<32768xf32, #tpu.memory_space<hbm>>
    %dma_wait3A_564 = tpu.memref_slice %arg4[%mul3A_560] : memref<33554432xf32, #tpu.memory_space<hbm>> -> memref<32768xf32, #tpu.memory_space<hbm>>
    tpu.wait_dma2 semaphore(%arg10 : memref<!tpu.dma_semaphore, #tpu.memory_space<semaphore_mem>>) src(%arg5 : memref<32768xf32, #tpu.memory_space<vmem>>) dst(%dma_wait3A_564 : memref<32768xf32, #tpu.memory_space<hbm>>)
    %add3A_565 = arith.constant 16384 : i32
    %add3A_566 = arith.addi %add3A_565, %mul3A_2 : i32
    %add3A_567 = arith.constant 192 : i32
    %add3A_568 = arith.addi %add3A_566, %add3A_567 : i32
    %mul3A_569 = arith.constant 1024 : i32
    %mul3A_570 = arith.muli %add3A_568, %mul3A_569 : i32
    %dma_start3A_571 = tpu.memref_slice %arg2[%mul3A_570] : memref<33554432xf32, #tpu.memory_space<hbm>> -> memref<32768xf32, #tpu.memory_space<hbm>>
    %dma_start3A_572 = tpu.memref_slice %arg2[%mul3A_570] : memref<33554432xf32, #tpu.memory_space<hbm>> -> memref<32768xf32, #tpu.memory_space<hbm>>
    tpu.enqueue_dma source(%dma_start3A_572 : memref<32768xf32, #tpu.memory_space<hbm>>) target(%arg5 : memref<32768xf32, #tpu.memory_space<vmem>>) target_semaphore(%arg8 : memref<!tpu.dma_semaphore, #tpu.memory_space<semaphore_mem>>)
    %dma_wait3A_573 = tpu.memref_slice %arg2[%mul3A_548] : memref<33554432xf32, #tpu.memory_space<hbm>> -> memref<32768xf32, #tpu.memory_space<hbm>>
    %dma_wait3A_574 = tpu.memref_slice %arg2[%mul3A_548] : memref<33554432xf32, #tpu.memory_space<hbm>> -> memref<32768xf32, #tpu.memory_space<hbm>>
    tpu.wait_dma2 semaphore(%arg9 : memref<!tpu.dma_semaphore, #tpu.memory_space<semaphore_mem>>) src(%dma_wait3A_574 : memref<32768xf32, #tpu.memory_space<hbm>>) dst(%arg6 : memref<32768xf32, #tpu.memory_space<vmem>>)
    %add3A_575 = arith.constant 8192 : i32
    %add3A_576 = arith.addi %add3A_575, %mul3A_2 : i32
    %add3A_577 = arith.constant 192 : i32
    %add3A_578 = arith.addi %add3A_576, %add3A_577 : i32
    %mul3A_579 = arith.constant 1024 : i32
    %mul3A_580 = arith.muli %add3A_578, %mul3A_579 : i32
    %dma_start3A_581 = tpu.memref_slice %arg4[%mul3A_580] : memref<33554432xf32, #tpu.memory_space<hbm>> -> memref<32768xf32, #tpu.memory_space<hbm>>
    %dma_start3A_582 = tpu.memref_slice %arg4[%mul3A_580] : memref<33554432xf32, #tpu.memory_space<hbm>> -> memref<32768xf32, #tpu.memory_space<hbm>>
    tpu.enqueue_dma source(%arg6 : memref<32768xf32, #tpu.memory_space<vmem>>) target(%dma_start3A_582 : memref<32768xf32, #tpu.memory_space<hbm>>) target_semaphore(%arg11 : memref<!tpu.dma_semaphore, #tpu.memory_space<semaphore_mem>>)
    %dma_wait3A_583 = tpu.memref_slice %arg4[%mul3A_580] : memref<33554432xf32, #tpu.memory_space<hbm>> -> memref<32768xf32, #tpu.memory_space<hbm>>
    %dma_wait3A_584 = tpu.memref_slice %arg4[%mul3A_580] : memref<33554432xf32, #tpu.memory_space<hbm>> -> memref<32768xf32, #tpu.memory_space<hbm>>
    tpu.wait_dma2 semaphore(%arg11 : memref<!tpu.dma_semaphore, #tpu.memory_space<semaphore_mem>>) src(%arg6 : memref<32768xf32, #tpu.memory_space<vmem>>) dst(%dma_wait3A_584 : memref<32768xf32, #tpu.memory_space<hbm>>)
    %add3A_585 = arith.constant 24576 : i32
    %add3A_586 = arith.addi %add3A_585, %mul3A_2 : i32
    %add3A_587 = arith.constant 192 : i32
    %add3A_588 = arith.addi %add3A_586, %add3A_587 : i32
    %mul3A_589 = arith.constant 1024 : i32
    %mul3A_590 = arith.muli %add3A_588, %mul3A_589 : i32
    %dma_start3A_591 = tpu.memref_slice %arg2[%mul3A_590] : memref<33554432xf32, #tpu.memory_space<hbm>> -> memref<32768xf32, #tpu.memory_space<hbm>>
    %dma_start3A_592 = tpu.memref_slice %arg2[%mul3A_590] : memref<33554432xf32, #tpu.memory_space<hbm>> -> memref<32768xf32, #tpu.memory_space<hbm>>
    tpu.enqueue_dma source(%dma_start3A_592 : memref<32768xf32, #tpu.memory_space<hbm>>) target(%arg6 : memref<32768xf32, #tpu.memory_space<vmem>>) target_semaphore(%arg9 : memref<!tpu.dma_semaphore, #tpu.memory_space<semaphore_mem>>)
    %dma_wait3A_593 = tpu.memref_slice %arg2[%mul3A_570] : memref<33554432xf32, #tpu.memory_space<hbm>> -> memref<32768xf32, #tpu.memory_space<hbm>>
    %dma_wait3A_594 = tpu.memref_slice %arg2[%mul3A_570] : memref<33554432xf32, #tpu.memory_space<hbm>> -> memref<32768xf32, #tpu.memory_space<hbm>>
    tpu.wait_dma2 semaphore(%arg8 : memref<!tpu.dma_semaphore, #tpu.memory_space<semaphore_mem>>) src(%dma_wait3A_594 : memref<32768xf32, #tpu.memory_space<hbm>>) dst(%arg5 : memref<32768xf32, #tpu.memory_space<vmem>>)
    %add3A_595 = arith.constant 16384 : i32
    %add3A_596 = arith.addi %add3A_595, %mul3A_2 : i32
    %add3A_597 = arith.constant 192 : i32
    %add3A_598 = arith.addi %add3A_596, %add3A_597 : i32
    %mul3A_599 = arith.constant 1024 : i32
    %mul3A_600 = arith.muli %add3A_598, %mul3A_599 : i32
    %dma_start3A_601 = tpu.memref_slice %arg4[%mul3A_600] : memref<33554432xf32, #tpu.memory_space<hbm>> -> memref<32768xf32, #tpu.memory_space<hbm>>
    %dma_start3A_602 = tpu.memref_slice %arg4[%mul3A_600] : memref<33554432xf32, #tpu.memory_space<hbm>> -> memref<32768xf32, #tpu.memory_space<hbm>>
    tpu.enqueue_dma source(%arg5 : memref<32768xf32, #tpu.memory_space<vmem>>) target(%dma_start3A_602 : memref<32768xf32, #tpu.memory_space<hbm>>) target_semaphore(%arg10 : memref<!tpu.dma_semaphore, #tpu.memory_space<semaphore_mem>>)
    %dma_wait3A_603 = tpu.memref_slice %arg4[%mul3A_600] : memref<33554432xf32, #tpu.memory_space<hbm>> -> memref<32768xf32, #tpu.memory_space<hbm>>
    %dma_wait3A_604 = tpu.memref_slice %arg4[%mul3A_600] : memref<33554432xf32, #tpu.memory_space<hbm>> -> memref<32768xf32, #tpu.memory_space<hbm>>
    tpu.wait_dma2 semaphore(%arg10 : memref<!tpu.dma_semaphore, #tpu.memory_space<semaphore_mem>>) src(%arg5 : memref<32768xf32, #tpu.memory_space<vmem>>) dst(%dma_wait3A_604 : memref<32768xf32, #tpu.memory_space<hbm>>)
    %add3A_605 = arith.constant 0 : i32
    %add3A_606 = arith.addi %add3A_605, %mul3A_2 : i32
    %add3A_607 = arith.constant 224 : i32
    %add3A_608 = arith.addi %add3A_606, %add3A_607 : i32
    %mul3A_609 = arith.constant 1024 : i32
    %mul3A_610 = arith.muli %add3A_608, %mul3A_609 : i32
    %dma_start3A_611 = tpu.memref_slice %arg2[%mul3A_610] : memref<33554432xf32, #tpu.memory_space<hbm>> -> memref<32768xf32, #tpu.memory_space<hbm>>
    %dma_start3A_612 = tpu.memref_slice %arg2[%mul3A_610] : memref<33554432xf32, #tpu.memory_space<hbm>> -> memref<32768xf32, #tpu.memory_space<hbm>>
    tpu.enqueue_dma source(%dma_start3A_612 : memref<32768xf32, #tpu.memory_space<hbm>>) target(%arg5 : memref<32768xf32, #tpu.memory_space<vmem>>) target_semaphore(%arg8 : memref<!tpu.dma_semaphore, #tpu.memory_space<semaphore_mem>>)
    %dma_wait3A_613 = tpu.memref_slice %arg2[%mul3A_590] : memref<33554432xf32, #tpu.memory_space<hbm>> -> memref<32768xf32, #tpu.memory_space<hbm>>
    %dma_wait3A_614 = tpu.memref_slice %arg2[%mul3A_590] : memref<33554432xf32, #tpu.memory_space<hbm>> -> memref<32768xf32, #tpu.memory_space<hbm>>
    tpu.wait_dma2 semaphore(%arg9 : memref<!tpu.dma_semaphore, #tpu.memory_space<semaphore_mem>>) src(%dma_wait3A_614 : memref<32768xf32, #tpu.memory_space<hbm>>) dst(%arg6 : memref<32768xf32, #tpu.memory_space<vmem>>)
    %add3A_615 = arith.constant 24576 : i32
    %add3A_616 = arith.addi %add3A_615, %mul3A_2 : i32
    %add3A_617 = arith.constant 192 : i32
    %add3A_618 = arith.addi %add3A_616, %add3A_617 : i32
    %mul3A_619 = arith.constant 1024 : i32
    %mul3A_620 = arith.muli %add3A_618, %mul3A_619 : i32
    %dma_start3A_621 = tpu.memref_slice %arg4[%mul3A_620] : memref<33554432xf32, #tpu.memory_space<hbm>> -> memref<32768xf32, #tpu.memory_space<hbm>>
    %dma_start3A_622 = tpu.memref_slice %arg4[%mul3A_620] : memref<33554432xf32, #tpu.memory_space<hbm>> -> memref<32768xf32, #tpu.memory_space<hbm>>
    tpu.enqueue_dma source(%arg6 : memref<32768xf32, #tpu.memory_space<vmem>>) target(%dma_start3A_622 : memref<32768xf32, #tpu.memory_space<hbm>>) target_semaphore(%arg11 : memref<!tpu.dma_semaphore, #tpu.memory_space<semaphore_mem>>)
    %add3A_623 = arith.constant 224 : i32
    %add3A_624 = arith.addi %mul3A_2, %add3A_623 : i32
    %mul3A_625 = arith.constant 1024 : i32
    %mul3A_626 = arith.muli %add3A_624, %mul3A_625 : i32
    %dma_start3A_627 = tpu.memref_slice %arg3[%mul3A_626] : memref<8388608xf32, #tpu.memory_space<hbm>> -> memref<32768xf32, #tpu.memory_space<hbm>>
    %dma_start3A_628 = tpu.memref_slice %arg3[%mul3A_626] : memref<8388608xf32, #tpu.memory_space<hbm>> -> memref<32768xf32, #tpu.memory_space<hbm>>
    tpu.enqueue_dma source(%dma_start3A_628 : memref<32768xf32, #tpu.memory_space<hbm>>) target(%arg7 : memref<32768xf32, #tpu.memory_space<vmem>>) target_semaphore(%arg12 : memref<!tpu.dma_semaphore, #tpu.memory_space<semaphore_mem>>)
    %dma_wait3A_629 = tpu.memref_slice %arg4[%mul3A_620] : memref<33554432xf32, #tpu.memory_space<hbm>> -> memref<32768xf32, #tpu.memory_space<hbm>>
    %dma_wait3A_630 = tpu.memref_slice %arg4[%mul3A_620] : memref<33554432xf32, #tpu.memory_space<hbm>> -> memref<32768xf32, #tpu.memory_space<hbm>>
    tpu.wait_dma2 semaphore(%arg11 : memref<!tpu.dma_semaphore, #tpu.memory_space<semaphore_mem>>) src(%arg6 : memref<32768xf32, #tpu.memory_space<vmem>>) dst(%dma_wait3A_630 : memref<32768xf32, #tpu.memory_space<hbm>>)
    %add3A_631 = arith.constant 8192 : i32
    %add3A_632 = arith.addi %add3A_631, %mul3A_2 : i32
    %add3A_633 = arith.constant 224 : i32
    %add3A_634 = arith.addi %add3A_632, %add3A_633 : i32
    %mul3A_635 = arith.constant 1024 : i32
    %mul3A_636 = arith.muli %add3A_634, %mul3A_635 : i32
    %dma_start3A_637 = tpu.memref_slice %arg2[%mul3A_636] : memref<33554432xf32, #tpu.memory_space<hbm>> -> memref<32768xf32, #tpu.memory_space<hbm>>
    %dma_start3A_638 = tpu.memref_slice %arg2[%mul3A_636] : memref<33554432xf32, #tpu.memory_space<hbm>> -> memref<32768xf32, #tpu.memory_space<hbm>>
    tpu.enqueue_dma source(%dma_start3A_638 : memref<32768xf32, #tpu.memory_space<hbm>>) target(%arg6 : memref<32768xf32, #tpu.memory_space<vmem>>) target_semaphore(%arg9 : memref<!tpu.dma_semaphore, #tpu.memory_space<semaphore_mem>>)
    %dma_wait3A_639 = tpu.memref_slice %arg3[%mul3A_626] : memref<8388608xf32, #tpu.memory_space<hbm>> -> memref<32768xf32, #tpu.memory_space<hbm>>
    %dma_wait3A_640 = tpu.memref_slice %arg3[%mul3A_626] : memref<8388608xf32, #tpu.memory_space<hbm>> -> memref<32768xf32, #tpu.memory_space<hbm>>
    tpu.wait_dma2 semaphore(%arg12 : memref<!tpu.dma_semaphore, #tpu.memory_space<semaphore_mem>>) src(%dma_wait3A_640 : memref<32768xf32, #tpu.memory_space<hbm>>) dst(%arg7 : memref<32768xf32, #tpu.memory_space<vmem>>)
    %dma_wait3A_641 = tpu.memref_slice %arg2[%mul3A_610] : memref<33554432xf32, #tpu.memory_space<hbm>> -> memref<32768xf32, #tpu.memory_space<hbm>>
    %dma_wait3A_642 = tpu.memref_slice %arg2[%mul3A_610] : memref<33554432xf32, #tpu.memory_space<hbm>> -> memref<32768xf32, #tpu.memory_space<hbm>>
    tpu.wait_dma2 semaphore(%arg8 : memref<!tpu.dma_semaphore, #tpu.memory_space<semaphore_mem>>) src(%dma_wait3A_642 : memref<32768xf32, #tpu.memory_space<hbm>>) dst(%arg5 : memref<32768xf32, #tpu.memory_space<vmem>>)
    %add3A_643 = arith.constant 0 : i32
    %add3A_644 = arith.addi %add3A_643, %mul3A_2 : i32
    %add3A_645 = arith.constant 224 : i32
    %add3A_646 = arith.addi %add3A_644, %add3A_645 : i32
    %mul3A_647 = arith.constant 1024 : i32
    %mul3A_648 = arith.muli %add3A_646, %mul3A_647 : i32
    %dma_start3A_649 = tpu.memref_slice %arg4[%mul3A_648] : memref<33554432xf32, #tpu.memory_space<hbm>> -> memref<32768xf32, #tpu.memory_space<hbm>>
    %dma_start3A_650 = tpu.memref_slice %arg4[%mul3A_648] : memref<33554432xf32, #tpu.memory_space<hbm>> -> memref<32768xf32, #tpu.memory_space<hbm>>
    tpu.enqueue_dma source(%arg5 : memref<32768xf32, #tpu.memory_space<vmem>>) target(%dma_start3A_650 : memref<32768xf32, #tpu.memory_space<hbm>>) target_semaphore(%arg10 : memref<!tpu.dma_semaphore, #tpu.memory_space<semaphore_mem>>)
    %dma_wait3A_651 = tpu.memref_slice %arg4[%mul3A_648] : memref<33554432xf32, #tpu.memory_space<hbm>> -> memref<32768xf32, #tpu.memory_space<hbm>>
    %dma_wait3A_652 = tpu.memref_slice %arg4[%mul3A_648] : memref<33554432xf32, #tpu.memory_space<hbm>> -> memref<32768xf32, #tpu.memory_space<hbm>>
    tpu.wait_dma2 semaphore(%arg10 : memref<!tpu.dma_semaphore, #tpu.memory_space<semaphore_mem>>) src(%arg5 : memref<32768xf32, #tpu.memory_space<vmem>>) dst(%dma_wait3A_652 : memref<32768xf32, #tpu.memory_space<hbm>>)
    %add3A_653 = arith.constant 16384 : i32
    %add3A_654 = arith.addi %add3A_653, %mul3A_2 : i32
    %add3A_655 = arith.constant 224 : i32
    %add3A_656 = arith.addi %add3A_654, %add3A_655 : i32
    %mul3A_657 = arith.constant 1024 : i32
    %mul3A_658 = arith.muli %add3A_656, %mul3A_657 : i32
    %dma_start3A_659 = tpu.memref_slice %arg2[%mul3A_658] : memref<33554432xf32, #tpu.memory_space<hbm>> -> memref<32768xf32, #tpu.memory_space<hbm>>
    %dma_start3A_660 = tpu.memref_slice %arg2[%mul3A_658] : memref<33554432xf32, #tpu.memory_space<hbm>> -> memref<32768xf32, #tpu.memory_space<hbm>>
    tpu.enqueue_dma source(%dma_start3A_660 : memref<32768xf32, #tpu.memory_space<hbm>>) target(%arg5 : memref<32768xf32, #tpu.memory_space<vmem>>) target_semaphore(%arg8 : memref<!tpu.dma_semaphore, #tpu.memory_space<semaphore_mem>>)
    %dma_wait3A_661 = tpu.memref_slice %arg2[%mul3A_636] : memref<33554432xf32, #tpu.memory_space<hbm>> -> memref<32768xf32, #tpu.memory_space<hbm>>
    %dma_wait3A_662 = tpu.memref_slice %arg2[%mul3A_636] : memref<33554432xf32, #tpu.memory_space<hbm>> -> memref<32768xf32, #tpu.memory_space<hbm>>
    tpu.wait_dma2 semaphore(%arg9 : memref<!tpu.dma_semaphore, #tpu.memory_space<semaphore_mem>>) src(%dma_wait3A_662 : memref<32768xf32, #tpu.memory_space<hbm>>) dst(%arg6 : memref<32768xf32, #tpu.memory_space<vmem>>)
    %add3A_663 = arith.constant 8192 : i32
    %add3A_664 = arith.addi %add3A_663, %mul3A_2 : i32
    %add3A_665 = arith.constant 224 : i32
    %add3A_666 = arith.addi %add3A_664, %add3A_665 : i32
    %mul3A_667 = arith.constant 1024 : i32
    %mul3A_668 = arith.muli %add3A_666, %mul3A_667 : i32
    %dma_start3A_669 = tpu.memref_slice %arg4[%mul3A_668] : memref<33554432xf32, #tpu.memory_space<hbm>> -> memref<32768xf32, #tpu.memory_space<hbm>>
    %dma_start3A_670 = tpu.memref_slice %arg4[%mul3A_668] : memref<33554432xf32, #tpu.memory_space<hbm>> -> memref<32768xf32, #tpu.memory_space<hbm>>
    tpu.enqueue_dma source(%arg6 : memref<32768xf32, #tpu.memory_space<vmem>>) target(%dma_start3A_670 : memref<32768xf32, #tpu.memory_space<hbm>>) target_semaphore(%arg11 : memref<!tpu.dma_semaphore, #tpu.memory_space<semaphore_mem>>)
    %dma_wait3A_671 = tpu.memref_slice %arg4[%mul3A_668] : memref<33554432xf32, #tpu.memory_space<hbm>> -> memref<32768xf32, #tpu.memory_space<hbm>>
    %dma_wait3A_672 = tpu.memref_slice %arg4[%mul3A_668] : memref<33554432xf32, #tpu.memory_space<hbm>> -> memref<32768xf32, #tpu.memory_space<hbm>>
    tpu.wait_dma2 semaphore(%arg11 : memref<!tpu.dma_semaphore, #tpu.memory_space<semaphore_mem>>) src(%arg6 : memref<32768xf32, #tpu.memory_space<vmem>>) dst(%dma_wait3A_672 : memref<32768xf32, #tpu.memory_space<hbm>>)
    %add3A_673 = arith.constant 24576 : i32
    %add3A_674 = arith.addi %add3A_673, %mul3A_2 : i32
    %add3A_675 = arith.constant 224 : i32
    %add3A_676 = arith.addi %add3A_674, %add3A_675 : i32
    %mul3A_677 = arith.constant 1024 : i32
    %mul3A_678 = arith.muli %add3A_676, %mul3A_677 : i32
    %dma_start3A_679 = tpu.memref_slice %arg2[%mul3A_678] : memref<33554432xf32, #tpu.memory_space<hbm>> -> memref<32768xf32, #tpu.memory_space<hbm>>
    %dma_start3A_680 = tpu.memref_slice %arg2[%mul3A_678] : memref<33554432xf32, #tpu.memory_space<hbm>> -> memref<32768xf32, #tpu.memory_space<hbm>>
    tpu.enqueue_dma source(%dma_start3A_680 : memref<32768xf32, #tpu.memory_space<hbm>>) target(%arg6 : memref<32768xf32, #tpu.memory_space<vmem>>) target_semaphore(%arg9 : memref<!tpu.dma_semaphore, #tpu.memory_space<semaphore_mem>>)
    %dma_wait3A_681 = tpu.memref_slice %arg2[%mul3A_658] : memref<33554432xf32, #tpu.memory_space<hbm>> -> memref<32768xf32, #tpu.memory_space<hbm>>
    %dma_wait3A_682 = tpu.memref_slice %arg2[%mul3A_658] : memref<33554432xf32, #tpu.memory_space<hbm>> -> memref<32768xf32, #tpu.memory_space<hbm>>
    tpu.wait_dma2 semaphore(%arg8 : memref<!tpu.dma_semaphore, #tpu.memory_space<semaphore_mem>>) src(%dma_wait3A_682 : memref<32768xf32, #tpu.memory_space<hbm>>) dst(%arg5 : memref<32768xf32, #tpu.memory_space<vmem>>)
    %add3A_683 = arith.constant 16384 : i32
    %add3A_684 = arith.addi %add3A_683, %mul3A_2 : i32
    %add3A_685 = arith.constant 224 : i32
    %add3A_686 = arith.addi %add3A_684, %add3A_685 : i32
    %mul3A_687 = arith.constant 1024 : i32
    %mul3A_688 = arith.muli %add3A_686, %mul3A_687 : i32
    %dma_start3A_689 = tpu.memref_slice %arg4[%mul3A_688] : memref<33554432xf32, #tpu.memory_space<hbm>> -> memref<32768xf32, #tpu.memory_space<hbm>>
    %dma_start3A_690 = tpu.memref_slice %arg4[%mul3A_688] : memref<33554432xf32, #tpu.memory_space<hbm>> -> memref<32768xf32, #tpu.memory_space<hbm>>
    tpu.enqueue_dma source(%arg5 : memref<32768xf32, #tpu.memory_space<vmem>>) target(%dma_start3A_690 : memref<32768xf32, #tpu.memory_space<hbm>>) target_semaphore(%arg10 : memref<!tpu.dma_semaphore, #tpu.memory_space<semaphore_mem>>)
    %dma_wait3A_691 = tpu.memref_slice %arg2[%mul3A_678] : memref<33554432xf32, #tpu.memory_space<hbm>> -> memref<32768xf32, #tpu.memory_space<hbm>>
    %dma_wait3A_692 = tpu.memref_slice %arg2[%mul3A_678] : memref<33554432xf32, #tpu.memory_space<hbm>> -> memref<32768xf32, #tpu.memory_space<hbm>>
    tpu.wait_dma2 semaphore(%arg9 : memref<!tpu.dma_semaphore, #tpu.memory_space<semaphore_mem>>) src(%dma_wait3A_692 : memref<32768xf32, #tpu.memory_space<hbm>>) dst(%arg6 : memref<32768xf32, #tpu.memory_space<vmem>>)
    %add3A_693 = arith.constant 24576 : i32
    %add3A_694 = arith.addi %add3A_693, %mul3A_2 : i32
    %add3A_695 = arith.constant 224 : i32
    %add3A_696 = arith.addi %add3A_694, %add3A_695 : i32
    %mul3A_697 = arith.constant 1024 : i32
    %mul3A_698 = arith.muli %add3A_696, %mul3A_697 : i32
    %dma_start3A_699 = tpu.memref_slice %arg4[%mul3A_698] : memref<33554432xf32, #tpu.memory_space<hbm>> -> memref<32768xf32, #tpu.memory_space<hbm>>
    %dma_start3A_700 = tpu.memref_slice %arg4[%mul3A_698] : memref<33554432xf32, #tpu.memory_space<hbm>> -> memref<32768xf32, #tpu.memory_space<hbm>>
    tpu.enqueue_dma source(%arg6 : memref<32768xf32, #tpu.memory_space<vmem>>) target(%dma_start3A_700 : memref<32768xf32, #tpu.memory_space<hbm>>) target_semaphore(%arg11 : memref<!tpu.dma_semaphore, #tpu.memory_space<semaphore_mem>>)
    %dma_wait3A_701 = tpu.memref_slice %arg4[%mul3A_688] : memref<33554432xf32, #tpu.memory_space<hbm>> -> memref<32768xf32, #tpu.memory_space<hbm>>
    %dma_wait3A_702 = tpu.memref_slice %arg4[%mul3A_688] : memref<33554432xf32, #tpu.memory_space<hbm>> -> memref<32768xf32, #tpu.memory_space<hbm>>
    tpu.wait_dma2 semaphore(%arg10 : memref<!tpu.dma_semaphore, #tpu.memory_space<semaphore_mem>>) src(%arg5 : memref<32768xf32, #tpu.memory_space<vmem>>) dst(%dma_wait3A_702 : memref<32768xf32, #tpu.memory_space<hbm>>)
    %dma_wait3A_703 = tpu.memref_slice %arg4[%mul3A_698] : memref<33554432xf32, #tpu.memory_space<hbm>> -> memref<32768xf32, #tpu.memory_space<hbm>>
    %dma_wait3A_704 = tpu.memref_slice %arg4[%mul3A_698] : memref<33554432xf32, #tpu.memory_space<hbm>> -> memref<32768xf32, #tpu.memory_space<hbm>>
    tpu.wait_dma2 semaphore(%arg11 : memref<!tpu.dma_semaphore, #tpu.memory_space<semaphore_mem>>) src(%arg6 : memref<32768xf32, #tpu.memory_space<vmem>>) dst(%dma_wait3A_704 : memref<32768xf32, #tpu.memory_space<hbm>>)
    return
  }
}

</mosaic_0001>

<sc_bundles>
// kernel: kernel.3.cloned.1.call-start
scs
__scs_entry_jumppad:
0x0: {  	(pc) =	sbr.rel $0x88, $3  }
0x1: {  	(tag) =	ssettag $0x0;
	lr =	simm.s32 $0x1  }
0x2: {  	[smem:$0x3F9F] =	sst lr;
	_ =	strace $0xD0000000  }
0x3: {  	_ = 	snop  }
0x4: {  	_ = 	snop  }
0x5: {  	_ = 	snop  }
0x6: {  	_ = 	snop  }
0x7: {  	_ = 	snop  }
__scs_overlays_trampoline_lowered:
0x8: {  	[smem:$0x3FAE] =	sst s0  }
0x9: {  	[smem:$0x3FAF] =	sst s1  }
0xa: {  	[smem:$0x3FB0] =	sst s2  }
0xb: {  	[smem:$0x3FB1] =	sst s3  }
0xc: {  	[smem:$0x3FB2] =	sst s4  }
0xd: {  	[smem:$0x3FB3] =	sst s5  }
0xe: {  	[smem:$0x3FB4] =	sst s6  }
0xf: {  	[smem:$0x3FB5] =	sst s7  }
0x10: {  	[smem:$0x3FB6] =	sst s8  }
0x11: {  	[smem:$0x3FB7] =	sst s9;
	s0 =	simm.s32 @!p0 $0x0  }
0x12: {  	s1 =	sld [smem:$0x3F9D];
	s0 =	simm.s32 @p0 $0x1  }
0x13: {  	[smem:$0x3FB8] =	sst s0;
	s0 =	simm.s32 @!p1 $0x0  }
0x14: {  	s2 =	sld [smem:$0x3F9C];
	s0 =	simm.s32 @p1 $0x1  }
0x15: {  	[smem:$0x3FB9] =	sst s0;
	s0 =	simm.s32 @!p2 $0x0  }
0x16: {  	s3 =	sld [smem:$0x3FDB];
	s0 =	simm.s32 @p2 $0x1  }
0x17: {  	s4 =	simm.s32 $0x1BF5;
	[smem:$0x3FBB] =	sst s0  }
0x18: {  	s0 =	sld [smem:$0x3F9E];
	_ =	swait.ge [sflag:s4], $0x0  }
0x19: {  	s7 =	sld [smem:$0x3F9F]  }
0x1a: {  	s8 =	sadd.s32 $0xFFFFE003, lr  }
0x1b: {  	s9 =	sadd.s32 $0xFFFFFEF7, lr;
	s5 =	simm.s32 $0xFFFFFFFF;
	p2 =	slt.u32 s8, $0xFFFFF086  }
0x1c: {  	p1 =	slt.u32 s9, $0xF7A;
	s5 =	simm.s32 @!p2 $0x0  }
0x1d: {  	s5 =	simm.s32 @p1 $0x1;
	p0 =	seq.s32 s7, s2  }
0x1e: {  	s7 =	smul.u32 @!p0 $0xF7A, s2;
	p2 =	seq.s32 @!p0 s5, $0x0  }
0x1f: {  	s9 =	smul.u32 $0xF7A, s1;
	s8 =	simm.s32 @!p0 $0x1BF5;
	p2 =	por !p2, p0  }
0x20: {  	[sflag:s8] =	ssyncset.s32 @!p0 $0xFFFFF086;
	s6 =	sadd.s32 @!p0 s3, s7;
	s7 =	simm.s32 @!p0 $0x108  }
0x21: {  	s3 =	sadd.s32 s3, s9;
	s6 =	sadd.s32 @!p0 $0x88, s6;
	s7 =	simm.s32 @p2 $0x1082  }
0x22: {  	[simem:s7], [sflag:s8] =	dma.local @!p0 [hbm:s6], $0xF7A  }
0x23: {  	s9 =	sor.u32 $0xD0000000, s2;
	s6 =	simm.s32 $0x108;
	_ =	swait.ge @!p0 [sflag:s8], $0x0  }
0x24: {  	s3 =	sadd.s32 $0x88, s3;
	s6 =	simm.s32 @!p1 $0x1082;
	[sflag:s4] =	ssyncset.s32 $0xFFFFF086  }
0x25: {  	[simem:s6], [sflag:s4] =	dma.local [hbm:s3], $0xF7A  }
0x26: {  	[smem:$0x3F9F] =	sst s1;
	(tag) =	ssettag s2;
	_ =	strace s9  }
0x27: {  	s1 =	sld [smem:$0x3FAF]  }
0x28: {  	s2 =	sld [smem:$0x3FB0]  }
0x29: {  	s4 =	sld [smem:$0x3FB2]  }
0x2a: {  	p0 =	seq.s32 s5, $0x0;
	s5 =	sld [smem:$0x3FB3]  }
0x2b: {  	s6 =	sld [smem:$0x3FB4]  }
0x2c: {  	s7 =	sld [smem:$0x3FB5]  }
0x2d: {  	s3 =	simm.s32 $0x108;
	s8 =	sld [smem:$0x3FB6]  }
0x2e: {  	s3 =	simm.s32 @!p0 $0x1082;
	s9 =	sld [smem:$0x3FB7]  }
0x2f: {  	lr =	sadd.s32 s0, s3;
	s0 =	sld [smem:$0x3FAE]  }
0x30: {  	s3 =	sld [smem:$0x3FB1]  }
0x31: {  	[smem:$0x3FBA] =	sst s10  }
0x32: {  	s10 =	sld [smem:$0x3FB8];
	_ =	sdelay $0x3  }
0x33: {  	p0 =	seq.s32 s10, $0x1;
	s10 =	sld [smem:$0x3FBA];
	_ =	sdelay $0x3  }
0x34: {  	[smem:$0x3FBA] =	sst s10  }
0x35: {  	s10 =	sld [smem:$0x3FB9];
	_ =	sdelay $0x3  }
0x36: {  	p1 =	seq.s32 s10, $0x1;
	s10 =	sld [smem:$0x3FBA];
	_ =	sdelay $0x3  }
0x37: {  	[smem:$0x3FBA] =	sst s10  }
0x38: {  	s10 =	sld [smem:$0x3FBB]  }
0x39: {  	_ = 	snop;
	(pc) =	sbr.ind lr, $3  }
0x3a: {  	_ = 	snop  }
0x3b: {  	_ = 	snop  }
0x3c: {  	p2 =	seq.s32 s10, $0x1;
	s10 =	sld [smem:$0x3FBA]  }
0x3d: {  	_ =	shalt  }
0x3e: {  	_ =	shalt  }
0x3f: {  	_ =	shalt  }
0x40: {  	_ =	shalt  }
0x41: {  	_ =	shalt  }
0x42: {  	_ =	shalt  }
0x43: {  	_ =	shalt  }
0x44: {  	_ =	shalt  }
0x45: {  	_ =	shalt  }
0x46: {  	_ =	shalt  }
0x47: {  	_ =	shalt  }
0x48: {  	_ =	shalt  }
0x49: {  	_ =	shalt  }
0x4a: {  	_ =	shalt  }
0x4b: {  	_ =	shalt  }
0x4c: {  	_ =	shalt  }
0x4d: {  	_ =	shalt  }
0x4e: {  	_ =	shalt  }
0x4f: {  	_ =	shalt  }
0x50: {  	_ =	shalt  }
0x51: {  	_ =	shalt  }
0x52: {  	_ =	shalt  }
0x53: {  	_ =	shalt  }
0x54: {  	_ =	shalt  }
0x55: {  	_ =	shalt  }
0x56: {  	_ =	shalt  }
0x57: {  	_ =	shalt  }
0x58: {  	_ =	shalt  }
0x59: {  	_ =	shalt  }
0x5a: {  	_ =	shalt  }
0x5b: {  	_ =	shalt  }
0x5c: {  	_ =	shalt  }
0x5d: {  	_ =	shalt  }
0x5e: {  	_ =	shalt  }
0x5f: {  	_ =	shalt  }
0x60: {  	_ =	shalt  }
0x61: {  	_ =	shalt  }
0x62: {  	_ =	shalt  }
0x63: {  	_ =	shalt  }
0x64: {  	_ =	shalt  }
0x65: {  	_ =	shalt  }
0x66: {  	_ =	shalt  }
0x67: {  	_ =	shalt  }
0x68: {  	_ =	shalt  }
0x69: {  	_ =	shalt  }
0x6a: {  	_ =	shalt  }
0x6b: {  	_ =	shalt  }
0x6c: {  	_ =	shalt  }
0x6d: {  	_ =	shalt  }
0x6e: {  	_ =	shalt  }
0x6f: {  	_ =	shalt  }
0x70: {  	_ =	shalt  }
0x71: {  	_ =	shalt  }
0x72: {  	_ =	shalt  }
0x73: {  	_ =	shalt  }
0x74: {  	_ =	shalt  }
0x75: {  	_ =	shalt  }
0x76: {  	_ =	shalt  }
0x77: {  	_ =	shalt  }
0x78: {  	_ =	shalt  }
0x79: {  	_ =	shalt  }
0x7a: {  	_ =	shalt  }
0x7b: {  	_ =	shalt  }
0x7c: {  	_ =	shalt  }
0x7d: {  	_ =	shalt  }
0x7e: {  	_ =	shalt  }
0x7f: {  	_ =	shalt  }
0x80: {  	_ =	shalt  }
0x81: {  	_ =	shalt  }
0x82: {  	_ =	shalt  }
0x83: {  	_ =	shalt  }
0x84: {  	_ =	shalt  }
0x85: {  	_ =	shalt  }
0x86: {  	_ =	shalt  }
0x87: {  	_ =	shalt  }
.Lfunc_end0:
.L_simem_size_0:
called_computation.2_lowered:
.L_overlay_start_0:
0x88: {  	s2 =	sld [smem:$0x3FD9]  }
0x89: {  	s3 =	sld [smem:$0x3FFE];
	_ =	sdelay $0x1  }
0x8a: {  	s1 =	srdreg.scid  }
0x8b: {  	s0 =	sand.u32 $0x1, s1  }
0x8c: {  	s17 =	sshll.u32 s0, $0xA;
	s2 =	sadd.s32 s3, s2  }
0x8d: {  	s2 =	sadd.s32 s2, s17  }
0x8e: {  	[smem:$0x3FC6] =	sst s2  }
0x8f: {  	_ = 	snop  }
0x90: {  	s2 =	sld [smem:$0x3FD0];
	(tm) =	ssettm $0x1  }
0x91: {  	s18 =	sld [smem:$0x3FFB];
	_ =	sdelay $0x3  }
0x92: {  	_ =	strace s18  }
0x93: {  	s3 =	sld [smem:$0x3FFC];
	_ =	sdelay $0x3  }
0x94: {  	_ =	strace s3  }
0x95: {  	s3 =	sld [smem:$0x3FFD];
	_ =	sdelay $0x3  }
0x96: {  	_ =	strace s3  }
0x97: {  	_ =	strace $0x8FFFFFFF  }
0x98: {  	s19 =	sld [smem:$0x3FDB];
	_ =	sdelay $0x1  }
0x99: {  	s4 =	simm.s32 $_scs_section_size  }
0x9a: {  	s5 =	simm.s32 $_size__tile_overlayer_lowered;
	s6 =	simm.s32 $_tile_overlayer_lowered  }
0x9b: {  	s22 =	simm.s32 $0x1BFF;
	s21 =	sshll.u32 s6, $0x1;
	s3 =	sadd.s32 s4, s19  }
0x9c: {  	s7 =	simm.s32 $0x0;
	s20 =	sshll.u32 s5, $0x1;
	s5 =	sadd.s32 s21, s3  }
0x9d: {  	[timem:s7], [sflag:s22] =	dma.local [hbm:s5], s20  }
0x9e: {  	_ =	swait.ge [sflag:s22], s20  }
0x9f: {  	s4 =	ssub.s32 $0x0, s20;
	[sflag:s22] =	ssyncset.done $0x0  }
0xa0: {  	[sflag:s22] =	ssyncadd.s32 s4;
	_ =	sdelay $0x1  }
0xa1: {  	s23 =	simm.s32 $0x1B8B  }
0xa2: {  	_ =	swait.ge [sflag:s23], $0x1  }
0xa3: {  	[sflag:s23] =	ssyncset.done $0x0  }
0xa4: {  	s25 =	simm.s32 $0x1B8E;
	s24 =	sld [smem:$0x3FFE];
	[sflag:s23] =	ssyncadd.s32 $0xFFFFFFFF  }
0xa5: {  	s26 =	simm.s32 $execute0_lowered;
	[smem:$0x3FD2] =	sst s25  }
0xa6: {  	s5 =	sshll.u32 s26, $0x1;
	_ =	strace $0x8000004C;
	[dreg:$0x1] =	wrdreg $0xFFFFFFFF  }
0xa7: {  	s28 =	simm.s32 $_size_execute0_lowered;
	s3 =	sadd.s32 s3, s5;
	[dreg:$0x0] =	wrdreg $0x0  }
0xa8: {  	s5 =	sshll.u32 s28, $0x1;
	[dreg:$0x2] =	wrdreg s3  }
0xa9: {  	[dreg:$0x3] =	wrdreg s5  }
0xaa: {  	[dreg:$0x4] =	wrdreg $0xC0  }
0xab: {  	_ =	task [dreg:s7], $0x5FFFF  }
0xac: {  	[dreg:$0x1] =	wrdreg $0xFFFFFFFF  }
0xad: {  	[dreg:$0x0] =	wrdreg $0x60  }
0xae: {  	[dreg:$0x2] =	wrdreg s2  }
0xaf: {  	[dreg:$0x3] =	wrdreg s24  }
0xb0: {  	[dreg:$0x4] =	wrdreg $0x9  }
0xb1: {  	_ =	task.clear_ibuf [dreg:s7], $0x5FFFF;
	_ =	strace $0x9000004C  }
0xb2: {  	s29 =	simm.s32 $0x9;
	_ =	strace $0x8000004E  }
0xb3: {  	_ =	swait.ge [sflag:s29], $0x1  }
0xb4: {  	[sflag:s29] =	ssyncadd.s32 $0xFFFFFFFF  }
0xb5: {  	_ =	strace $0x9000004E  }
0xb6: {  	_ =	sfence  }
0xb7: {  	s30 =	sld [smem:$0x0];
	_ =	sdelay $0x2  }
0xb8: {  	s31 =	sshll.u32 s1, $0xD;
	s1 =	sshrl.u32 s1, $0x2  }
0xb9: {  	s3 =	sand.u32 $0x4000, s31;
	s1 =	sadd.s32 s1, s30  }
0xba: {  	s0 =	sor.u32 s3, s0;
	s1 =	sshll.u32 s1, $0x11  }
0xbb: {  	s0 =	sor.u32 s1, s0  }
0xbc: {  	s0 =	sadd.s32 $0x8F2B, s0  }
0xbd: {  	[sflag:s0] =	ssyncadd.remote.s32 $0x1  }
0xbe: {  	_ =	sfence.sel $0xFFFF  }
0xbf: {  	[dreg:$0x0] =	wrdreg $0xFFFFFFFF;
	(pc) =	sbr.abs _section_cstart, $3  }
0xc0: {  	[dreg:$0x1] =	wrdreg $0xFFFFFFFF  }
0xc1: {  	_ =	task.clear_ibuf [dreg:s7], $0x2FFFF;
	_ =	strace $0x9FFFFFFF  }
0xc2: {  	(tm) =	ssettm $0x7FFFFFFF  }
0xc3: {  	_ =	shalt  }
tec
execute0_lowered:
.L_overlay_start_1:
0x0: {  	(tag) =	ssettag $0x1  }
0x1: {  	s2 =	srdreg.scid  }
0x2: {  	s1 =	rddreg [dreg:$0x1];
	s3 =	stileid.u32;
	s6 =	sand.u32 $0x1, s2  }
0x3: {  	s2 =	simm.s32 $0x0;
	s3 =	sshll.u32 s3, $0x10;
	s5 =	sshll.u32 s6, $0xF  }
0x4: {  	s10 =	sadd.s32 $0xC00, s1;
	[smem:$0x7FF] =	sst s2;
	s3 =	sor.u32 s5, s3  }
0x5: {  	s0 =	rddreg [dreg:$0x0];
	_ =	strace $0x8000004D;
	s5 =	sadd.s32 s10, s3  }
0x6: {  	s7 =	sadd.s32 s0, s3;
	s8 =	sor.u32 $0x100000, s3;
	[dreg:$0x3] =	wrdreg s5  }
0x7: {  	s19 =	sor.u32 $0x200000, s3;
	[dreg:$0x4] =	wrdreg s7;
	s17 =	sadd.s32 s0, s8  }
0x8: {  	s22 =	sor.u32 $0x300000, s3;
	s20 =	sadd.s32 s0, s19;
	[dreg:$0x5] =	wrdreg s17  }
0x9: {  	s25 =	sor.u32 $0x1000, s3;
	s23 =	sadd.s32 s0, s22;
	[dreg:$0x7] =	wrdreg s20  }
0xa: {  	s9 =	sor.u32 $0x101000, s3;
	s26 =	sadd.s32 s0, s25;
	[dreg:$0x9] =	wrdreg s23  }
0xb: {  	s13 =	sor.u32 $0x201000, s3;
	s11 =	sadd.s32 s0, s9;
	[dreg:$0xb] =	wrdreg s26  }
0xc: {  	s14 =	sadd.s32 s0, s13;
	[dreg:$0xe] =	wrdreg s11  }
0xd: {  	s5 =	sadd.s32 $0x100C00, s1;
	[dreg:$0x10] =	wrdreg s14  }
0xe: {  	s18 =	sadd.s32 s5, s3;
	s1 =	rddreg [dreg:$0x3]  }
0xf: {  	s21 =	sadd.s32 s5, s8;
	[dreg:$0x6] =	wrdreg s18  }
0x10: {  	s24 =	sadd.s32 s5, s19;
	[dreg:$0x8] =	wrdreg s21  }
0x11: {  	s4 =	sadd.s32 s5, s22;
	[dreg:$0xa] =	wrdreg s24  }
0x12: {  	s8 =	sadd.s32 s10, s25;
	[dreg:$0xc] =	wrdreg s4  }
0x13: {  	s12 =	sadd.s32 s5, s25;
	[dreg:$0xd] =	wrdreg s8  }
0x14: {  	s16 =	sor.u32 $0x301000, s3;
	s15 =	sadd.s32 s5, s9;
	[dreg:$0xf] =	wrdreg s12  }
0x15: {  	s17 =	sadd.s32 s0, s16;
	[dreg:$0x11] =	wrdreg s15  }
0x16: {  	s19 =	sor.u32 $0x2000, s3;
	[dreg:$0x12] =	wrdreg s17;
	s18 =	sadd.s32 s5, s13  }
0x17: {  	s20 =	sadd.s32 s0, s19;
	[dreg:$0x13] =	wrdreg s18  }
0x18: {  	s21 =	sadd.s32 s5, s16;
	[dreg:$0x14] =	wrdreg s20  }
0x19: {  	s23 =	sor.u32 $0x102000, s3;
	s22 =	sadd.s32 s10, s19;
	[dreg:$0x15] =	wrdreg s21  }
0x1a: {  	s24 =	sadd.s32 s0, s23;
	[dreg:$0x16] =	wrdreg s22  }
0x1b: {  	s26 =	sor.u32 $0x202000, s3;
	s25 =	sadd.s32 s5, s19;
	[dreg:$0x17] =	wrdreg s24  }
0x1c: {  	s4 =	sadd.s32 s0, s26;
	[dreg:$0x18] =	wrdreg s25  }
0x1d: {  	s11 =	sor.u32 $0x302000, s3;
	s9 =	sadd.s32 s5, s23;
	[dreg:$0x19] =	wrdreg s4  }
0x1e: {  	s12 =	sadd.s32 s0, s11;
	[dreg:$0x1a] =	wrdreg s9  }
0x1f: {  	s14 =	sor.u32 $0x3000, s3;
	s13 =	sadd.s32 s5, s26;
	[dreg:$0x1b] =	wrdreg s12  }
0x20: {  	s15 =	sadd.s32 s0, s14;
	[dreg:$0x1c] =	wrdreg s13  }
0x21: {  	s16 =	sadd.s32 s5, s11;
	[dreg:$0x1d] =	wrdreg s15  }
0x22: {  	s17 =	sadd.s32 s10, s14;
	[dreg:$0x1e] =	wrdreg s16  }
0x23: {  	s18 =	sor.u32 $0x103000, s3;
	[dreg:$0x1f] =	wrdreg s17;
	s20 =	sadd.s32 s5, s14  }
0x24: {  	s21 =	sor.u32 $0x203000, s3;
	s19 =	sadd.s32 s0, s18;
	[smem:$0x7E9] =	sst s20  }
0x25: {  	s22 =	sadd.s32 s0, s21;
	[smem:$0x7E8] =	sst s19  }
0x26: {  	s24 =	sor.u32 $0x303000, s3;
	s23 =	sadd.s32 s5, s18;
	[smem:$0x7EA] =	sst s22  }
0x27: {  	s25 =	sadd.s32 s0, s24;
	[smem:$0x7EB] =	sst s23  }
0x28: {  	s4 =	sor.u32 $0x4000, s3;
	s26 =	sadd.s32 s5, s21;
	[smem:$0x7EC] =	sst s25  }
0x29: {  	p0 =	por $0x0, $0x0;
	s9 =	sadd.s32 s0, s4;
	[smem:$0x7ED] =	sst s26  }
0x2a: {  	s6 =	ssub.s32 $0x2, s6;
	s11 =	sadd.s32 s5, s24;
	[smem:$0x7EE] =	sst s9  }
0x2b: {  	s13 =	sor.u32 $0x104000, s3;
	s12 =	sadd.s32 s10, s4;
	[smem:$0x7EF] =	sst s11  }
0x2c: {  	s8 =	sor.u32 $0x207000, s3;
	s14 =	sadd.s32 s0, s13;
	[smem:$0x7F0] =	sst s12  }
0x2d: {  	s16 =	sor.u32 $0x204000, s3;
	s15 =	sadd.s32 s5, s4;
	[smem:$0x7F1] =	sst s14  }
0x2e: {  	s17 =	sadd.s32 s0, s16;
	s18 =	sadd.s32 s5, s13;
	[smem:$0x7F2] =	sst s15  }
0x2f: {  	s21 =	sadd.s32 s5, s16;
	s16 =	sor.u32 $0x6000, s3;
	[smem:$0x7F3] =	sst s17  }
0x30: {  	s19 =	sor.u32 $0x304000, s3;
	[smem:$0x7F4] =	sst s18;
	s22 =	sor.u32 $0x5000, s3  }
0x31: {  	[smem:$0x7F6] =	sst s21;
	s26 =	sor.u32 $0x105000, s3;
	s9 =	sshrl.u32 s6, $0x1  }
0x32: {  	s12 =	sor.u32 $0x205000, s3;
	s15 =	sor.u32 $0x305000, s3;
	s29 =	sadd.s32 s0, s16  }
0x33: {  	s28 =	sadd.s32 s10, s16;
	s17 =	sor.u32 $0x106000, s3;
	s20 =	sadd.s32 s0, s19  }
0x34: {  	s18 =	sor.u32 $0x206000, s3;
	s23 =	sadd.s32 s0, s22;
	[smem:$0x7F5] =	sst s20  }
0x35: {  	s21 =	sor.u32 $0x306000, s3;
	s24 =	sadd.s32 s5, s19;
	[smem:$0x7F7] =	sst s23  }
0x36: {  	s25 =	sadd.s32 s10, s22;
	s4 =	sadd.s32 s0, s26;
	[smem:$0x7F8] =	sst s24  }
0x37: {  	s7 =	sadd.s32 s5, s22;
	s11 =	ssub.s32 s6, s9;
	[smem:$0x7F9] =	sst s25  }
0x38: {  	s13 =	sadd.s32 s0, s12;
	s14 =	sadd.s32 s5, s26;
	[smem:$0x7FA] =	sst s4  }
0x39: {  	s30 =	sadd.s32 s5, s12;
	s26 =	sadd.s32 s5, s15;
	[smem:$0x7FB] =	sst s7  }
0x3a: {  	s22 =	sor.u32 $0x7000, s3;
	s19 =	sadd.s32 s0, s21;
	[smem:$0x7FC] =	sst s13  }
0x3b: {  	[smem:$0x7FD] =	sst s14;
	s4 =	sadd.s32 s0, s15;
	s25 =	sadd.s32 s0, s17  }
0x3c: {  	s24 =	sadd.s32 s5, s16;
	s23 =	sadd.s32 s0, s18;
	s20 =	sadd.s32 s5, s17  }
0x3d: {  	s18 =	sadd.s32 s5, s18;
	s17 =	sadd.s32 s0, s22;
	s15 =	sadd.s32 s5, s21  }
0x3e: {  	s16 =	sadd.s32 s10, s22;
	s7 =	sor.u32 $0x107000, s3;
	s21 =	smax.u32 s11, $0x1  }
0x3f: {  	s12 =	sadd.s32 s5, s22;
	s10 =	sadd.s32 s0, s8;
	p1 =	sne.s32 s21, $0x1  }
.Ltmp0:
0x40: {  	s13 =	sor.u32 $0x307000, s3;
	s3 =	sadd.s32 s5, s8;
	(pc) =	sbr.rel @!p1 .LBB2_3-.Ltmp0, $4  }
0x41: {  	s22 =	simm.s32 $0x10000;
	s8 =	simm.s32 $0x3;
	s11 =	simm.s32 $0x2  }
0x42: {  	s14 =	sadd.s32 s0, s7;
	s9 =	sadd.s32 s5, s7;
	s6 =	sadd.s32 s0, s13  }
0x43: {  	s31 =	sadd.s32 s5, s13;
	s0 =	sadd.s32 $0xFFFFFFFF, s21;
	s7 =	simm.s32 $0x8000  }
0x44: {  	s21 =	simm.s32 $0x5;
	s13 =	simm.s32 $0x1;
	s5 =	simm.s32 $0x4  }
0x45: {  	[smem:$0x7E5] =	sst s0  }
0x46: {  	[tilespmem:s22], [sflag:$0x5] =	stream.linear.gather [hbm4b:s1+s2], $0x8000, $0x38;
	[tilespmem:$0x18000] =	vst v63  }
0x47: {  	s0 =	rddreg [dreg:$0x4]  }
0x48: {  	[tilespmem:s2], [sflag:$0x1] =	stream.linear.gather [hbm4b:s0+s2], $0x8000, $0x38;
	[tilespmem:$0x18000] =	vst v63  }
0x49: {  	s1 =	rddreg [dreg:$0x5]  }
0x4a: {  	[tilespmem:s7], [sflag:$0x2] =	stream.linear.gather [hbm4b:s1+s2], $0x8000, $0x38;
	[tilespmem:$0x18000] =	vst v63  }
0x4b: {  	_ =	swait.ge [sflag:s21], $0x8000  }
0x4c: {  	[sflag:s21] =	ssyncset.done $0x0  }
0x4d: {  	[sflag:s21] =	ssyncadd.s32 $0xFFFF8000  }
0x4e: {  	_ =	swait.ge [sflag:s13], $0x8000  }
0x4f: {  	[sflag:s13] =	ssyncset.done $0x0  }
0x50: {  	s1 =	rddreg [dreg:$0x6];
	[sflag:s13] =	ssyncadd.s32 $0xFFFF8000  }
0x51: {  	[hbm4b:s1+s2] =	stream.linear.scatter [tilespmem:s2], [sflag:$0x3], $0x8000, $0x38;
	[tilespmem:$0x18000] =	vst v63  }
0x52: {  	_ =	swait.ge [sflag:s8], $0x8000  }
0x53: {  	[sflag:s8] =	ssyncset.done $0x0  }
0x54: {  	s1 =	rddreg [dreg:$0x7];
	[sflag:s8] =	ssyncadd.s32 $0xFFFF8000  }
0x55: {  	[tilespmem:s2], [sflag:$0x1] =	stream.linear.gather [hbm4b:s1+s2], $0x8000, $0x38;
	[tilespmem:$0x18000] =	vst v63  }
0x56: {  	_ =	swait.ge [sflag:s11], $0x8000  }
0x57: {  	[sflag:s11] =	ssyncset.done $0x0  }
0x58: {  	s1 =	rddreg [dreg:$0x8];
	[sflag:s11] =	ssyncadd.s32 $0xFFFF8000  }
0x59: {  	[hbm4b:s1+s2] =	stream.linear.scatter [tilespmem:s7], [sflag:$0x4], $0x8000, $0x38;
	[tilespmem:$0x18000] =	vst v63  }
0x5a: {  	_ =	swait.ge [sflag:s5], $0x8000  }
0x5b: {  	[sflag:s5] =	ssyncset.done $0x0  }
0x5c: {  	s1 =	rddreg [dreg:$0x9];
	[sflag:s5] =	ssyncadd.s32 $0xFFFF8000  }
0x5d: {  	[tilespmem:s7], [sflag:$0x2] =	stream.linear.gather [hbm4b:s1+s2], $0x8000, $0x38;
	[tilespmem:$0x18000] =	vst v63  }
0x5e: {  	_ =	swait.ge [sflag:s13], $0x8000  }
0x5f: {  	[sflag:s13] =	ssyncset.done $0x0  }
0x60: {  	s1 =	rddreg [dreg:$0xa];
	[sflag:s13] =	ssyncadd.s32 $0xFFFF8000  }
0x61: {  	[hbm4b:s1+s2] =	stream.linear.scatter [tilespmem:s2], [sflag:$0x3], $0x8000, $0x38;
	[tilespmem:$0x18000] =	vst v63  }
0x62: {  	_ =	swait.ge [sflag:s8], $0x8000  }
0x63: {  	[sflag:s8] =	ssyncset.done $0x0  }
0x64: {  	s1 =	rddreg [dreg:$0xb];
	[sflag:s8] =	ssyncadd.s32 $0xFFFF8000  }
0x65: {  	[tilespmem:s2], [sflag:$0x1] =	stream.linear.gather [hbm4b:s1+s2], $0x8000, $0x38;
	[tilespmem:$0x18000] =	vst v63  }
0x66: {  	_ =	swait.ge [sflag:s11], $0x8000  }
0x67: {  	[sflag:s11] =	ssyncset.done $0x0  }
0x68: {  	s0 =	rddreg [dreg:$0xc];
	[sflag:s11] =	ssyncadd.s32 $0xFFFF8000  }
0x69: {  	[hbm4b:s0+s2] =	stream.linear.scatter [tilespmem:s7], [sflag:$0x4], $0x8000, $0x38;
	[tilespmem:$0x18000] =	vst v63  }
0x6a: {  	s1 =	rddreg [dreg:$0xd]  }
0x6b: {  	[tilespmem:s22], [sflag:$0x5] =	stream.linear.gather [hbm4b:s1+s2], $0x8000, $0x38;
	[tilespmem:$0x18000] =	vst v63  }
0x6c: {  	_ =	swait.ge [sflag:s5], $0x8000  }
0x6d: {  	[sflag:s5] =	ssyncset.done $0x0  }
0x6e: {  	s1 =	rddreg [dreg:$0xe];
	[sflag:s5] =	ssyncadd.s32 $0xFFFF8000  }
0x6f: {  	[tilespmem:s7], [sflag:$0x2] =	stream.linear.gather [hbm4b:s1+s2], $0x8000, $0x38;
	[tilespmem:$0x18000] =	vst v63  }
0x70: {  	_ =	swait.ge [sflag:s21], $0x8000  }
0x71: {  	[sflag:s21] =	ssyncset.done $0x0  }
0x72: {  	[sflag:s21] =	ssyncadd.s32 $0xFFFF8000  }
0x73: {  	_ =	swait.ge [sflag:s13], $0x8000  }
0x74: {  	[sflag:s13] =	ssyncset.done $0x0  }
0x75: {  	s1 =	rddreg [dreg:$0xf];
	[sflag:s13] =	ssyncadd.s32 $0xFFFF8000  }
0x76: {  	[hbm4b:s1+s2] =	stream.linear.scatter [tilespmem:s2], [sflag:$0x3], $0x8000, $0x38;
	[tilespmem:$0x18000] =	vst v63  }
0x77: {  	_ =	swait.ge [sflag:s8], $0x8000  }
0x78: {  	[sflag:s8] =	ssyncset.done $0x0  }
0x79: {  	s1 =	rddreg [dreg:$0x10];
	[sflag:s8] =	ssyncadd.s32 $0xFFFF8000  }
0x7a: {  	[tilespmem:s2], [sflag:$0x1] =	stream.linear.gather [hbm4b:s1+s2], $0x8000, $0x38;
	[tilespmem:$0x18000] =	vst v63  }
0x7b: {  	_ =	swait.ge [sflag:s11], $0x8000  }
0x7c: {  	[sflag:s11] =	ssyncset.done $0x0  }
0x7d: {  	s1 =	rddreg [dreg:$0x11];
	[sflag:s11] =	ssyncadd.s32 $0xFFFF8000  }
0x7e: {  	[hbm4b:s1+s2] =	stream.linear.scatter [tilespmem:s7], [sflag:$0x4], $0x8000, $0x38;
	[tilespmem:$0x18000] =	vst v63  }
0x7f: {  	_ =	swait.ge [sflag:s5], $0x8000  }
0x80: {  	[sflag:s5] =	ssyncset.done $0x0  }
0x81: {  	s1 =	rddreg [dreg:$0x12];
	[sflag:s5] =	ssyncadd.s32 $0xFFFF8000  }
0x82: {  	[tilespmem:s7], [sflag:$0x2] =	stream.linear.gather [hbm4b:s1+s2], $0x8000, $0x38;
	[tilespmem:$0x18000] =	vst v63  }
0x83: {  	_ =	swait.ge [sflag:s13], $0x8000  }
0x84: {  	[sflag:s13] =	ssyncset.done $0x0  }
0x85: {  	s1 =	rddreg [dreg:$0x13];
	[sflag:s13] =	ssyncadd.s32 $0xFFFF8000  }
0x86: {  	[hbm4b:s1+s2] =	stream.linear.scatter [tilespmem:s2], [sflag:$0x3], $0x8000, $0x38;
	[tilespmem:$0x18000] =	vst v63  }
0x87: {  	_ =	swait.ge [sflag:s8], $0x8000  }
0x88: {  	[sflag:s8] =	ssyncset.done $0x0  }
0x89: {  	s1 =	rddreg [dreg:$0x14];
	[sflag:s8] =	ssyncadd.s32 $0xFFFF8000  }
0x8a: {  	[tilespmem:s2], [sflag:$0x1] =	stream.linear.gather [hbm4b:s1+s2], $0x8000, $0x38;
	[tilespmem:$0x18000] =	vst v63  }
0x8b: {  	_ =	swait.ge [sflag:s11], $0x8000  }
0x8c: {  	[sflag:s11] =	ssyncset.done $0x0  }
0x8d: {  	s0 =	rddreg [dreg:$0x15];
	[sflag:s11] =	ssyncadd.s32 $0xFFFF8000  }
0x8e: {  	[hbm4b:s0+s2] =	stream.linear.scatter [tilespmem:s7], [sflag:$0x4], $0x8000, $0x38;
	[tilespmem:$0x18000] =	vst v63  }
0x8f: {  	s1 =	rddreg [dreg:$0x16]  }
0x90: {  	[tilespmem:s22], [sflag:$0x5] =	stream.linear.gather [hbm4b:s1+s2], $0x8000, $0x38;
	[tilespmem:$0x18000] =	vst v63  }
0x91: {  	_ =	swait.ge [sflag:s5], $0x8000  }
0x92: {  	[sflag:s5] =	ssyncset.done $0x0  }
0x93: {  	s1 =	rddreg [dreg:$0x17];
	[sflag:s5] =	ssyncadd.s32 $0xFFFF8000  }
0x94: {  	[tilespmem:s7], [sflag:$0x2] =	stream.linear.gather [hbm4b:s1+s2], $0x8000, $0x38;
	[tilespmem:$0x18000] =	vst v63  }
0x95: {  	_ =	swait.ge [sflag:s21], $0x8000  }
0x96: {  	[sflag:s21] =	ssyncset.done $0x0  }
0x97: {  	[sflag:s21] =	ssyncadd.s32 $0xFFFF8000  }
0x98: {  	_ =	swait.ge [sflag:s13], $0x8000  }
0x99: {  	[sflag:s13] =	ssyncset.done $0x0  }
0x9a: {  	s1 =	rddreg [dreg:$0x18];
	[sflag:s13] =	ssyncadd.s32 $0xFFFF8000  }
0x9b: {  	[hbm4b:s1+s2] =	stream.linear.scatter [tilespmem:s2], [sflag:$0x3], $0x8000, $0x38;
	[tilespmem:$0x18000] =	vst v63  }
0x9c: {  	_ =	swait.ge [sflag:s8], $0x8000  }
0x9d: {  	[sflag:s8] =	ssyncset.done $0x0  }
0x9e: {  	s1 =	rddreg [dreg:$0x19];
	[sflag:s8] =	ssyncadd.s32 $0xFFFF8000  }
0x9f: {  	[tilespmem:s2], [sflag:$0x1] =	stream.linear.gather [hbm4b:s1+s2], $0x8000, $0x38;
	[tilespmem:$0x18000] =	vst v63  }
0xa0: {  	_ =	swait.ge [sflag:s11], $0x8000  }
0xa1: {  	[sflag:s11] =	ssyncset.done $0x0  }
0xa2: {  	s1 =	rddreg [dreg:$0x1a];
	[sflag:s11] =	ssyncadd.s32 $0xFFFF8000  }
0xa3: {  	[hbm4b:s1+s2] =	stream.linear.scatter [tilespmem:s7], [sflag:$0x4], $0x8000, $0x38;
	[tilespmem:$0x18000] =	vst v63  }
0xa4: {  	_ =	swait.ge [sflag:s5], $0x8000  }
0xa5: {  	[sflag:s5] =	ssyncset.done $0x0  }
0xa6: {  	s1 =	rddreg [dreg:$0x1b];
	[sflag:s5] =	ssyncadd.s32 $0xFFFF8000  }
0xa7: {  	[tilespmem:s7], [sflag:$0x2] =	stream.linear.gather [hbm4b:s1+s2], $0x8000, $0x38;
	[tilespmem:$0x18000] =	vst v63  }
0xa8: {  	_ =	swait.ge [sflag:s13], $0x8000  }
0xa9: {  	[sflag:s13] =	ssyncset.done $0x0  }
0xaa: {  	s1 =	rddreg [dreg:$0x1c];
	[sflag:s13] =	ssyncadd.s32 $0xFFFF8000  }
0xab: {  	[hbm4b:s1+s2] =	stream.linear.scatter [tilespmem:s2], [sflag:$0x3], $0x8000, $0x38;
	[tilespmem:$0x18000] =	vst v63  }
0xac: {  	_ =	swait.ge [sflag:s8], $0x8000  }
0xad: {  	[sflag:s8] =	ssyncset.done $0x0  }
0xae: {  	s1 =	rddreg [dreg:$0x1d];
	[sflag:s8] =	ssyncadd.s32 $0xFFFF8000  }
0xaf: {  	[tilespmem:s2], [sflag:$0x1] =	stream.linear.gather [hbm4b:s1+s2], $0x8000, $0x38;
	[tilespmem:$0x18000] =	vst v63  }
0xb0: {  	_ =	swait.ge [sflag:s11], $0x8000  }
0xb1: {  	[sflag:s11] =	ssyncset.done $0x0  }
0xb2: {  	s0 =	rddreg [dreg:$0x1e];
	[sflag:s11] =	ssyncadd.s32 $0xFFFF8000  }
0xb3: {  	[hbm4b:s0+s2] =	stream.linear.scatter [tilespmem:s7], [sflag:$0x4], $0x8000, $0x38;
	[tilespmem:$0x18000] =	vst v63  }
0xb4: {  	s1 =	rddreg [dreg:$0x1f]  }
0xb5: {  	[tilespmem:s22], [sflag:$0x5] =	stream.linear.gather [hbm4b:s1+s2], $0x8000, $0x38;
	[tilespmem:$0x18000] =	vst v63  }
0xb6: {  	_ =	swait.ge [sflag:s5], $0x8000  }
0xb7: {  	s1 =	sld [smem:$0x7E8]  }
0xb8: {  	[sflag:s5] =	ssyncset.done $0x0  }
0xb9: {  	[sflag:s5] =	ssyncadd.s32 $0xFFFF8000  }
0xba: {  	[tilespmem:s7], [sflag:$0x2] =	stream.linear.gather [hbm4b:s1+s2], $0x8000, $0x38;
	[tilespmem:$0x18000] =	vst v63  }
0xbb: {  	_ =	swait.ge [sflag:s21], $0x8000  }
0xbc: {  	[sflag:s21] =	ssyncset.done $0x0  }
0xbd: {  	[sflag:s21] =	ssyncadd.s32 $0xFFFF8000  }
0xbe: {  	_ =	swait.ge [sflag:s13], $0x8000  }
0xbf: {  	s1 =	sld [smem:$0x7E9]  }
0xc0: {  	[sflag:s13] =	ssyncset.done $0x0  }
0xc1: {  	[sflag:s13] =	ssyncadd.s32 $0xFFFF8000  }
0xc2: {  	[hbm4b:s1+s2] =	stream.linear.scatter [tilespmem:s2], [sflag:$0x3], $0x8000, $0x38;
	[tilespmem:$0x18000] =	vst v63  }
0xc3: {  	_ =	swait.ge [sflag:s8], $0x8000  }
0xc4: {  	s1 =	sld [smem:$0x7EA]  }
0xc5: {  	[sflag:s8] =	ssyncset.done $0x0  }
0xc6: {  	[sflag:s8] =	ssyncadd.s32 $0xFFFF8000  }
0xc7: {  	[tilespmem:s2], [sflag:$0x1] =	stream.linear.gather [hbm4b:s1+s2], $0x8000, $0x38;
	[tilespmem:$0x18000] =	vst v63  }
0xc8: {  	_ =	swait.ge [sflag:s11], $0x8000  }
0xc9: {  	s1 =	sld [smem:$0x7EB]  }
0xca: {  	[sflag:s11] =	ssyncset.done $0x0  }
0xcb: {  	[sflag:s11] =	ssyncadd.s32 $0xFFFF8000  }
0xcc: {  	[hbm4b:s1+s2] =	stream.linear.scatter [tilespmem:s7], [sflag:$0x4], $0x8000, $0x38;
	[tilespmem:$0x18000] =	vst v63  }
0xcd: {  	_ =	swait.ge [sflag:s5], $0x8000  }
0xce: {  	s1 =	sld [smem:$0x7EC]  }
0xcf: {  	[sflag:s5] =	ssyncset.done $0x0  }
0xd0: {  	[sflag:s5] =	ssyncadd.s32 $0xFFFF8000  }
0xd1: {  	[tilespmem:s7], [sflag:$0x2] =	stream.linear.gather [hbm4b:s1+s2], $0x8000, $0x38;
	[tilespmem:$0x18000] =	vst v63  }
0xd2: {  	_ =	swait.ge [sflag:s13], $0x8000  }
0xd3: {  	s1 =	sld [smem:$0x7ED]  }
0xd4: {  	[sflag:s13] =	ssyncset.done $0x0  }
0xd5: {  	[sflag:s13] =	ssyncadd.s32 $0xFFFF8000  }
0xd6: {  	[hbm4b:s1+s2] =	stream.linear.scatter [tilespmem:s2], [sflag:$0x3], $0x8000, $0x38;
	[tilespmem:$0x18000] =	vst v63  }
0xd7: {  	_ =	swait.ge [sflag:s8], $0x8000  }
0xd8: {  	s1 =	sld [smem:$0x7EE]  }
0xd9: {  	[sflag:s8] =	ssyncset.done $0x0  }
0xda: {  	[sflag:s8] =	ssyncadd.s32 $0xFFFF8000  }
0xdb: {  	[tilespmem:s2], [sflag:$0x1] =	stream.linear.gather [hbm4b:s1+s2], $0x8000, $0x38;
	[tilespmem:$0x18000] =	vst v63  }
0xdc: {  	_ =	swait.ge [sflag:s11], $0x8000  }
0xdd: {  	s0 =	sld [smem:$0x7EF]  }
0xde: {  	[sflag:s11] =	ssyncset.done $0x0  }
0xdf: {  	s1 =	sld [smem:$0x7F0];
	[sflag:s11] =	ssyncadd.s32 $0xFFFF8000  }
0xe0: {  	[hbm4b:s0+s2] =	stream.linear.scatter [tilespmem:s7], [sflag:$0x4], $0x8000, $0x38;
	[tilespmem:$0x18000] =	vst v63  }
0xe1: {  	_ = 	snop  }
0xe2: {  	[tilespmem:s22], [sflag:$0x5] =	stream.linear.gather [hbm4b:s1+s2], $0x8000, $0x38;
	[tilespmem:$0x18000] =	vst v63  }
0xe3: {  	_ =	swait.ge [sflag:s5], $0x8000  }
0xe4: {  	s1 =	sld [smem:$0x7F1]  }
0xe5: {  	[sflag:s5] =	ssyncset.done $0x0  }
0xe6: {  	[sflag:s5] =	ssyncadd.s32 $0xFFFF8000  }
0xe7: {  	[tilespmem:s7], [sflag:$0x2] =	stream.linear.gather [hbm4b:s1+s2], $0x8000, $0x38;
	[tilespmem:$0x18000] =	vst v63  }
0xe8: {  	_ =	swait.ge [sflag:s21], $0x8000  }
0xe9: {  	[sflag:s21] =	ssyncset.done $0x0  }
0xea: {  	[sflag:s21] =	ssyncadd.s32 $0xFFFF8000  }
0xeb: {  	_ =	swait.ge [sflag:s13], $0x8000  }
0xec: {  	s1 =	sld [smem:$0x7F2]  }
0xed: {  	[sflag:s13] =	ssyncset.done $0x0  }
0xee: {  	[sflag:s13] =	ssyncadd.s32 $0xFFFF8000  }
0xef: {  	[hbm4b:s1+s2] =	stream.linear.scatter [tilespmem:s2], [sflag:$0x3], $0x8000, $0x38;
	[tilespmem:$0x18000] =	vst v63  }
0xf0: {  	_ =	swait.ge [sflag:s8], $0x8000  }
0xf1: {  	s1 =	sld [smem:$0x7F3]  }
0xf2: {  	[sflag:s8] =	ssyncset.done $0x0  }
0xf3: {  	[sflag:s8] =	ssyncadd.s32 $0xFFFF8000  }
0xf4: {  	[tilespmem:s2], [sflag:$0x1] =	stream.linear.gather [hbm4b:s1+s2], $0x8000, $0x38;
	[tilespmem:$0x18000] =	vst v63  }
0xf5: {  	_ =	swait.ge [sflag:s11], $0x8000  }
0xf6: {  	s1 =	sld [smem:$0x7F4]  }
0xf7: {  	[sflag:s11] =	ssyncset.done $0x0  }
0xf8: {  	[sflag:s11] =	ssyncadd.s32 $0xFFFF8000  }
0xf9: {  	[hbm4b:s1+s2] =	stream.linear.scatter [tilespmem:s7], [sflag:$0x4], $0x8000, $0x38;
	[tilespmem:$0x18000] =	vst v63  }
0xfa: {  	_ =	swait.ge [sflag:s5], $0x8000  }
0xfb: {  	s1 =	sld [smem:$0x7F5]  }
0xfc: {  	[sflag:s5] =	ssyncset.done $0x0  }
0xfd: {  	[sflag:s5] =	ssyncadd.s32 $0xFFFF8000  }
0xfe: {  	[tilespmem:s7], [sflag:$0x2] =	stream.linear.gather [hbm4b:s1+s2], $0x8000, $0x38;
	[tilespmem:$0x18000] =	vst v63  }
0xff: {  	_ =	swait.ge [sflag:s13], $0x8000  }
0x100: {  	s1 =	sld [smem:$0x7F6]  }
0x101: {  	[sflag:s13] =	ssyncset.done $0x0  }
0x102: {  	[sflag:s13] =	ssyncadd.s32 $0xFFFF8000  }
0x103: {  	[hbm4b:s1+s2] =	stream.linear.scatter [tilespmem:s2], [sflag:$0x3], $0x8000, $0x38;
	[tilespmem:$0x18000] =	vst v63  }
0x104: {  	_ =	swait.ge [sflag:s8], $0x8000  }
0x105: {  	s1 =	sld [smem:$0x7F7]  }
0x106: {  	[sflag:s8] =	ssyncset.done $0x0  }
0x107: {  	[sflag:s8] =	ssyncadd.s32 $0xFFFF8000  }
0x108: {  	[tilespmem:s2], [sflag:$0x1] =	stream.linear.gather [hbm4b:s1+s2], $0x8000, $0x38;
	[tilespmem:$0x18000] =	vst v63  }
0x109: {  	_ =	swait.ge [sflag:s11], $0x8000  }
0x10a: {  	s0 =	sld [smem:$0x7F8]  }
0x10b: {  	[sflag:s11] =	ssyncset.done $0x0  }
0x10c: {  	s1 =	sld [smem:$0x7F9];
	[sflag:s11] =	ssyncadd.s32 $0xFFFF8000  }
0x10d: {  	[hbm4b:s0+s2] =	stream.linear.scatter [tilespmem:s7], [sflag:$0x4], $0x8000, $0x38;
	[tilespmem:$0x18000] =	vst v63  }
0x10e: {  	_ = 	snop  }
0x10f: {  	[tilespmem:s22], [sflag:$0x5] =	stream.linear.gather [hbm4b:s1+s2], $0x8000, $0x38;
	[tilespmem:$0x18000] =	vst v63  }
0x110: {  	_ =	swait.ge [sflag:s5], $0x8000  }
0x111: {  	s1 =	sld [smem:$0x7FA]  }
0x112: {  	[sflag:s5] =	ssyncset.done $0x0  }
0x113: {  	[sflag:s5] =	ssyncadd.s32 $0xFFFF8000  }
0x114: {  	[tilespmem:s7], [sflag:$0x2] =	stream.linear.gather [hbm4b:s1+s2], $0x8000, $0x38;
	[tilespmem:$0x18000] =	vst v63  }
0x115: {  	_ =	swait.ge [sflag:s21], $0x8000  }
0x116: {  	[sflag:s21] =	ssyncset.done $0x0  }
0x117: {  	[sflag:s21] =	ssyncadd.s32 $0xFFFF8000  }
0x118: {  	_ =	swait.ge [sflag:s13], $0x8000  }
0x119: {  	s1 =	sld [smem:$0x7FB]  }
0x11a: {  	[sflag:s13] =	ssyncset.done $0x0  }
0x11b: {  	[sflag:s13] =	ssyncadd.s32 $0xFFFF8000  }
0x11c: {  	[hbm4b:s1+s2] =	stream.linear.scatter [tilespmem:s2], [sflag:$0x3], $0x8000, $0x38;
	[tilespmem:$0x18000] =	vst v63  }
0x11d: {  	_ =	swait.ge [sflag:s8], $0x8000  }
0x11e: {  	s1 =	sld [smem:$0x7FC]  }
0x11f: {  	[sflag:s8] =	ssyncset.done $0x0  }
0x120: {  	[sflag:s8] =	ssyncadd.s32 $0xFFFF8000  }
0x121: {  	[tilespmem:s2], [sflag:$0x1] =	stream.linear.gather [hbm4b:s1+s2], $0x8000, $0x38;
	[tilespmem:$0x18000] =	vst v63  }
0x122: {  	_ =	swait.ge [sflag:s11], $0x8000  }
0x123: {  	s1 =	sld [smem:$0x7FD]  }
0x124: {  	[sflag:s11] =	ssyncset.done $0x0  }
0x125: {  	[sflag:s11] =	ssyncadd.s32 $0xFFFF8000  }
0x126: {  	[hbm4b:s1+s2] =	stream.linear.scatter [tilespmem:s7], [sflag:$0x4], $0x8000, $0x38;
	[tilespmem:$0x18000] =	vst v63  }
0x127: {  	_ =	swait.ge [sflag:s5], $0x8000  }
0x128: {  	[sflag:s5] =	ssyncset.done $0x0  }
0x129: {  	[sflag:s5] =	ssyncadd.s32 $0xFFFF8000  }
0x12a: {  	[tilespmem:s7], [sflag:$0x2] =	stream.linear.gather [hbm4b:s4+s2], $0x8000, $0x38;
	[tilespmem:$0x18000] =	vst v63  }
0x12b: {  	_ =	swait.ge [sflag:s13], $0x8000  }
0x12c: {  	[sflag:s13] =	ssyncset.done $0x0  }
0x12d: {  	[sflag:s13] =	ssyncadd.s32 $0xFFFF8000  }
0x12e: {  	[hbm4b:s30+s2] =	stream.linear.scatter [tilespmem:s2], [sflag:$0x3], $0x8000, $0x38;
	[tilespmem:$0x18000] =	vst v63  }
0x12f: {  	_ =	swait.ge [sflag:s8], $0x8000  }
0x130: {  	[sflag:s8] =	ssyncset.done $0x0  }
0x131: {  	[sflag:s8] =	ssyncadd.s32 $0xFFFF8000  }
0x132: {  	[tilespmem:s2], [sflag:$0x1] =	stream.linear.gather [hbm4b:s29+s2], $0x8000, $0x38;
	[tilespmem:$0x18000] =	vst v63  }
0x133: {  	_ =	swait.ge [sflag:s11], $0x8000  }
0x134: {  	[sflag:s11] =	ssyncset.done $0x0  }
0x135: {  	[sflag:s11] =	ssyncadd.s32 $0xFFFF8000  }
0x136: {  	[hbm4b:s26+s2] =	stream.linear.scatter [tilespmem:s7], [sflag:$0x4], $0x8000, $0x38;
	[tilespmem:$0x18000] =	vst v63  }
0x137: {  	_ = 	snop  }
0x138: {  	[tilespmem:s22], [sflag:$0x5] =	stream.linear.gather [hbm4b:s28+s2], $0x8000, $0x38;
	[tilespmem:$0x18000] =	vst v63  }
0x139: {  	_ =	swait.ge [sflag:s5], $0x8000  }
0x13a: {  	[sflag:s5] =	ssyncset.done $0x0  }
0x13b: {  	[sflag:s5] =	ssyncadd.s32 $0xFFFF8000  }
0x13c: {  	[tilespmem:s7], [sflag:$0x2] =	stream.linear.gather [hbm4b:s25+s2], $0x8000, $0x38;
	[tilespmem:$0x18000] =	vst v63  }
0x13d: {  	_ =	swait.ge [sflag:s21], $0x8000  }
0x13e: {  	[sflag:s21] =	ssyncset.done $0x0  }
0x13f: {  	[sflag:s21] =	ssyncadd.s32 $0xFFFF8000  }
0x140: {  	_ =	swait.ge [sflag:s13], $0x8000  }
0x141: {  	[sflag:s13] =	ssyncset.done $0x0  }
0x142: {  	[sflag:s13] =	ssyncadd.s32 $0xFFFF8000  }
0x143: {  	[hbm4b:s24+s2] =	stream.linear.scatter [tilespmem:s2], [sflag:$0x3], $0x8000, $0x38;
	[tilespmem:$0x18000] =	vst v63  }
0x144: {  	_ =	swait.ge [sflag:s8], $0x8000  }
0x145: {  	[sflag:s8] =	ssyncset.done $0x0  }
0x146: {  	[sflag:s8] =	ssyncadd.s32 $0xFFFF8000  }
0x147: {  	[tilespmem:s2], [sflag:$0x1] =	stream.linear.gather [hbm4b:s23+s2], $0x8000, $0x38;
	[tilespmem:$0x18000] =	vst v63  }
0x148: {  	_ =	swait.ge [sflag:s11], $0x8000  }
0x149: {  	[sflag:s11] =	ssyncset.done $0x0  }
0x14a: {  	[sflag:s11] =	ssyncadd.s32 $0xFFFF8000  }
0x14b: {  	[hbm4b:s20+s2] =	stream.linear.scatter [tilespmem:s7], [sflag:$0x4], $0x8000, $0x38;
	[tilespmem:$0x18000] =	vst v63  }
0x14c: {  	_ =	swait.ge [sflag:s5], $0x8000  }
0x14d: {  	[sflag:s5] =	ssyncset.done $0x0  }
0x14e: {  	[sflag:s5] =	ssyncadd.s32 $0xFFFF8000  }
0x14f: {  	[tilespmem:s7], [sflag:$0x2] =	stream.linear.gather [hbm4b:s19+s2], $0x8000, $0x38;
	[tilespmem:$0x18000] =	vst v63  }
0x150: {  	_ =	swait.ge [sflag:s13], $0x8000  }
0x151: {  	[sflag:s13] =	ssyncset.done $0x0  }
0x152: {  	[sflag:s13] =	ssyncadd.s32 $0xFFFF8000  }
0x153: {  	[hbm4b:s18+s2] =	stream.linear.scatter [tilespmem:s2], [sflag:$0x3], $0x8000, $0x38;
	[tilespmem:$0x18000] =	vst v63  }
0x154: {  	_ =	swait.ge [sflag:s8], $0x8000  }
0x155: {  	[sflag:s8] =	ssyncset.done $0x0  }
0x156: {  	[sflag:s8] =	ssyncadd.s32 $0xFFFF8000  }
0x157: {  	[tilespmem:s2], [sflag:$0x1] =	stream.linear.gather [hbm4b:s17+s2], $0x8000, $0x38;
	[tilespmem:$0x18000] =	vst v63  }
0x158: {  	_ =	swait.ge [sflag:s11], $0x8000  }
0x159: {  	[sflag:s11] =	ssyncset.done $0x0  }
0x15a: {  	[sflag:s11] =	ssyncadd.s32 $0xFFFF8000  }
0x15b: {  	[hbm4b:s15+s2] =	stream.linear.scatter [tilespmem:s7], [sflag:$0x4], $0x8000, $0x38;
	[tilespmem:$0x18000] =	vst v63  }
0x15c: {  	_ = 	snop  }
0x15d: {  	[tilespmem:s22], [sflag:$0x5] =	stream.linear.gather [hbm4b:s16+s2], $0x8000, $0x38;
	[tilespmem:$0x18000] =	vst v63  }
0x15e: {  	_ =	swait.ge [sflag:s5], $0x8000  }
0x15f: {  	[sflag:s5] =	ssyncset.done $0x0  }
0x160: {  	[sflag:s5] =	ssyncadd.s32 $0xFFFF8000  }
0x161: {  	[tilespmem:s7], [sflag:$0x2] =	stream.linear.gather [hbm4b:s14+s2], $0x8000, $0x38;
	[tilespmem:$0x18000] =	vst v63  }
0x162: {  	_ =	swait.ge [sflag:s21], $0x8000  }
0x163: {  	[sflag:s21] =	ssyncset.done $0x0  }
0x164: {  	[sflag:s21] =	ssyncadd.s32 $0xFFFF8000  }
0x165: {  	_ =	swait.ge [sflag:s13], $0x8000  }
0x166: {  	[sflag:s13] =	ssyncset.done $0x0  }
0x167: {  	[sflag:s13] =	ssyncadd.s32 $0xFFFF8000  }
0x168: {  	[hbm4b:s12+s2] =	stream.linear.scatter [tilespmem:s2], [sflag:$0x3], $0x8000, $0x38;
	[tilespmem:$0x18000] =	vst v63  }
0x169: {  	_ =	swait.ge [sflag:s8], $0x8000  }
0x16a: {  	[sflag:s8] =	ssyncset.done $0x0  }
0x16b: {  	[sflag:s8] =	ssyncadd.s32 $0xFFFF8000  }
0x16c: {  	[tilespmem:s2], [sflag:$0x1] =	stream.linear.gather [hbm4b:s10+s2], $0x8000, $0x38;
	[tilespmem:$0x18000] =	vst v63  }
0x16d: {  	_ =	swait.ge [sflag:s11], $0x8000  }
0x16e: {  	[sflag:s11] =	ssyncset.done $0x0  }
0x16f: {  	[sflag:s11] =	ssyncadd.s32 $0xFFFF8000  }
0x170: {  	[hbm4b:s9+s2] =	stream.linear.scatter [tilespmem:s7], [sflag:$0x4], $0x8000, $0x38;
	[tilespmem:$0x18000] =	vst v63  }
0x171: {  	_ =	swait.ge [sflag:s5], $0x8000  }
0x172: {  	[sflag:s5] =	ssyncset.done $0x0  }
0x173: {  	[sflag:s5] =	ssyncadd.s32 $0xFFFF8000  }
0x174: {  	[tilespmem:s7], [sflag:$0x2] =	stream.linear.gather [hbm4b:s6+s2], $0x8000, $0x38;
	[tilespmem:$0x18000] =	vst v63  }
0x175: {  	_ =	swait.ge [sflag:s13], $0x8000  }
0x176: {  	[sflag:s13] =	ssyncset.done $0x0  }
0x177: {  	[sflag:s13] =	ssyncadd.s32 $0xFFFF8000  }
0x178: {  	[hbm4b:s3+s2] =	stream.linear.scatter [tilespmem:s2], [sflag:$0x3], $0x8000, $0x38;
	[tilespmem:$0x18000] =	vst v63  }
0x179: {  	_ =	swait.ge [sflag:s11], $0x8000  }
0x17a: {  	[sflag:s11] =	ssyncset.done $0x0  }
0x17b: {  	[sflag:s11] =	ssyncadd.s32 $0xFFFF8000  }
0x17c: {  	[hbm4b:s31+s2] =	stream.linear.scatter [tilespmem:s7], [sflag:$0x4], $0x8000, $0x38;
	[tilespmem:$0x18000] =	vst v63  }
0x17d: {  	_ =	swait.ge [sflag:s8], $0x8000  }
0x17e: {  	s1 =	sld [smem:$0x7E5];
	_ =	sdelay $0x2  }
0x17f: {  	[sflag:s8] =	ssyncset.done $0x0;
	p1 =	sne.s32 s1, $0x1  }
.Ltmp1:
0x180: {  	[sflag:s8] =	ssyncadd.s32 $0xFFFF8000;
	(pc) =	sbr.rel @!p1 .LBB2_3-.Ltmp1, $4  }
0x181: {  	_ =	swait.ge [sflag:s5], $0x8000  }
0x182: {  	s0 =	sadd.s32 $0xFFFFFFFF, s1;
	s1 =	rddreg [dreg:$0x3]  }
0x183: {  	[smem:$0x7E6] =	sst s4  }
0x184: {  	p0 =	por $0x1, $0x1;
	[sflag:s5] =	ssyncset.done $0x0;
	[smem:$0x7E7] =	sst s30  }
.LBB2_2:
0x185: {  	[sflag:s5] =	ssyncadd.s32 $0xFFFF8000;
	s4 =	simm.s32 $0x10000  }
0x186: {  	s30 =	smov.u32 s29;
	s29 =	smov.u32 s28;
	s28 =	smov.u32 s26  }
0x187: {  	s26 =	smov.u32 s25;
	s25 =	smov.u32 s24;
	s24 =	smov.u32 s23  }
0x188: {  	s23 =	smov.u32 s20;
	s22 =	smov.u32 s19;
	s20 =	smov.u32 s18  }
0x189: {  	s19 =	smov.u32 s17;
	s17 =	smov.u32 s15;
	s15 =	smov.u32 s12  }
0x18a: {  	[tilespmem:s4], [sflag:$0x5] =	stream.linear.gather [hbm4b:s1+s2], $0x8000, $0x38;
	[tilespmem:$0x18000] =	vst v63  }
0x18b: {  	s12 =	smov.u32 s9;
	s9 =	smov.u32 s3;
	s3 =	rddreg [dreg:$0x4]  }
0x18c: {  	[tilespmem:s2], [sflag:$0x1] =	stream.linear.gather [hbm4b:s3+s2], $0x8000, $0x38;
	[tilespmem:$0x18000] =	vst v63  }
0x18d: {  	s18 =	smov.u32 s16;
	s16 =	smov.u32 s14;
	s14 =	rddreg [dreg:$0x5]  }
0x18e: {  	[tilespmem:s7], [sflag:$0x2] =	stream.linear.gather [hbm4b:s14+s2], $0x8000, $0x38;
	[tilespmem:$0x18000] =	vst v63  }
0x18f: {  	_ =	swait.ge [sflag:s21], $0x8000  }
0x190: {  	[sflag:s21] =	ssyncset.done $0x0  }
0x191: {  	[sflag:s21] =	ssyncadd.s32 $0xFFFF8000  }
0x192: {  	_ =	swait.ge [sflag:s13], $0x8000  }
0x193: {  	[sflag:s13] =	ssyncset.done $0x0  }
0x194: {  	s3 =	rddreg [dreg:$0x6];
	[sflag:s13] =	ssyncadd.s32 $0xFFFF8000  }
0x195: {  	[hbm4b:s3+s2] =	stream.linear.scatter [tilespmem:s2], [sflag:$0x3], $0x8000, $0x38;
	[tilespmem:$0x18000] =	vst v63  }
0x196: {  	_ =	swait.ge [sflag:s8], $0x8000  }
0x197: {  	[sflag:s8] =	ssyncset.done $0x0  }
0x198: {  	s14 =	rddreg [dreg:$0x7];
	[sflag:s8] =	ssyncadd.s32 $0xFFFF8000  }
0x199: {  	[tilespmem:s2], [sflag:$0x1] =	stream.linear.gather [hbm4b:s14+s2], $0x8000, $0x38;
	[tilespmem:$0x18000] =	vst v63  }
0x19a: {  	_ =	swait.ge [sflag:s11], $0x8000  }
0x19b: {  	[sflag:s11] =	ssyncset.done $0x0  }
0x19c: {  	s3 =	rddreg [dreg:$0x8];
	[sflag:s11] =	ssyncadd.s32 $0xFFFF8000  }
0x19d: {  	[hbm4b:s3+s2] =	stream.linear.scatter [tilespmem:s7], [sflag:$0x4], $0x8000, $0x38;
	[tilespmem:$0x18000] =	vst v63  }
0x19e: {  	_ =	swait.ge [sflag:s5], $0x8000  }
0x19f: {  	[sflag:s5] =	ssyncset.done $0x0  }
0x1a0: {  	s14 =	rddreg [dreg:$0x9];
	[sflag:s5] =	ssyncadd.s32 $0xFFFF8000  }
0x1a1: {  	[tilespmem:s7], [sflag:$0x2] =	stream.linear.gather [hbm4b:s14+s2], $0x8000, $0x38;
	[tilespmem:$0x18000] =	vst v63  }
0x1a2: {  	_ =	swait.ge [sflag:s13], $0x8000  }
0x1a3: {  	[sflag:s13] =	ssyncset.done $0x0  }
0x1a4: {  	s3 =	rddreg [dreg:$0xa];
	[sflag:s13] =	ssyncadd.s32 $0xFFFF8000  }
0x1a5: {  	[hbm4b:s3+s2] =	stream.linear.scatter [tilespmem:s2], [sflag:$0x3], $0x8000, $0x38;
	[tilespmem:$0x18000] =	vst v63  }
0x1a6: {  	_ =	swait.ge [sflag:s8], $0x8000  }
0x1a7: {  	[sflag:s8] =	ssyncset.done $0x0  }
0x1a8: {  	s14 =	rddreg [dreg:$0xb];
	[sflag:s8] =	ssyncadd.s32 $0xFFFF8000  }
0x1a9: {  	[tilespmem:s2], [sflag:$0x1] =	stream.linear.gather [hbm4b:s14+s2], $0x8000, $0x38;
	[tilespmem:$0x18000] =	vst v63  }
0x1aa: {  	_ =	swait.ge [sflag:s11], $0x8000  }
0x1ab: {  	[sflag:s11] =	ssyncset.done $0x0  }
0x1ac: {  	s3 =	rddreg [dreg:$0xc];
	[sflag:s11] =	ssyncadd.s32 $0xFFFF8000  }
0x1ad: {  	[hbm4b:s3+s2] =	stream.linear.scatter [tilespmem:s7], [sflag:$0x4], $0x8000, $0x38;
	[tilespmem:$0x18000] =	vst v63  }
0x1ae: {  	s14 =	rddreg [dreg:$0xd]  }
0x1af: {  	[tilespmem:s4], [sflag:$0x5] =	stream.linear.gather [hbm4b:s14+s2], $0x8000, $0x38;
	[tilespmem:$0x18000] =	vst v63  }
0x1b0: {  	_ =	swait.ge [sflag:s5], $0x8000  }
0x1b1: {  	[sflag:s5] =	ssyncset.done $0x0  }
0x1b2: {  	s14 =	rddreg [dreg:$0xe];
	[sflag:s5] =	ssyncadd.s32 $0xFFFF8000  }
0x1b3: {  	[tilespmem:s7], [sflag:$0x2] =	stream.linear.gather [hbm4b:s14+s2], $0x8000, $0x38;
	[tilespmem:$0x18000] =	vst v63  }
0x1b4: {  	_ =	swait.ge [sflag:s21], $0x8000  }
0x1b5: {  	[sflag:s21] =	ssyncset.done $0x0  }
0x1b6: {  	[sflag:s21] =	ssyncadd.s32 $0xFFFF8000  }
0x1b7: {  	_ =	swait.ge [sflag:s13], $0x8000  }
0x1b8: {  	[sflag:s13] =	ssyncset.done $0x0  }
0x1b9: {  	s3 =	rddreg [dreg:$0xf];
	[sflag:s13] =	ssyncadd.s32 $0xFFFF8000  }
0x1ba: {  	[hbm4b:s3+s2] =	stream.linear.scatter [tilespmem:s2], [sflag:$0x3], $0x8000, $0x38;
	[tilespmem:$0x18000] =	vst v63  }
0x1bb: {  	_ =	swait.ge [sflag:s8], $0x8000  }
0x1bc: {  	[sflag:s8] =	ssyncset.done $0x0  }
0x1bd: {  	s14 =	rddreg [dreg:$0x10];
	[sflag:s8] =	ssyncadd.s32 $0xFFFF8000  }
0x1be: {  	[tilespmem:s2], [sflag:$0x1] =	stream.linear.gather [hbm4b:s14+s2], $0x8000, $0x38;
	[tilespmem:$0x18000] =	vst v63  }
0x1bf: {  	_ =	swait.ge [sflag:s11], $0x8000  }
0x1c0: {  	[sflag:s11] =	ssyncset.done $0x0  }
0x1c1: {  	s3 =	rddreg [dreg:$0x11];
	[sflag:s11] =	ssyncadd.s32 $0xFFFF8000  }
0x1c2: {  	[hbm4b:s3+s2] =	stream.linear.scatter [tilespmem:s7], [sflag:$0x4], $0x8000, $0x38;
	[tilespmem:$0x18000] =	vst v63  }
0x1c3: {  	_ =	swait.ge [sflag:s5], $0x8000  }
0x1c4: {  	[sflag:s5] =	ssyncset.done $0x0  }
0x1c5: {  	s14 =	rddreg [dreg:$0x12];
	[sflag:s5] =	ssyncadd.s32 $0xFFFF8000  }
0x1c6: {  	[tilespmem:s7], [sflag:$0x2] =	stream.linear.gather [hbm4b:s14+s2], $0x8000, $0x38;
	[tilespmem:$0x18000] =	vst v63  }
0x1c7: {  	_ =	swait.ge [sflag:s13], $0x8000  }
0x1c8: {  	[sflag:s13] =	ssyncset.done $0x0  }
0x1c9: {  	s3 =	rddreg [dreg:$0x13];
	[sflag:s13] =	ssyncadd.s32 $0xFFFF8000  }
0x1ca: {  	[hbm4b:s3+s2] =	stream.linear.scatter [tilespmem:s2], [sflag:$0x3], $0x8000, $0x38;
	[tilespmem:$0x18000] =	vst v63  }
0x1cb: {  	_ =	swait.ge [sflag:s8], $0x8000  }
0x1cc: {  	[sflag:s8] =	ssyncset.done $0x0  }
0x1cd: {  	s14 =	rddreg [dreg:$0x14];
	[sflag:s8] =	ssyncadd.s32 $0xFFFF8000  }
0x1ce: {  	[tilespmem:s2], [sflag:$0x1] =	stream.linear.gather [hbm4b:s14+s2], $0x8000, $0x38;
	[tilespmem:$0x18000] =	vst v63  }
0x1cf: {  	_ =	swait.ge [sflag:s11], $0x8000  }
0x1d0: {  	[sflag:s11] =	ssyncset.done $0x0  }
0x1d1: {  	s3 =	rddreg [dreg:$0x15];
	[sflag:s11] =	ssyncadd.s32 $0xFFFF8000  }
0x1d2: {  	[hbm4b:s3+s2] =	stream.linear.scatter [tilespmem:s7], [sflag:$0x4], $0x8000, $0x38;
	[tilespmem:$0x18000] =	vst v63  }
0x1d3: {  	s14 =	rddreg [dreg:$0x16]  }
0x1d4: {  	[tilespmem:s4], [sflag:$0x5] =	stream.linear.gather [hbm4b:s14+s2], $0x8000, $0x38;
	[tilespmem:$0x18000] =	vst v63  }
0x1d5: {  	_ =	swait.ge [sflag:s5], $0x8000  }
0x1d6: {  	[sflag:s5] =	ssyncset.done $0x0  }
0x1d7: {  	s14 =	rddreg [dreg:$0x17];
	[sflag:s5] =	ssyncadd.s32 $0xFFFF8000  }
0x1d8: {  	[tilespmem:s7], [sflag:$0x2] =	stream.linear.gather [hbm4b:s14+s2], $0x8000, $0x38;
	[tilespmem:$0x18000] =	vst v63  }
0x1d9: {  	_ =	swait.ge [sflag:s21], $0x8000  }
0x1da: {  	[sflag:s21] =	ssyncset.done $0x0  }
0x1db: {  	[sflag:s21] =	ssyncadd.s32 $0xFFFF8000  }
0x1dc: {  	_ =	swait.ge [sflag:s13], $0x8000  }
0x1dd: {  	[sflag:s13] =	ssyncset.done $0x0  }
0x1de: {  	s3 =	rddreg [dreg:$0x18];
	[sflag:s13] =	ssyncadd.s32 $0xFFFF8000  }
0x1df: {  	[hbm4b:s3+s2] =	stream.linear.scatter [tilespmem:s2], [sflag:$0x3], $0x8000, $0x38;
	[tilespmem:$0x18000] =	vst v63  }
0x1e0: {  	_ =	swait.ge [sflag:s8], $0x8000  }
0x1e1: {  	[sflag:s8] =	ssyncset.done $0x0  }
0x1e2: {  	s14 =	rddreg [dreg:$0x19];
	[sflag:s8] =	ssyncadd.s32 $0xFFFF8000  }
0x1e3: {  	[tilespmem:s2], [sflag:$0x1] =	stream.linear.gather [hbm4b:s14+s2], $0x8000, $0x38;
	[tilespmem:$0x18000] =	vst v63  }
0x1e4: {  	_ =	swait.ge [sflag:s11], $0x8000  }
0x1e5: {  	[sflag:s11] =	ssyncset.done $0x0  }
0x1e6: {  	s3 =	rddreg [dreg:$0x1a];
	[sflag:s11] =	ssyncadd.s32 $0xFFFF8000  }
0x1e7: {  	[hbm4b:s3+s2] =	stream.linear.scatter [tilespmem:s7], [sflag:$0x4], $0x8000, $0x38;
	[tilespmem:$0x18000] =	vst v63  }
0x1e8: {  	_ =	swait.ge [sflag:s5], $0x8000  }
0x1e9: {  	[sflag:s5] =	ssyncset.done $0x0  }
0x1ea: {  	s14 =	rddreg [dreg:$0x1b];
	[sflag:s5] =	ssyncadd.s32 $0xFFFF8000  }
0x1eb: {  	[tilespmem:s7], [sflag:$0x2] =	stream.linear.gather [hbm4b:s14+s2], $0x8000, $0x38;
	[tilespmem:$0x18000] =	vst v63  }
0x1ec: {  	_ =	swait.ge [sflag:s13], $0x8000  }
0x1ed: {  	[sflag:s13] =	ssyncset.done $0x0  }
0x1ee: {  	s3 =	rddreg [dreg:$0x1c];
	[sflag:s13] =	ssyncadd.s32 $0xFFFF8000  }
0x1ef: {  	[hbm4b:s3+s2] =	stream.linear.scatter [tilespmem:s2], [sflag:$0x3], $0x8000, $0x38;
	[tilespmem:$0x18000] =	vst v63  }
0x1f0: {  	_ =	swait.ge [sflag:s8], $0x8000  }
0x1f1: {  	[sflag:s8] =	ssyncset.done $0x0  }
0x1f2: {  	s14 =	rddreg [dreg:$0x1d];
	[sflag:s8] =	ssyncadd.s32 $0xFFFF8000  }
0x1f3: {  	[tilespmem:s2], [sflag:$0x1] =	stream.linear.gather [hbm4b:s14+s2], $0x8000, $0x38;
	[tilespmem:$0x18000] =	vst v63  }
0x1f4: {  	_ =	swait.ge [sflag:s11], $0x8000  }
0x1f5: {  	[sflag:s11] =	ssyncset.done $0x0  }
0x1f6: {  	s3 =	rddreg [dreg:$0x1e];
	[sflag:s11] =	ssyncadd.s32 $0xFFFF8000  }
0x1f7: {  	[hbm4b:s3+s2] =	stream.linear.scatter [tilespmem:s7], [sflag:$0x4], $0x8000, $0x38;
	[tilespmem:$0x18000] =	vst v63  }
0x1f8: {  	s14 =	rddreg [dreg:$0x1f]  }
0x1f9: {  	[tilespmem:s4], [sflag:$0x5] =	stream.linear.gather [hbm4b:s14+s2], $0x8000, $0x38;
	[tilespmem:$0x18000] =	vst v63  }
0x1fa: {  	_ =	swait.ge [sflag:s5], $0x8000  }
0x1fb: {  	s14 =	sld [smem:$0x7E8]  }
0x1fc: {  	[sflag:s5] =	ssyncset.done $0x0  }
0x1fd: {  	[sflag:s5] =	ssyncadd.s32 $0xFFFF8000  }
0x1fe: {  	[tilespmem:s7], [sflag:$0x2] =	stream.linear.gather [hbm4b:s14+s2], $0x8000, $0x38;
	[tilespmem:$0x18000] =	vst v63  }
0x1ff: {  	_ =	swait.ge [sflag:s21], $0x8000  }
0x200: {  	[sflag:s21] =	ssyncset.done $0x0  }
0x201: {  	[sflag:s21] =	ssyncadd.s32 $0xFFFF8000  }
0x202: {  	_ =	swait.ge [sflag:s13], $0x8000  }
0x203: {  	s3 =	sld [smem:$0x7E9]  }
0x204: {  	[sflag:s13] =	ssyncset.done $0x0  }
0x205: {  	[sflag:s13] =	ssyncadd.s32 $0xFFFF8000  }
0x206: {  	[hbm4b:s3+s2] =	stream.linear.scatter [tilespmem:s2], [sflag:$0x3], $0x8000, $0x38;
	[tilespmem:$0x18000] =	vst v63  }
0x207: {  	_ =	swait.ge [sflag:s8], $0x8000  }
0x208: {  	s14 =	sld [smem:$0x7EA]  }
0x209: {  	[sflag:s8] =	ssyncset.done $0x0  }
0x20a: {  	[sflag:s8] =	ssyncadd.s32 $0xFFFF8000  }
0x20b: {  	[tilespmem:s2], [sflag:$0x1] =	stream.linear.gather [hbm4b:s14+s2], $0x8000, $0x38;
	[tilespmem:$0x18000] =	vst v63  }
0x20c: {  	_ =	swait.ge [sflag:s11], $0x8000  }
0x20d: {  	s3 =	sld [smem:$0x7EB]  }
0x20e: {  	[sflag:s11] =	ssyncset.done $0x0  }
0x20f: {  	[sflag:s11] =	ssyncadd.s32 $0xFFFF8000  }
0x210: {  	[hbm4b:s3+s2] =	stream.linear.scatter [tilespmem:s7], [sflag:$0x4], $0x8000, $0x38;
	[tilespmem:$0x18000] =	vst v63  }
0x211: {  	_ =	swait.ge [sflag:s5], $0x8000  }
0x212: {  	s14 =	sld [smem:$0x7EC]  }
0x213: {  	[sflag:s5] =	ssyncset.done $0x0  }
0x214: {  	[sflag:s5] =	ssyncadd.s32 $0xFFFF8000  }
0x215: {  	[tilespmem:s7], [sflag:$0x2] =	stream.linear.gather [hbm4b:s14+s2], $0x8000, $0x38;
	[tilespmem:$0x18000] =	vst v63  }
0x216: {  	_ =	swait.ge [sflag:s13], $0x8000  }
0x217: {  	s3 =	sld [smem:$0x7ED]  }
0x218: {  	[sflag:s13] =	ssyncset.done $0x0  }
0x219: {  	[sflag:s13] =	ssyncadd.s32 $0xFFFF8000  }
0x21a: {  	[hbm4b:s3+s2] =	stream.linear.scatter [tilespmem:s2], [sflag:$0x3], $0x8000, $0x38;
	[tilespmem:$0x18000] =	vst v63  }
0x21b: {  	_ =	swait.ge [sflag:s8], $0x8000  }
0x21c: {  	s14 =	sld [smem:$0x7EE]  }
0x21d: {  	[sflag:s8] =	ssyncset.done $0x0  }
0x21e: {  	[sflag:s8] =	ssyncadd.s32 $0xFFFF8000  }
0x21f: {  	[tilespmem:s2], [sflag:$0x1] =	stream.linear.gather [hbm4b:s14+s2], $0x8000, $0x38;
	[tilespmem:$0x18000] =	vst v63  }
0x220: {  	_ =	swait.ge [sflag:s11], $0x8000  }
0x221: {  	s3 =	sld [smem:$0x7EF]  }
0x222: {  	[sflag:s11] =	ssyncset.done $0x0  }
0x223: {  	s14 =	sld [smem:$0x7F0];
	[sflag:s11] =	ssyncadd.s32 $0xFFFF8000  }
0x224: {  	[hbm4b:s3+s2] =	stream.linear.scatter [tilespmem:s7], [sflag:$0x4], $0x8000, $0x38;
	[tilespmem:$0x18000] =	vst v63  }
0x225: {  	_ = 	snop  }
0x226: {  	[tilespmem:s4], [sflag:$0x5] =	stream.linear.gather [hbm4b:s14+s2], $0x8000, $0x38;
	[tilespmem:$0x18000] =	vst v63  }
0x227: {  	_ =	swait.ge [sflag:s5], $0x8000  }
0x228: {  	s14 =	sld [smem:$0x7F1]  }
0x229: {  	[sflag:s5] =	ssyncset.done $0x0  }
0x22a: {  	[sflag:s5] =	ssyncadd.s32 $0xFFFF8000  }
0x22b: {  	[tilespmem:s7], [sflag:$0x2] =	stream.linear.gather [hbm4b:s14+s2], $0x8000, $0x38;
	[tilespmem:$0x18000] =	vst v63  }
0x22c: {  	_ =	swait.ge [sflag:s21], $0x8000  }
0x22d: {  	[sflag:s21] =	ssyncset.done $0x0  }
0x22e: {  	[sflag:s21] =	ssyncadd.s32 $0xFFFF8000  }
0x22f: {  	_ =	swait.ge [sflag:s13], $0x8000  }
0x230: {  	s3 =	sld [smem:$0x7F2]  }
0x231: {  	[sflag:s13] =	ssyncset.done $0x0  }
0x232: {  	[sflag:s13] =	ssyncadd.s32 $0xFFFF8000  }
0x233: {  	[hbm4b:s3+s2] =	stream.linear.scatter [tilespmem:s2], [sflag:$0x3], $0x8000, $0x38;
	[tilespmem:$0x18000] =	vst v63  }
0x234: {  	_ =	swait.ge [sflag:s8], $0x8000  }
0x235: {  	s14 =	sld [smem:$0x7F3]  }
0x236: {  	[sflag:s8] =	ssyncset.done $0x0  }
0x237: {  	[sflag:s8] =	ssyncadd.s32 $0xFFFF8000  }
0x238: {  	[tilespmem:s2], [sflag:$0x1] =	stream.linear.gather [hbm4b:s14+s2], $0x8000, $0x38;
	[tilespmem:$0x18000] =	vst v63  }
0x239: {  	_ =	swait.ge [sflag:s11], $0x8000  }
0x23a: {  	s3 =	sld [smem:$0x7F4]  }
0x23b: {  	[sflag:s11] =	ssyncset.done $0x0  }
0x23c: {  	[sflag:s11] =	ssyncadd.s32 $0xFFFF8000  }
0x23d: {  	[hbm4b:s3+s2] =	stream.linear.scatter [tilespmem:s7], [sflag:$0x4], $0x8000, $0x38;
	[tilespmem:$0x18000] =	vst v63  }
0x23e: {  	_ =	swait.ge [sflag:s5], $0x8000  }
0x23f: {  	s14 =	sld [smem:$0x7F5]  }
0x240: {  	[sflag:s5] =	ssyncset.done $0x0  }
0x241: {  	[sflag:s5] =	ssyncadd.s32 $0xFFFF8000  }
0x242: {  	[tilespmem:s7], [sflag:$0x2] =	stream.linear.gather [hbm4b:s14+s2], $0x8000, $0x38;
	[tilespmem:$0x18000] =	vst v63  }
0x243: {  	_ =	swait.ge [sflag:s13], $0x8000  }
0x244: {  	s3 =	sld [smem:$0x7F6]  }
0x245: {  	[sflag:s13] =	ssyncset.done $0x0  }
0x246: {  	[sflag:s13] =	ssyncadd.s32 $0xFFFF8000  }
0x247: {  	[hbm4b:s3+s2] =	stream.linear.scatter [tilespmem:s2], [sflag:$0x3], $0x8000, $0x38;
	[tilespmem:$0x18000] =	vst v63  }
0x248: {  	_ =	swait.ge [sflag:s8], $0x8000  }
0x249: {  	s14 =	sld [smem:$0x7F7]  }
0x24a: {  	[sflag:s8] =	ssyncset.done $0x0  }
0x24b: {  	[sflag:s8] =	ssyncadd.s32 $0xFFFF8000  }
0x24c: {  	[tilespmem:s2], [sflag:$0x1] =	stream.linear.gather [hbm4b:s14+s2], $0x8000, $0x38;
	[tilespmem:$0x18000] =	vst v63  }
0x24d: {  	_ =	swait.ge [sflag:s11], $0x8000  }
0x24e: {  	s3 =	sld [smem:$0x7F8]  }
0x24f: {  	[sflag:s11] =	ssyncset.done $0x0  }
0x250: {  	s14 =	sld [smem:$0x7F9];
	[sflag:s11] =	ssyncadd.s32 $0xFFFF8000  }
0x251: {  	[hbm4b:s3+s2] =	stream.linear.scatter [tilespmem:s7], [sflag:$0x4], $0x8000, $0x38;
	[tilespmem:$0x18000] =	vst v63  }
0x252: {  	_ = 	snop  }
0x253: {  	[tilespmem:s4], [sflag:$0x5] =	stream.linear.gather [hbm4b:s14+s2], $0x8000, $0x38;
	[tilespmem:$0x18000] =	vst v63  }
0x254: {  	s14 =	smov.u32 s16;
	s16 =	smov.u32 s18  }
0x255: {  	s18 =	smov.u32 s20;
	s20 =	smov.u32 s23;
	s23 =	smov.u32 s24  }
0x256: {  	s24 =	smov.u32 s25;
	s25 =	smov.u32 s26;
	s26 =	smov.u32 s28  }
0x257: {  	s28 =	smov.u32 s29;
	s29 =	smov.u32 s30;
	s30 =	sld [smem:$0x7E7]  }
0x258: {  	s4 =	sld [smem:$0x7E6];
	_ =	swait.ge [sflag:s5], $0x8000  }
0x259: {  	s1 =	sld [smem:$0x7FA]  }
0x25a: {  	[sflag:s5] =	ssyncset.done $0x0  }
0x25b: {  	[sflag:s5] =	ssyncadd.s32 $0xFFFF8000  }
0x25c: {  	[tilespmem:s7], [sflag:$0x2] =	stream.linear.gather [hbm4b:s1+s2], $0x8000, $0x38;
	[tilespmem:$0x18000] =	vst v63  }
0x25d: {  	_ =	swait.ge [sflag:s21], $0x8000  }
0x25e: {  	[sflag:s21] =	ssyncset.done $0x0  }
0x25f: {  	[sflag:s21] =	ssyncadd.s32 $0xFFFF8000  }
0x260: {  	_ =	swait.ge [sflag:s13], $0x8000  }
0x261: {  	s1 =	sld [smem:$0x7FB]  }
0x262: {  	[sflag:s13] =	ssyncset.done $0x0  }
0x263: {  	[sflag:s13] =	ssyncadd.s32 $0xFFFF8000  }
0x264: {  	[hbm4b:s1+s2] =	stream.linear.scatter [tilespmem:s2], [sflag:$0x3], $0x8000, $0x38;
	[tilespmem:$0x18000] =	vst v63  }
0x265: {  	_ =	swait.ge [sflag:s8], $0x8000  }
0x266: {  	s1 =	sld [smem:$0x7FC]  }
0x267: {  	[sflag:s8] =	ssyncset.done $0x0  }
0x268: {  	[sflag:s8] =	ssyncadd.s32 $0xFFFF8000  }
0x269: {  	[tilespmem:s2], [sflag:$0x1] =	stream.linear.gather [hbm4b:s1+s2], $0x8000, $0x38;
	[tilespmem:$0x18000] =	vst v63  }
0x26a: {  	_ =	swait.ge [sflag:s11], $0x8000  }
0x26b: {  	s1 =	sld [smem:$0x7FD]  }
0x26c: {  	[sflag:s11] =	ssyncset.done $0x0  }
0x26d: {  	[sflag:s11] =	ssyncadd.s32 $0xFFFF8000  }
0x26e: {  	[hbm4b:s1+s2] =	stream.linear.scatter [tilespmem:s7], [sflag:$0x4], $0x8000, $0x38;
	[tilespmem:$0x18000] =	vst v63  }
0x26f: {  	_ =	swait.ge [sflag:s5], $0x8000  }
0x270: {  	[sflag:s5] =	ssyncset.done $0x0  }
0x271: {  	[sflag:s5] =	ssyncadd.s32 $0xFFFF8000  }
0x272: {  	[tilespmem:s7], [sflag:$0x2] =	stream.linear.gather [hbm4b:s4+s2], $0x8000, $0x38;
	[tilespmem:$0x18000] =	vst v63  }
0x273: {  	_ =	swait.ge [sflag:s13], $0x8000  }
0x274: {  	[sflag:s13] =	ssyncset.done $0x0  }
0x275: {  	[sflag:s13] =	ssyncadd.s32 $0xFFFF8000  }
0x276: {  	[hbm4b:s30+s2] =	stream.linear.scatter [tilespmem:s2], [sflag:$0x3], $0x8000, $0x38;
	[tilespmem:$0x18000] =	vst v63  }
0x277: {  	_ =	swait.ge [sflag:s8], $0x8000  }
0x278: {  	[sflag:s8] =	ssyncset.done $0x0  }
0x279: {  	[sflag:s8] =	ssyncadd.s32 $0xFFFF8000  }
0x27a: {  	[tilespmem:s2], [sflag:$0x1] =	stream.linear.gather [hbm4b:s29+s2], $0x8000, $0x38;
	[tilespmem:$0x18000] =	vst v63  }
0x27b: {  	_ =	swait.ge [sflag:s11], $0x8000  }
0x27c: {  	s3 =	smov.u32 s9;
	s9 =	smov.u32 s12;
	[sflag:s11] =	ssyncset.done $0x0  }
0x27d: {  	s12 =	smov.u32 s15;
	s15 =	smov.u32 s17;
	[sflag:s11] =	ssyncadd.s32 $0xFFFF8000  }
0x27e: {  	[hbm4b:s26+s2] =	stream.linear.scatter [tilespmem:s7], [sflag:$0x4], $0x8000, $0x38;
	[tilespmem:$0x18000] =	vst v63  }
0x27f: {  	s17 =	smov.u32 s19;
	s19 =	smov.u32 s22;
	s22 =	simm.s32 $0x10000  }
0x280: {  	[tilespmem:s22], [sflag:$0x5] =	stream.linear.gather [hbm4b:s28+s2], $0x8000, $0x38;
	[tilespmem:$0x18000] =	vst v63  }
0x281: {  	_ =	swait.ge [sflag:s5], $0x8000  }
0x282: {  	[sflag:s5] =	ssyncset.done $0x0  }
0x283: {  	[sflag:s5] =	ssyncadd.s32 $0xFFFF8000  }
0x284: {  	[tilespmem:s7], [sflag:$0x2] =	stream.linear.gather [hbm4b:s25+s2], $0x8000, $0x38;
	[tilespmem:$0x18000] =	vst v63  }
0x285: {  	_ =	swait.ge [sflag:s21], $0x8000  }
0x286: {  	[sflag:s21] =	ssyncset.done $0x0  }
0x287: {  	[sflag:s21] =	ssyncadd.s32 $0xFFFF8000  }
0x288: {  	_ =	swait.ge [sflag:s13], $0x8000  }
0x289: {  	[sflag:s13] =	ssyncset.done $0x0  }
0x28a: {  	[sflag:s13] =	ssyncadd.s32 $0xFFFF8000  }
0x28b: {  	[hbm4b:s24+s2] =	stream.linear.scatter [tilespmem:s2], [sflag:$0x3], $0x8000, $0x38;
	[tilespmem:$0x18000] =	vst v63  }
0x28c: {  	_ =	swait.ge [sflag:s8], $0x8000  }
0x28d: {  	[sflag:s8] =	ssyncset.done $0x0  }
0x28e: {  	[sflag:s8] =	ssyncadd.s32 $0xFFFF8000  }
0x28f: {  	[tilespmem:s2], [sflag:$0x1] =	stream.linear.gather [hbm4b:s23+s2], $0x8000, $0x38;
	[tilespmem:$0x18000] =	vst v63  }
0x290: {  	_ =	swait.ge [sflag:s11], $0x8000  }
0x291: {  	[sflag:s11] =	ssyncset.done $0x0  }
0x292: {  	[sflag:s11] =	ssyncadd.s32 $0xFFFF8000  }
0x293: {  	[hbm4b:s20+s2] =	stream.linear.scatter [tilespmem:s7], [sflag:$0x4], $0x8000, $0x38;
	[tilespmem:$0x18000] =	vst v63  }
0x294: {  	_ =	swait.ge [sflag:s5], $0x8000  }
0x295: {  	[sflag:s5] =	ssyncset.done $0x0  }
0x296: {  	[sflag:s5] =	ssyncadd.s32 $0xFFFF8000  }
0x297: {  	[tilespmem:s7], [sflag:$0x2] =	stream.linear.gather [hbm4b:s19+s2], $0x8000, $0x38;
	[tilespmem:$0x18000] =	vst v63  }
0x298: {  	_ =	swait.ge [sflag:s13], $0x8000  }
0x299: {  	[sflag:s13] =	ssyncset.done $0x0  }
0x29a: {  	[sflag:s13] =	ssyncadd.s32 $0xFFFF8000  }
0x29b: {  	[hbm4b:s18+s2] =	stream.linear.scatter [tilespmem:s2], [sflag:$0x3], $0x8000, $0x38;
	[tilespmem:$0x18000] =	vst v63  }
0x29c: {  	_ =	swait.ge [sflag:s8], $0x8000  }
0x29d: {  	[sflag:s8] =	ssyncset.done $0x0  }
0x29e: {  	[sflag:s8] =	ssyncadd.s32 $0xFFFF8000  }
0x29f: {  	[tilespmem:s2], [sflag:$0x1] =	stream.linear.gather [hbm4b:s17+s2], $0x8000, $0x38;
	[tilespmem:$0x18000] =	vst v63  }
0x2a0: {  	_ =	swait.ge [sflag:s11], $0x8000  }
0x2a1: {  	[sflag:s11] =	ssyncset.done $0x0  }
0x2a2: {  	[sflag:s11] =	ssyncadd.s32 $0xFFFF8000  }
0x2a3: {  	[hbm4b:s15+s2] =	stream.linear.scatter [tilespmem:s7], [sflag:$0x4], $0x8000, $0x38;
	[tilespmem:$0x18000] =	vst v63  }
0x2a4: {  	_ = 	snop  }
0x2a5: {  	[tilespmem:s22], [sflag:$0x5] =	stream.linear.gather [hbm4b:s16+s2], $0x8000, $0x38;
	[tilespmem:$0x18000] =	vst v63  }
0x2a6: {  	_ =	swait.ge [sflag:s5], $0x8000  }
0x2a7: {  	[sflag:s5] =	ssyncset.done $0x0  }
0x2a8: {  	[sflag:s5] =	ssyncadd.s32 $0xFFFF8000  }
0x2a9: {  	[tilespmem:s7], [sflag:$0x2] =	stream.linear.gather [hbm4b:s14+s2], $0x8000, $0x38;
	[tilespmem:$0x18000] =	vst v63  }
0x2aa: {  	_ =	swait.ge [sflag:s21], $0x8000  }
0x2ab: {  	[sflag:s21] =	ssyncset.done $0x0  }
0x2ac: {  	[sflag:s21] =	ssyncadd.s32 $0xFFFF8000  }
0x2ad: {  	_ =	swait.ge [sflag:s13], $0x8000  }
0x2ae: {  	[sflag:s13] =	ssyncset.done $0x0  }
0x2af: {  	[sflag:s13] =	ssyncadd.s32 $0xFFFF8000  }
0x2b0: {  	[hbm4b:s12+s2] =	stream.linear.scatter [tilespmem:s2], [sflag:$0x3], $0x8000, $0x38;
	[tilespmem:$0x18000] =	vst v63  }
0x2b1: {  	_ =	swait.ge [sflag:s8], $0x8000  }
0x2b2: {  	[sflag:s8] =	ssyncset.done $0x0  }
0x2b3: {  	[sflag:s8] =	ssyncadd.s32 $0xFFFF8000  }
0x2b4: {  	[tilespmem:s2], [sflag:$0x1] =	stream.linear.gather [hbm4b:s10+s2], $0x8000, $0x38;
	[tilespmem:$0x18000] =	vst v63  }
0x2b5: {  	_ =	swait.ge [sflag:s11], $0x8000  }
0x2b6: {  	[sflag:s11] =	ssyncset.done $0x0  }
0x2b7: {  	[sflag:s11] =	ssyncadd.s32 $0xFFFF8000  }
0x2b8: {  	[hbm4b:s9+s2] =	stream.linear.scatter [tilespmem:s7], [sflag:$0x4], $0x8000, $0x38;
	[tilespmem:$0x18000] =	vst v63  }
0x2b9: {  	_ =	swait.ge [sflag:s5], $0x8000  }
0x2ba: {  	[sflag:s5] =	ssyncset.done $0x0  }
0x2bb: {  	[sflag:s5] =	ssyncadd.s32 $0xFFFF8000  }
0x2bc: {  	[tilespmem:s7], [sflag:$0x2] =	stream.linear.gather [hbm4b:s6+s2], $0x8000, $0x38;
	[tilespmem:$0x18000] =	vst v63  }
0x2bd: {  	_ =	swait.ge [sflag:s13], $0x8000  }
0x2be: {  	[sflag:s13] =	ssyncset.done $0x0  }
0x2bf: {  	[sflag:s13] =	ssyncadd.s32 $0xFFFF8000  }
0x2c0: {  	[hbm4b:s3+s2] =	stream.linear.scatter [tilespmem:s2], [sflag:$0x3], $0x8000, $0x38;
	[tilespmem:$0x18000] =	vst v63  }
0x2c1: {  	_ =	swait.ge [sflag:s11], $0x8000  }
0x2c2: {  	[sflag:s11] =	ssyncset.done $0x0  }
0x2c3: {  	p1 =	sne.s32 s0, $0x1;
	[sflag:s11] =	ssyncadd.s32 $0xFFFF8000  }
0x2c4: {  	[hbm4b:s31+s2] =	stream.linear.scatter [tilespmem:s7], [sflag:$0x4], $0x8000, $0x38;
	[tilespmem:$0x18000] =	vst v63  }
.Ltmp2:
0x2c5: {  	_ =	swait.ge [sflag:s8], $0x8000;
	(pc) =	sbr.rel @p1 .LBB2_2-.Ltmp2, $4  }
0x2c6: {  	[sflag:s8] =	ssyncset.done $0x0  }
0x2c7: {  	[sflag:s8] =	ssyncadd.s32 $0xFFFF8000  }
0x2c8: {  	_ =	swait.ge [sflag:s5], $0x8000  }
0x2c9: {  	s0 =	sadd.s32 $0xFFFFFFFF, s0;
	s1 =	rddreg [dreg:$0x3];
	[sflag:s5] =	ssyncset.done $0x0  }
.LBB2_3:
0x2ca: {  	[sflag:s5] =	ssyncadd.s32 @p0 $0xFFFF8000  }
0x2cb: {  	[tilespmem:s22], [sflag:$0x5] =	stream.linear.gather [hbm4b:s1+s2], $0x8000, $0x38;
	[tilespmem:$0x18000] =	vst v63  }
0x2cc: {  	s0 =	rddreg [dreg:$0x4]  }
0x2cd: {  	[tilespmem:s2], [sflag:$0x1] =	stream.linear.gather [hbm4b:s0+s2], $0x8000, $0x38;
	[tilespmem:$0x18000] =	vst v63  }
0x2ce: {  	s1 =	rddreg [dreg:$0x5]  }
0x2cf: {  	[tilespmem:s7], [sflag:$0x2] =	stream.linear.gather [hbm4b:s1+s2], $0x8000, $0x38;
	[tilespmem:$0x18000] =	vst v63  }
0x2d0: {  	_ =	swait.ge [sflag:s21], $0x8000  }
0x2d1: {  	[sflag:s21] =	ssyncset.done $0x0  }
0x2d2: {  	[sflag:s21] =	ssyncadd.s32 $0xFFFF8000  }
0x2d3: {  	_ =	swait.ge [sflag:s13], $0x8000  }
0x2d4: {  	[sflag:s13] =	ssyncset.done $0x0  }
0x2d5: {  	s1 =	rddreg [dreg:$0x6];
	[sflag:s13] =	ssyncadd.s32 $0xFFFF8000  }
0x2d6: {  	[hbm4b:s1+s2] =	stream.linear.scatter [tilespmem:s2], [sflag:$0x3], $0x8000, $0x38;
	[tilespmem:$0x18000] =	vst v63  }
0x2d7: {  	_ =	swait.ge [sflag:s8], $0x8000  }
0x2d8: {  	[sflag:s8] =	ssyncset.done $0x0  }
0x2d9: {  	s1 =	rddreg [dreg:$0x7];
	[sflag:s8] =	ssyncadd.s32 $0xFFFF8000  }
0x2da: {  	[tilespmem:s2], [sflag:$0x1] =	stream.linear.gather [hbm4b:s1+s2], $0x8000, $0x38;
	[tilespmem:$0x18000] =	vst v63  }
0x2db: {  	_ =	swait.ge [sflag:s11], $0x8000  }
0x2dc: {  	[sflag:s11] =	ssyncset.done $0x0  }
0x2dd: {  	s1 =	rddreg [dreg:$0x8];
	[sflag:s11] =	ssyncadd.s32 $0xFFFF8000  }
0x2de: {  	[hbm4b:s1+s2] =	stream.linear.scatter [tilespmem:s7], [sflag:$0x4], $0x8000, $0x38;
	[tilespmem:$0x18000] =	vst v63  }
0x2df: {  	_ =	swait.ge [sflag:s5], $0x8000  }
0x2e0: {  	[sflag:s5] =	ssyncset.done $0x0  }
0x2e1: {  	s1 =	rddreg [dreg:$0x9];
	[sflag:s5] =	ssyncadd.s32 $0xFFFF8000  }
0x2e2: {  	[tilespmem:s7], [sflag:$0x2] =	stream.linear.gather [hbm4b:s1+s2], $0x8000, $0x38;
	[tilespmem:$0x18000] =	vst v63  }
0x2e3: {  	_ =	swait.ge [sflag:s13], $0x8000  }
0x2e4: {  	[sflag:s13] =	ssyncset.done $0x0  }
0x2e5: {  	s1 =	rddreg [dreg:$0xa];
	[sflag:s13] =	ssyncadd.s32 $0xFFFF8000  }
0x2e6: {  	[hbm4b:s1+s2] =	stream.linear.scatter [tilespmem:s2], [sflag:$0x3], $0x8000, $0x38;
	[tilespmem:$0x18000] =	vst v63  }
0x2e7: {  	_ =	swait.ge [sflag:s8], $0x8000  }
0x2e8: {  	[sflag:s8] =	ssyncset.done $0x0  }
0x2e9: {  	s1 =	rddreg [dreg:$0xb];
	[sflag:s8] =	ssyncadd.s32 $0xFFFF8000  }
0x2ea: {  	[tilespmem:s2], [sflag:$0x1] =	stream.linear.gather [hbm4b:s1+s2], $0x8000, $0x38;
	[tilespmem:$0x18000] =	vst v63  }
0x2eb: {  	_ =	swait.ge [sflag:s11], $0x8000  }
0x2ec: {  	[sflag:s11] =	ssyncset.done $0x0  }
0x2ed: {  	s0 =	rddreg [dreg:$0xc];
	[sflag:s11] =	ssyncadd.s32 $0xFFFF8000  }
0x2ee: {  	[hbm4b:s0+s2] =	stream.linear.scatter [tilespmem:s7], [sflag:$0x4], $0x8000, $0x38;
	[tilespmem:$0x18000] =	vst v63  }
0x2ef: {  	s1 =	rddreg [dreg:$0xd]  }
0x2f0: {  	[tilespmem:s22], [sflag:$0x5] =	stream.linear.gather [hbm4b:s1+s2], $0x8000, $0x38;
	[tilespmem:$0x18000] =	vst v63  }
0x2f1: {  	_ =	swait.ge [sflag:s5], $0x8000  }
0x2f2: {  	[sflag:s5] =	ssyncset.done $0x0  }
0x2f3: {  	s1 =	rddreg [dreg:$0xe];
	[sflag:s5] =	ssyncadd.s32 $0xFFFF8000  }
0x2f4: {  	[tilespmem:s7], [sflag:$0x2] =	stream.linear.gather [hbm4b:s1+s2], $0x8000, $0x38;
	[tilespmem:$0x18000] =	vst v63  }
0x2f5: {  	_ =	swait.ge [sflag:s21], $0x8000  }
0x2f6: {  	[sflag:s21] =	ssyncset.done $0x0  }
0x2f7: {  	[sflag:s21] =	ssyncadd.s32 $0xFFFF8000  }
0x2f8: {  	_ =	swait.ge [sflag:s13], $0x8000  }
0x2f9: {  	[sflag:s13] =	ssyncset.done $0x0  }
0x2fa: {  	s1 =	rddreg [dreg:$0xf];
	[sflag:s13] =	ssyncadd.s32 $0xFFFF8000  }
0x2fb: {  	[hbm4b:s1+s2] =	stream.linear.scatter [tilespmem:s2], [sflag:$0x3], $0x8000, $0x38;
	[tilespmem:$0x18000] =	vst v63  }
0x2fc: {  	_ =	swait.ge [sflag:s8], $0x8000  }
0x2fd: {  	[sflag:s8] =	ssyncset.done $0x0  }
0x2fe: {  	s1 =	rddreg [dreg:$0x10];
	[sflag:s8] =	ssyncadd.s32 $0xFFFF8000  }
0x2ff: {  	[tilespmem:s2], [sflag:$0x1] =	stream.linear.gather [hbm4b:s1+s2], $0x8000, $0x38;
	[tilespmem:$0x18000] =	vst v63  }
0x300: {  	_ =	swait.ge [sflag:s11], $0x8000  }
0x301: {  	[sflag:s11] =	ssyncset.done $0x0  }
0x302: {  	s1 =	rddreg [dreg:$0x11];
	[sflag:s11] =	ssyncadd.s32 $0xFFFF8000  }
0x303: {  	[hbm4b:s1+s2] =	stream.linear.scatter [tilespmem:s7], [sflag:$0x4], $0x8000, $0x38;
	[tilespmem:$0x18000] =	vst v63  }
0x304: {  	_ =	swait.ge [sflag:s5], $0x8000  }
0x305: {  	[sflag:s5] =	ssyncset.done $0x0  }
0x306: {  	s1 =	rddreg [dreg:$0x12];
	[sflag:s5] =	ssyncadd.s32 $0xFFFF8000  }
0x307: {  	[tilespmem:s7], [sflag:$0x2] =	stream.linear.gather [hbm4b:s1+s2], $0x8000, $0x38;
	[tilespmem:$0x18000] =	vst v63  }
0x308: {  	_ =	swait.ge [sflag:s13], $0x8000  }
0x309: {  	[sflag:s13] =	ssyncset.done $0x0  }
0x30a: {  	s1 =	rddreg [dreg:$0x13];
	[sflag:s13] =	ssyncadd.s32 $0xFFFF8000  }
0x30b: {  	[hbm4b:s1+s2] =	stream.linear.scatter [tilespmem:s2], [sflag:$0x3], $0x8000, $0x38;
	[tilespmem:$0x18000] =	vst v63  }
0x30c: {  	_ =	swait.ge [sflag:s8], $0x8000  }
0x30d: {  	[sflag:s8] =	ssyncset.done $0x0  }
0x30e: {  	s1 =	rddreg [dreg:$0x14];
	[sflag:s8] =	ssyncadd.s32 $0xFFFF8000  }
0x30f: {  	[tilespmem:s2], [sflag:$0x1] =	stream.linear.gather [hbm4b:s1+s2], $0x8000, $0x38;
	[tilespmem:$0x18000] =	vst v63  }
0x310: {  	_ =	swait.ge [sflag:s11], $0x8000  }
0x311: {  	[sflag:s11] =	ssyncset.done $0x0  }
0x312: {  	s0 =	rddreg [dreg:$0x15];
	[sflag:s11] =	ssyncadd.s32 $0xFFFF8000  }
0x313: {  	[hbm4b:s0+s2] =	stream.linear.scatter [tilespmem:s7], [sflag:$0x4], $0x8000, $0x38;
	[tilespmem:$0x18000] =	vst v63  }
0x314: {  	s1 =	rddreg [dreg:$0x16]  }
0x315: {  	[tilespmem:s22], [sflag:$0x5] =	stream.linear.gather [hbm4b:s1+s2], $0x8000, $0x38;
	[tilespmem:$0x18000] =	vst v63  }
0x316: {  	_ =	swait.ge [sflag:s5], $0x8000  }
0x317: {  	[sflag:s5] =	ssyncset.done $0x0  }
0x318: {  	s1 =	rddreg [dreg:$0x17];
	[sflag:s5] =	ssyncadd.s32 $0xFFFF8000  }
0x319: {  	[tilespmem:s7], [sflag:$0x2] =	stream.linear.gather [hbm4b:s1+s2], $0x8000, $0x38;
	[tilespmem:$0x18000] =	vst v63  }
0x31a: {  	_ =	swait.ge [sflag:s21], $0x8000  }
0x31b: {  	[sflag:s21] =	ssyncset.done $0x0  }
0x31c: {  	[sflag:s21] =	ssyncadd.s32 $0xFFFF8000  }
0x31d: {  	_ =	swait.ge [sflag:s13], $0x8000  }
0x31e: {  	[sflag:s13] =	ssyncset.done $0x0  }
0x31f: {  	s1 =	rddreg [dreg:$0x18];
	[sflag:s13] =	ssyncadd.s32 $0xFFFF8000  }
0x320: {  	[hbm4b:s1+s2] =	stream.linear.scatter [tilespmem:s2], [sflag:$0x3], $0x8000, $0x38;
	[tilespmem:$0x18000] =	vst v63  }
0x321: {  	_ =	swait.ge [sflag:s8], $0x8000  }
0x322: {  	[sflag:s8] =	ssyncset.done $0x0  }
0x323: {  	s1 =	rddreg [dreg:$0x19];
	[sflag:s8] =	ssyncadd.s32 $0xFFFF8000  }
0x324: {  	[tilespmem:s2], [sflag:$0x1] =	stream.linear.gather [hbm4b:s1+s2], $0x8000, $0x38;
	[tilespmem:$0x18000] =	vst v63  }
0x325: {  	_ =	swait.ge [sflag:s11], $0x8000  }
0x326: {  	[sflag:s11] =	ssyncset.done $0x0  }
0x327: {  	s1 =	rddreg [dreg:$0x1a];
	[sflag:s11] =	ssyncadd.s32 $0xFFFF8000  }
0x328: {  	[hbm4b:s1+s2] =	stream.linear.scatter [tilespmem:s7], [sflag:$0x4], $0x8000, $0x38;
	[tilespmem:$0x18000] =	vst v63  }
0x329: {  	_ =	swait.ge [sflag:s5], $0x8000  }
0x32a: {  	[sflag:s5] =	ssyncset.done $0x0  }
0x32b: {  	s1 =	rddreg [dreg:$0x1b];
	[sflag:s5] =	ssyncadd.s32 $0xFFFF8000  }
0x32c: {  	[tilespmem:s7], [sflag:$0x2] =	stream.linear.gather [hbm4b:s1+s2], $0x8000, $0x38;
	[tilespmem:$0x18000] =	vst v63  }
0x32d: {  	_ =	swait.ge [sflag:s13], $0x8000  }
0x32e: {  	[sflag:s13] =	ssyncset.done $0x0  }
0x32f: {  	s1 =	rddreg [dreg:$0x1c];
	[sflag:s13] =	ssyncadd.s32 $0xFFFF8000  }
0x330: {  	[hbm4b:s1+s2] =	stream.linear.scatter [tilespmem:s2], [sflag:$0x3], $0x8000, $0x38;
	[tilespmem:$0x18000] =	vst v63  }
0x331: {  	_ =	swait.ge [sflag:s8], $0x8000  }
0x332: {  	[sflag:s8] =	ssyncset.done $0x0  }
0x333: {  	s1 =	rddreg [dreg:$0x1d];
	[sflag:s8] =	ssyncadd.s32 $0xFFFF8000  }
0x334: {  	[tilespmem:s2], [sflag:$0x1] =	stream.linear.gather [hbm4b:s1+s2], $0x8000, $0x38;
	[tilespmem:$0x18000] =	vst v63  }
0x335: {  	_ =	swait.ge [sflag:s11], $0x8000  }
0x336: {  	[sflag:s11] =	ssyncset.done $0x0  }
0x337: {  	s0 =	rddreg [dreg:$0x1e];
	[sflag:s11] =	ssyncadd.s32 $0xFFFF8000  }
0x338: {  	[hbm4b:s0+s2] =	stream.linear.scatter [tilespmem:s7], [sflag:$0x4], $0x8000, $0x38;
	[tilespmem:$0x18000] =	vst v63  }
0x339: {  	s1 =	rddreg [dreg:$0x1f]  }
0x33a: {  	[tilespmem:s22], [sflag:$0x5] =	stream.linear.gather [hbm4b:s1+s2], $0x8000, $0x38;
	[tilespmem:$0x18000] =	vst v63  }
0x33b: {  	_ =	swait.ge [sflag:s5], $0x8000  }
0x33c: {  	s1 =	sld [smem:$0x7E8]  }
0x33d: {  	[sflag:s5] =	ssyncset.done $0x0  }
0x33e: {  	[sflag:s5] =	ssyncadd.s32 $0xFFFF8000  }
0x33f: {  	[tilespmem:s7], [sflag:$0x2] =	stream.linear.gather [hbm4b:s1+s2], $0x8000, $0x38;
	[tilespmem:$0x18000] =	vst v63  }
0x340: {  	_ =	swait.ge [sflag:s21], $0x8000  }
0x341: {  	[sflag:s21] =	ssyncset.done $0x0  }
0x342: {  	[sflag:s21] =	ssyncadd.s32 $0xFFFF8000  }
0x343: {  	_ =	swait.ge [sflag:s13], $0x8000  }
0x344: {  	s1 =	sld [smem:$0x7E9]  }
0x345: {  	[sflag:s13] =	ssyncset.done $0x0  }
0x346: {  	[sflag:s13] =	ssyncadd.s32 $0xFFFF8000  }
0x347: {  	[hbm4b:s1+s2] =	stream.linear.scatter [tilespmem:s2], [sflag:$0x3], $0x8000, $0x38;
	[tilespmem:$0x18000] =	vst v63  }
0x348: {  	_ =	swait.ge [sflag:s8], $0x8000  }
0x349: {  	s1 =	sld [smem:$0x7EA]  }
0x34a: {  	[sflag:s8] =	ssyncset.done $0x0  }
0x34b: {  	[sflag:s8] =	ssyncadd.s32 $0xFFFF8000  }
0x34c: {  	[tilespmem:s2], [sflag:$0x1] =	stream.linear.gather [hbm4b:s1+s2], $0x8000, $0x38;
	[tilespmem:$0x18000] =	vst v63  }
0x34d: {  	_ =	swait.ge [sflag:s11], $0x8000  }
0x34e: {  	s1 =	sld [smem:$0x7EB]  }
0x34f: {  	[sflag:s11] =	ssyncset.done $0x0  }
0x350: {  	[sflag:s11] =	ssyncadd.s32 $0xFFFF8000  }
0x351: {  	[hbm4b:s1+s2] =	stream.linear.scatter [tilespmem:s7], [sflag:$0x4], $0x8000, $0x38;
	[tilespmem:$0x18000] =	vst v63  }
0x352: {  	_ =	swait.ge [sflag:s5], $0x8000  }
0x353: {  	s1 =	sld [smem:$0x7EC]  }
0x354: {  	[sflag:s5] =	ssyncset.done $0x0  }
0x355: {  	[sflag:s5] =	ssyncadd.s32 $0xFFFF8000  }
0x356: {  	[tilespmem:s7], [sflag:$0x2] =	stream.linear.gather [hbm4b:s1+s2], $0x8000, $0x38;
	[tilespmem:$0x18000] =	vst v63  }
0x357: {  	_ =	swait.ge [sflag:s13], $0x8000  }
0x358: {  	s1 =	sld [smem:$0x7ED]  }
0x359: {  	[sflag:s13] =	ssyncset.done $0x0  }
0x35a: {  	[sflag:s13] =	ssyncadd.s32 $0xFFFF8000  }
0x35b: {  	[hbm4b:s1+s2] =	stream.linear.scatter [tilespmem:s2], [sflag:$0x3], $0x8000, $0x38;
	[tilespmem:$0x18000] =	vst v63  }
0x35c: {  	_ =	swait.ge [sflag:s8], $0x8000  }
0x35d: {  	s1 =	sld [smem:$0x7EE]  }
0x35e: {  	[sflag:s8] =	ssyncset.done $0x0  }
0x35f: {  	[sflag:s8] =	ssyncadd.s32 $0xFFFF8000  }
0x360: {  	[tilespmem:s2], [sflag:$0x1] =	stream.linear.gather [hbm4b:s1+s2], $0x8000, $0x38;
	[tilespmem:$0x18000] =	vst v63  }
0x361: {  	_ =	swait.ge [sflag:s11], $0x8000  }
0x362: {  	s0 =	sld [smem:$0x7EF]  }
0x363: {  	[sflag:s11] =	ssyncset.done $0x0  }
0x364: {  	s1 =	sld [smem:$0x7F0];
	[sflag:s11] =	ssyncadd.s32 $0xFFFF8000  }
0x365: {  	[hbm4b:s0+s2] =	stream.linear.scatter [tilespmem:s7], [sflag:$0x4], $0x8000, $0x38;
	[tilespmem:$0x18000] =	vst v63  }
0x366: {  	_ = 	snop  }
0x367: {  	[tilespmem:s22], [sflag:$0x5] =	stream.linear.gather [hbm4b:s1+s2], $0x8000, $0x38;
	[tilespmem:$0x18000] =	vst v63  }
0x368: {  	_ =	swait.ge [sflag:s5], $0x8000  }
0x369: {  	s1 =	sld [smem:$0x7F1]  }
0x36a: {  	[sflag:s5] =	ssyncset.done $0x0  }
0x36b: {  	[sflag:s5] =	ssyncadd.s32 $0xFFFF8000  }
0x36c: {  	[tilespmem:s7], [sflag:$0x2] =	stream.linear.gather [hbm4b:s1+s2], $0x8000, $0x38;
	[tilespmem:$0x18000] =	vst v63  }
0x36d: {  	_ =	swait.ge [sflag:s21], $0x8000  }
0x36e: {  	[sflag:s21] =	ssyncset.done $0x0  }
0x36f: {  	[sflag:s21] =	ssyncadd.s32 $0xFFFF8000  }
0x370: {  	_ =	swait.ge [sflag:s13], $0x8000  }
0x371: {  	s1 =	sld [smem:$0x7F2]  }
0x372: {  	[sflag:s13] =	ssyncset.done $0x0  }
0x373: {  	[sflag:s13] =	ssyncadd.s32 $0xFFFF8000  }
0x374: {  	[hbm4b:s1+s2] =	stream.linear.scatter [tilespmem:s2], [sflag:$0x3], $0x8000, $0x38;
	[tilespmem:$0x18000] =	vst v63  }
0x375: {  	_ =	swait.ge [sflag:s8], $0x8000  }
0x376: {  	s1 =	sld [smem:$0x7F3]  }
0x377: {  	[sflag:s8] =	ssyncset.done $0x0  }
0x378: {  	[sflag:s8] =	ssyncadd.s32 $0xFFFF8000  }
0x379: {  	[tilespmem:s2], [sflag:$0x1] =	stream.linear.gather [hbm4b:s1+s2], $0x8000, $0x38;
	[tilespmem:$0x18000] =	vst v63  }
0x37a: {  	_ =	swait.ge [sflag:s11], $0x8000  }
0x37b: {  	s1 =	sld [smem:$0x7F4]  }
0x37c: {  	[sflag:s11] =	ssyncset.done $0x0  }
0x37d: {  	[sflag:s11] =	ssyncadd.s32 $0xFFFF8000  }
0x37e: {  	[hbm4b:s1+s2] =	stream.linear.scatter [tilespmem:s7], [sflag:$0x4], $0x8000, $0x38;
	[tilespmem:$0x18000] =	vst v63  }
0x37f: {  	_ =	swait.ge [sflag:s5], $0x8000  }
0x380: {  	s1 =	sld [smem:$0x7F5]  }
0x381: {  	[sflag:s5] =	ssyncset.done $0x0  }
0x382: {  	[sflag:s5] =	ssyncadd.s32 $0xFFFF8000  }
0x383: {  	[tilespmem:s7], [sflag:$0x2] =	stream.linear.gather [hbm4b:s1+s2], $0x8000, $0x38;
	[tilespmem:$0x18000] =	vst v63  }
0x384: {  	_ =	swait.ge [sflag:s13], $0x8000  }
0x385: {  	s1 =	sld [smem:$0x7F6]  }
0x386: {  	[sflag:s13] =	ssyncset.done $0x0  }
0x387: {  	[sflag:s13] =	ssyncadd.s32 $0xFFFF8000  }
0x388: {  	[hbm4b:s1+s2] =	stream.linear.scatter [tilespmem:s2], [sflag:$0x3], $0x8000, $0x38;
	[tilespmem:$0x18000] =	vst v63  }
0x389: {  	_ =	swait.ge [sflag:s8], $0x8000  }
0x38a: {  	s1 =	sld [smem:$0x7F7]  }
0x38b: {  	[sflag:s8] =	ssyncset.done $0x0  }
0x38c: {  	[sflag:s8] =	ssyncadd.s32 $0xFFFF8000  }
0x38d: {  	[tilespmem:s2], [sflag:$0x1] =	stream.linear.gather [hbm4b:s1+s2], $0x8000, $0x38;
	[tilespmem:$0x18000] =	vst v63  }
0x38e: {  	_ =	swait.ge [sflag:s11], $0x8000  }
0x38f: {  	s0 =	sld [smem:$0x7F8]  }
0x390: {  	[sflag:s11] =	ssyncset.done $0x0  }
0x391: {  	s1 =	sld [smem:$0x7F9];
	[sflag:s11] =	ssyncadd.s32 $0xFFFF8000  }
0x392: {  	[hbm4b:s0+s2] =	stream.linear.scatter [tilespmem:s7], [sflag:$0x4], $0x8000, $0x38;
	[tilespmem:$0x18000] =	vst v63  }
0x393: {  	_ = 	snop  }
0x394: {  	[tilespmem:s22], [sflag:$0x5] =	stream.linear.gather [hbm4b:s1+s2], $0x8000, $0x38;
	[tilespmem:$0x18000] =	vst v63  }
0x395: {  	_ =	swait.ge [sflag:s5], $0x8000  }
0x396: {  	s1 =	sld [smem:$0x7FA]  }
0x397: {  	[sflag:s5] =	ssyncset.done $0x0  }
0x398: {  	[sflag:s5] =	ssyncadd.s32 $0xFFFF8000  }
0x399: {  	[tilespmem:s7], [sflag:$0x2] =	stream.linear.gather [hbm4b:s1+s2], $0x8000, $0x38;
	[tilespmem:$0x18000] =	vst v63  }
0x39a: {  	_ =	swait.ge [sflag:s21], $0x8000  }
0x39b: {  	[sflag:s21] =	ssyncset.done $0x0  }
0x39c: {  	[sflag:s21] =	ssyncadd.s32 $0xFFFF8000  }
0x39d: {  	_ =	swait.ge [sflag:s13], $0x8000  }
0x39e: {  	s1 =	sld [smem:$0x7FB]  }
0x39f: {  	[sflag:s13] =	ssyncset.done $0x0  }
0x3a0: {  	[sflag:s13] =	ssyncadd.s32 $0xFFFF8000  }
0x3a1: {  	[hbm4b:s1+s2] =	stream.linear.scatter [tilespmem:s2], [sflag:$0x3], $0x8000, $0x38;
	[tilespmem:$0x18000] =	vst v63  }
0x3a2: {  	_ =	swait.ge [sflag:s8], $0x8000  }
0x3a3: {  	s1 =	sld [smem:$0x7FC]  }
0x3a4: {  	[sflag:s8] =	ssyncset.done $0x0  }
0x3a5: {  	[sflag:s8] =	ssyncadd.s32 $0xFFFF8000  }
0x3a6: {  	[tilespmem:s2], [sflag:$0x1] =	stream.linear.gather [hbm4b:s1+s2], $0x8000, $0x38;
	[tilespmem:$0x18000] =	vst v63  }
0x3a7: {  	_ =	swait.ge [sflag:s11], $0x8000  }
0x3a8: {  	s1 =	sld [smem:$0x7FD]  }
0x3a9: {  	[sflag:s11] =	ssyncset.done $0x0  }
0x3aa: {  	[sflag:s11] =	ssyncadd.s32 $0xFFFF8000  }
0x3ab: {  	[hbm4b:s1+s2] =	stream.linear.scatter [tilespmem:s7], [sflag:$0x4], $0x8000, $0x38;
	[tilespmem:$0x18000] =	vst v63  }
0x3ac: {  	_ =	swait.ge [sflag:s5], $0x8000  }
0x3ad: {  	[sflag:s5] =	ssyncset.done $0x0  }
0x3ae: {  	[sflag:s5] =	ssyncadd.s32 $0xFFFF8000  }
0x3af: {  	[tilespmem:s7], [sflag:$0x2] =	stream.linear.gather [hbm4b:s4+s2], $0x8000, $0x38;
	[tilespmem:$0x18000] =	vst v63  }
0x3b0: {  	_ =	swait.ge [sflag:s13], $0x8000  }
0x3b1: {  	[sflag:s13] =	ssyncset.done $0x0  }
0x3b2: {  	[sflag:s13] =	ssyncadd.s32 $0xFFFF8000  }
0x3b3: {  	[hbm4b:s30+s2] =	stream.linear.scatter [tilespmem:s2], [sflag:$0x3], $0x8000, $0x38;
	[tilespmem:$0x18000] =	vst v63  }
0x3b4: {  	_ =	swait.ge [sflag:s8], $0x8000  }
0x3b5: {  	[sflag:s8] =	ssyncset.done $0x0  }
0x3b6: {  	[sflag:s8] =	ssyncadd.s32 $0xFFFF8000  }
0x3b7: {  	[tilespmem:s2], [sflag:$0x1] =	stream.linear.gather [hbm4b:s29+s2], $0x8000, $0x38;
	[tilespmem:$0x18000] =	vst v63  }
0x3b8: {  	_ =	swait.ge [sflag:s11], $0x8000  }
0x3b9: {  	[sflag:s11] =	ssyncset.done $0x0  }
0x3ba: {  	[sflag:s11] =	ssyncadd.s32 $0xFFFF8000  }
0x3bb: {  	[hbm4b:s26+s2] =	stream.linear.scatter [tilespmem:s7], [sflag:$0x4], $0x8000, $0x38;
	[tilespmem:$0x18000] =	vst v63  }
0x3bc: {  	_ = 	snop  }
0x3bd: {  	[tilespmem:s22], [sflag:$0x5] =	stream.linear.gather [hbm4b:s28+s2], $0x8000, $0x38;
	[tilespmem:$0x18000] =	vst v63  }
0x3be: {  	_ =	swait.ge [sflag:s5], $0x8000  }
0x3bf: {  	[sflag:s5] =	ssyncset.done $0x0  }
0x3c0: {  	[sflag:s5] =	ssyncadd.s32 $0xFFFF8000  }
0x3c1: {  	[tilespmem:s7], [sflag:$0x2] =	stream.linear.gather [hbm4b:s25+s2], $0x8000, $0x38;
	[tilespmem:$0x18000] =	vst v63  }
0x3c2: {  	_ =	swait.ge [sflag:s21], $0x8000  }
0x3c3: {  	[sflag:s21] =	ssyncset.done $0x0  }
0x3c4: {  	[sflag:s21] =	ssyncadd.s32 $0xFFFF8000  }
0x3c5: {  	_ =	swait.ge [sflag:s13], $0x8000  }
0x3c6: {  	[sflag:s13] =	ssyncset.done $0x0  }
0x3c7: {  	[sflag:s13] =	ssyncadd.s32 $0xFFFF8000  }
0x3c8: {  	[hbm4b:s24+s2] =	stream.linear.scatter [tilespmem:s2], [sflag:$0x3], $0x8000, $0x38;
	[tilespmem:$0x18000] =	vst v63  }
0x3c9: {  	_ =	swait.ge [sflag:s8], $0x8000  }
0x3ca: {  	[sflag:s8] =	ssyncset.done $0x0  }
0x3cb: {  	[sflag:s8] =	ssyncadd.s32 $0xFFFF8000  }
0x3cc: {  	[tilespmem:s2], [sflag:$0x1] =	stream.linear.gather [hbm4b:s23+s2], $0x8000, $0x38;
	[tilespmem:$0x18000] =	vst v63  }
0x3cd: {  	_ =	swait.ge [sflag:s11], $0x8000  }
0x3ce: {  	[sflag:s11] =	ssyncset.done $0x0  }
0x3cf: {  	[sflag:s11] =	ssyncadd.s32 $0xFFFF8000  }
0x3d0: {  	[hbm4b:s20+s2] =	stream.linear.scatter [tilespmem:s7], [sflag:$0x4], $0x8000, $0x38;
	[tilespmem:$0x18000] =	vst v63  }
0x3d1: {  	_ =	swait.ge [sflag:s5], $0x8000  }
0x3d2: {  	[sflag:s5] =	ssyncset.done $0x0  }
0x3d3: {  	[sflag:s5] =	ssyncadd.s32 $0xFFFF8000  }
0x3d4: {  	[tilespmem:s7], [sflag:$0x2] =	stream.linear.gather [hbm4b:s19+s2], $0x8000, $0x38;
	[tilespmem:$0x18000] =	vst v63  }
0x3d5: {  	_ =	swait.ge [sflag:s13], $0x8000  }
0x3d6: {  	[sflag:s13] =	ssyncset.done $0x0  }
0x3d7: {  	[sflag:s13] =	ssyncadd.s32 $0xFFFF8000  }
0x3d8: {  	[hbm4b:s18+s2] =	stream.linear.scatter [tilespmem:s2], [sflag:$0x3], $0x8000, $0x38;
	[tilespmem:$0x18000] =	vst v63  }
0x3d9: {  	_ =	swait.ge [sflag:s8], $0x8000  }
0x3da: {  	[sflag:s8] =	ssyncset.done $0x0  }
0x3db: {  	[sflag:s8] =	ssyncadd.s32 $0xFFFF8000  }
0x3dc: {  	[tilespmem:s2], [sflag:$0x1] =	stream.linear.gather [hbm4b:s17+s2], $0x8000, $0x38;
	[tilespmem:$0x18000] =	vst v63  }
0x3dd: {  	_ =	swait.ge [sflag:s11], $0x8000  }
0x3de: {  	[sflag:s11] =	ssyncset.done $0x0  }
0x3df: {  	[sflag:s11] =	ssyncadd.s32 $0xFFFF8000  }
0x3e0: {  	[hbm4b:s15+s2] =	stream.linear.scatter [tilespmem:s7], [sflag:$0x4], $0x8000, $0x38;
	[tilespmem:$0x18000] =	vst v63  }
0x3e1: {  	_ = 	snop  }
0x3e2: {  	[tilespmem:s22], [sflag:$0x5] =	stream.linear.gather [hbm4b:s16+s2], $0x8000, $0x38;
	[tilespmem:$0x18000] =	vst v63  }
0x3e3: {  	_ =	swait.ge [sflag:s5], $0x8000  }
0x3e4: {  	[sflag:s5] =	ssyncset.done $0x0  }
0x3e5: {  	[sflag:s5] =	ssyncadd.s32 $0xFFFF8000  }
0x3e6: {  	[tilespmem:s7], [sflag:$0x2] =	stream.linear.gather [hbm4b:s14+s2], $0x8000, $0x38;
	[tilespmem:$0x18000] =	vst v63  }
0x3e7: {  	_ =	swait.ge [sflag:s21], $0x8000  }
0x3e8: {  	[sflag:s21] =	ssyncset.done $0x0  }
0x3e9: {  	[sflag:s21] =	ssyncadd.s32 $0xFFFF8000  }
0x3ea: {  	_ =	swait.ge [sflag:s13], $0x8000  }
0x3eb: {  	[sflag:s13] =	ssyncset.done $0x0  }
0x3ec: {  	[sflag:s13] =	ssyncadd.s32 $0xFFFF8000  }
0x3ed: {  	[hbm4b:s12+s2] =	stream.linear.scatter [tilespmem:s2], [sflag:$0x3], $0x8000, $0x38;
	[tilespmem:$0x18000] =	vst v63  }
0x3ee: {  	_ =	swait.ge [sflag:s8], $0x8000  }
0x3ef: {  	[sflag:s8] =	ssyncset.done $0x0  }
0x3f0: {  	[sflag:s8] =	ssyncadd.s32 $0xFFFF8000  }
0x3f1: {  	[tilespmem:s2], [sflag:$0x1] =	stream.linear.gather [hbm4b:s10+s2], $0x8000, $0x38;
	[tilespmem:$0x18000] =	vst v63  }
0x3f2: {  	_ =	swait.ge [sflag:s11], $0x8000  }
0x3f3: {  	[sflag:s11] =	ssyncset.done $0x0  }
0x3f4: {  	[sflag:s11] =	ssyncadd.s32 $0xFFFF8000  }
0x3f5: {  	[hbm4b:s9+s2] =	stream.linear.scatter [tilespmem:s7], [sflag:$0x4], $0x8000, $0x38;
	[tilespmem:$0x18000] =	vst v63  }
0x3f6: {  	_ =	swait.ge [sflag:s5], $0x8000  }
0x3f7: {  	[sflag:s5] =	ssyncset.done $0x0  }
0x3f8: {  	[sflag:s5] =	ssyncadd.s32 $0xFFFF8000  }
0x3f9: {  	[tilespmem:s7], [sflag:$0x2] =	stream.linear.gather [hbm4b:s6+s2], $0x8000, $0x38;
	[tilespmem:$0x18000] =	vst v63  }
0x3fa: {  	_ =	swait.ge [sflag:s13], $0x8000  }
0x3fb: {  	[sflag:s13] =	ssyncset.done $0x0  }
0x3fc: {  	[sflag:s13] =	ssyncadd.s32 $0xFFFF8000  }
0x3fd: {  	[hbm4b:s3+s2] =	stream.linear.scatter [tilespmem:s2], [sflag:$0x3], $0x8000, $0x38;
	[tilespmem:$0x18000] =	vst v63  }
0x3fe: {  	_ =	swait.ge [sflag:s11], $0x8000  }
0x3ff: {  	[sflag:s11] =	ssyncset.done $0x0  }
0x400: {  	[sflag:s11] =	ssyncadd.s32 $0xFFFF8000  }
0x401: {  	[hbm4b:s31+s2] =	stream.linear.scatter [tilespmem:s7], [sflag:$0x4], $0x8000, $0x38;
	[tilespmem:$0x18000] =	vst v63  }
0x402: {  	_ =	swait.ge [sflag:s8], $0x8000  }
0x403: {  	[sflag:s8] =	ssyncset.done $0x0  }
0x404: {  	[sflag:s8] =	ssyncadd.s32 $0xFFFF8000  }
0x405: {  	_ =	swait.ge [sflag:s5], $0x8000  }
0x406: {  	[sflag:s5] =	ssyncset.done $0x0  }
0x407: {  	[sflag:s5] =	ssyncadd.s32 $0xFFFF8000  }
0x408: {  	_ =	sfence.sel $0x180000  }
0x409: {  	[bflag:$0x0] =	sbarrier.arrive $0xFFFF  }
0x40a: {  	_ =	strace $0x9000004D  }
0x40b: {  	s31 =	stileid.u32;
	[bflag:$0x2] =	sbarrier.arrive $0xFFFF  }
0x40c: {  	p0 =	sne.s32 s31, $0x0;
	s0 =	rddreg [dreg:$0x2]  }
0x40d: {  	s0 =	sadd.s32 @!p0 $0x100000, s0  }
0x40e: {  	[sflag:s0] =	ssyncadd.tile.s32 @!p0 $0x1;
	_ =	shalt  }
.Lfunc_end2:
_tile_overlayer_lowered:
.L_overlay_start_2:
0x40f: {  	(tag) =	ssettag $0x2  }
0x410: {  	s0 =	rddreg [dreg:$0x0];
	s2 =	stileid.u32  }
0x411: {  	s1 =	rddreg [dreg:$0x1];
	p0 =	sne.s32 s2, $0x0  }
0x412: {  	s3 =	rddreg [dreg:$0x2];
	[bflag:$0x3] =	sbarrier.arrive $0xFFFF;
	s2 =	simm.s32 @!p0 $0x1C06  }
0x413: {  	[timem:s3], [sflag:s2] =	dma.local @!p0 [hbm:s0], s1  }
0x414: {  	s0 =	simm.s32 @!p0 $0x6  }
0x415: {  	_ =	swait.ge @!p0 [sflag:s0], s1  }
0x416: {  	s1 =	ssub.s32 @!p0 $0x0, s1;
	[sflag:s0] =	ssyncset.done @!p0 $0x0  }
0x417: {  	[sflag:s0] =	ssyncadd.s32 @!p0 s1  }
0x418: {  	[bflag:$0x3] =	sbarrier.arrive $0xFFFF  }
0x419: {  	_ =	shalt  }

// kernel: sparse-core-data-format-call.1.cloned.1.call-start
scs
called_computation.1_lowered:
.L_overlay_start_0:
0x0: {  	s2 =	sld [smem:$0x3FD9]  }
0x1: {  	s3 =	sld [smem:$0x3FFE];
	_ =	sdelay $0x1  }
0x2: {  	s1 =	srdreg.scid  }
0x3: {  	s0 =	sand.u32 $0x1, s1  }
0x4: {  	s19 =	sshll.u32 s0, $0xA;
	s2 =	sadd.s32 s3, s2  }
0x5: {  	s2 =	sadd.s32 s2, s19  }
0x6: {  	[smem:$0x3FC6] =	sst s2  }
0x7: {  	_ = 	snop  }
0x8: {  	s20 =	sld [smem:$0x3FC9]  }
0x9: {  	s4 =	sld [smem:$0x3FD0];
	(tm) =	ssettm $0x1  }
0xa: {  	s21 =	sld [smem:$0x3FFB];
	_ =	sdelay $0x3  }
0xb: {  	_ =	strace s21  }
0xc: {  	s2 =	sld [smem:$0x3FFC];
	_ =	sdelay $0x3  }
0xd: {  	_ =	strace s2  }
0xe: {  	s2 =	sld [smem:$0x3FFD];
	_ =	sdelay $0x3  }
0xf: {  	_ =	strace s2  }
0x10: {  	_ =	strace $0x8FFFFFFF  }
0x11: {  	s22 =	sld [smem:$0x3FDB];
	_ =	sdelay $0x1  }
0x12: {  	s5 =	simm.s32 $_scs_section_size  }
0x13: {  	s6 =	simm.s32 $_size__tile_overlayer_lowered;
	s7 =	simm.s32 $_tile_overlayer_lowered  }
0x14: {  	s8 =	simm.s32 $0x1BFF;
	s23 =	sshll.u32 s7, $0x1;
	s5 =	sadd.s32 s5, s22  }
0x15: {  	s24 =	simm.s32 $0x0;
	s6 =	sshll.u32 s6, $0x1;
	s7 =	sadd.s32 s23, s5  }
0x16: {  	[timem:s24], [sflag:s8] =	dma.local [hbm:s7], s6  }
0x17: {  	_ =	swait.ge [sflag:s8], s6  }
0x18: {  	s6 =	ssub.s32 $0x0, s6;
	[sflag:s8] =	ssyncset.done $0x0  }
0x19: {  	[sflag:s8] =	ssyncadd.s32 s6;
	_ =	sdelay $0x1  }
0x1a: {  	s25 =	simm.s32 $0x1B8B  }
0x1b: {  	_ =	swait.ge [sflag:s25], $0x1  }
0x1c: {  	[sflag:s25] =	ssyncset.done $0x0  }
0x1d: {  	[sflag:s25] =	ssyncadd.s32 $0xFFFFFFFF  }
0x1e: {  	s6 =	sld [smem:$0x0]  }
0x1f: {  	s7 =	sand.u32 $0xFFFFFFFE, s1  }
0x20: {  	p0 =	sne.s32 s1, s7  }
0x21: {  	s7 =	sshll.u32 @p0 s7, $0xE  }
0x22: {  	s7 =	sadd.s32 @p0 $0x11B8D, s7;
	s8 =	sshll.u32 @p0 s6, $0x11  }
0x23: {  	s7 =	sor.u32 @p0 s8, s7  }
0x24: {  	[sflag:s7] =	ssyncadd.remote.s32 @p0 $0x1;
	_ =	sdelay $0x1  }
0x25: {  	s7 =	simm.s32 @p0 $0x1B8D  }
0x26: {  	_ =	swait.eq @p0 [sflag:s7], $0x1  }
0x27: {  	[sflag:s7] =	ssyncadd.s32 @p0 $0xFFFFFFFF  }
0x28: {  	s8 =	sshll.u32 @!p0 s1, $0xE  }
0x29: {  	s8 =	sor.u32 @!p0 $0x4000, s8;
	s7 =	simm.s32 @!p0 $0x1B8D  }
0x2a: {  	s6 =	sshll.u32 @!p0 s6, $0x11;
	s8 =	sadd.s32 @!p0 $0x11B8D, s8;
	_ =	swait.eq @!p0 [sflag:s7], $0x1  }
0x2b: {  	s6 =	sor.u32 @!p0 s6, s8;
	[sflag:s7] =	ssyncadd.s32 @!p0 $0xFFFFFFFF  }
0x2c: {  	s26 =	simm.s32 $0x1B8E;
	[sflag:s6] =	ssyncadd.remote.s32 @!p0 $0x1  }
0x2d: {  	s27 =	simm.s32 $execute0_lowered;
	[smem:$0x3FD2] =	sst s26  }
0x2e: {  	s6 =	sshll.u32 s27, $0x1;
	_ =	strace $0x80000049;
	[dreg:$0x1] =	wrdreg $0xFFFFFFFF  }
0x2f: {  	s28 =	simm.s32 $_size_execute0_lowered;
	s5 =	sadd.s32 s5, s6;
	[dreg:$0x0] =	wrdreg $0x0  }
0x30: {  	s6 =	sshll.u32 s28, $0x1;
	[dreg:$0x2] =	wrdreg s5  }
0x31: {  	[dreg:$0x3] =	wrdreg s6  }
0x32: {  	[dreg:$0x4] =	wrdreg $0xC0  }
0x33: {  	_ =	task [dreg:s24], $0x5FFFF  }
0x34: {  	[dreg:$0x1] =	wrdreg $0xFFFFFFFF  }
0x35: {  	[dreg:$0x0] =	wrdreg $0x60  }
0x36: {  	[dreg:$0x2] =	wrdreg s20  }
0x37: {  	[dreg:$0x3] =	wrdreg s4  }
0x38: {  	[dreg:$0x4] =	wrdreg $0xA  }
0x39: {  	_ =	task.clear_ibuf [dreg:s24], $0x5FFFF;
	_ =	strace $0x90000049  }
0x3a: {  	s29 =	simm.s32 $0xA;
	_ =	strace $0x8000004B  }
0x3b: {  	_ =	swait.ge [sflag:s29], $0x1  }
0x3c: {  	[sflag:s29] =	ssyncadd.s32 $0xFFFFFFFF  }
0x3d: {  	_ =	strace $0x9000004B  }
0x3e: {  	_ =	sfence  }
0x3f: {  	s30 =	sld [smem:$0x0];
	_ =	sdelay $0x2  }
0x40: {  	s31 =	sshll.u32 s1, $0xD;
	s1 =	sshrl.u32 s1, $0x2  }
0x41: {  	s4 =	sand.u32 $0x4000, s31;
	s1 =	sadd.s32 s1, s30  }
0x42: {  	s0 =	sor.u32 s4, s0;
	s1 =	sshll.u32 s1, $0x11  }
0x43: {  	s0 =	sor.u32 s1, s0  }
0x44: {  	s0 =	sadd.s32 $0x8F2B, s0  }
0x45: {  	[sflag:s0] =	ssyncadd.remote.s32 $0x1  }
0x46: {  	_ =	sfence.sel $0xFFFF  }
0x47: {  	[dreg:$0x0] =	wrdreg $0xFFFFFFFF;
	(pc) =	sbr.abs _section_cstart, $3  }
0x48: {  	[dreg:$0x1] =	wrdreg $0xFFFFFFFF  }
0x49: {  	_ =	task.clear_ibuf [dreg:s24], $0x2FFFF;
	_ =	strace $0x9FFFFFFF  }
0x4a: {  	(tm) =	ssettm $0x7FFFFFFF  }
0x4b: {  	_ =	shalt  }
tec
execute0_lowered:
.L_overlay_start_1:
0x0: {  	(tag) =	ssettag $0x1  }
0x1: {  	s0 =	srdreg.scid  }
0x2: {  	s1 =	sshll.u32 s0, $0x4  }
0x3: {  	s2 =	rddreg [dreg:$0x0];
	s0 =	stileid.u32;
	s1 =	sand.u32 $0x10, s1  }
0x4: {  	s4 =	rddreg [dreg:$0x1];
	s1 =	sor.u32 s0, s1  }
0x5: {  	s7 =	simm.s32 $0x1;
	s8 =	simm.s32 $0x2;
	s3 =	sshll.u32 s1, $0x1  }
0x6: {  	s9 =	simm.s32 $0x0;
	s12 =	simm.s32 $0x0;
	s6 =	ssub.s32 $0x1000, s3  }
.Ltmp0:
0x7: {  	s11 =	simm.s32 $0x0;
	s5 =	sand.u32 $0x3E, s6;
	(pc) =	sbr.rel .LBB1_1-.Ltmp0, $4  }
0x8: {  	s1 =	rddreg [dreg:$0x2];
	_ =	strace $0x8000004A;
	p0 =	sne.s32 s5, $0x0  }
0x9: {  	s6 =	sshrl.u32 s6, $0x6;
	s5 =	simm.s32 $0x1;
	s7 =	simm.s32 @!p0 $0x0  }
0xa: {  	s10 =	smov.u32 s3;
	[sflag:s5] =	ssyncpa.u1 $0x0;
	s6 =	sadd.s32 s7, s6  }
0xb: {  	[sflag:s8] =	ssyncpa.u1 $0x0;
	s8 =	simm.s32 $0x0;
	s7 =	sadd.s32 $0x1, s6  }
.LBB1_9:
0xc: {  	s14 =	sadd.s32 $0x40, s10  }
0xd: {  	p1 =	sgt.s32 s14, $0xFFF  }
0xe: {  	s14 =	smov.u32 @p1 s3;
	p1 =	sne.s32 s11, s7  }
.Ltmp1:
0xf: {  	p0 =	slt.u32 s11, $0x2;
	(pc) =	sbr.rel @!p1 .LBB1_10-.Ltmp1, $4  }
0x10: {  	s13 =	simm.s32 @!p0 $0x2  }
0x11: {  	s15 =	sadd.s32 $0x1, s11;
	_ =	swait.ge @!p0 [sflag:s13], $0x4000  }
0x12: {  	s12 =	smov.u32 s10;
	s9 =	sadd.s32 $0x4000, s9;
	[sflag:s13] =	ssyncset.done @!p0 $0x0  }
0x13: {  	s11 =	smov.u32 s15;
	s10 =	smov.u32 s14;
	[sflag:s13] =	ssyncadd.s32 @!p0 $0xFFFFC000  }
.LBB1_1:
0x14: {  	p0 =	sge.u32 s11, s6  }
0x15: {  	s13 =	sxor.u32 @!p0 $0xFFFFFFFF, s11  }
0x16: {  	s31 =	sadd.s32 $0xFFFFFFFF, s11;
	s14 =	sshll.u32 @!p0 s10, $0xA;
	s13 =	sshll.u32 @!p0 s13, $0xE  }
0x17: {  	s15 =	simm.s32 @!p0 $0x0;
	s14 =	sadd.s32 @!p0 s2, s14;
	s13 =	sand.u32 @!p0 $0x4000, s13  }
0x18: {  	[tilespmem:s13], [sflag:$0x1] =	stream.linear.gather @!p0 [hbm4b:s14+s15], $0x4000, $0x38;
	[tilespmem:$0x10000] =	vst v63  }
0x19: {  	p0 =	sge.u32 s31, s6  }
.Ltmp2:
0x1a: {  	_ = 	snop;
	(pc) =	sbr.rel @p0 .LBB1_9-.Ltmp2, $1  }
0x1b: {  	_ =	sdelay $0x3  }
0x1c: {  	s13 =	sshll.u32 s9, $0x2  }
0x1d: {  	_ =	swait.ge [sflag:s5], $0x4000;
	s14 =	sshll.u32 s11, $0xE;
	s16 =	simm.s32 $0x0  }
0x1e: {  	p1 =	por $0x1, $0x1;
	s13 =	sand.u32 $0x10000, s13;
	[sflag:s5] =	ssyncset.done $0x0  }
0x1f: {  	s14 =	sand.u32 $0x4000, s14;
	s15 =	sshrl.u32 s13, $0x2;
	[sflag:s5] =	ssyncadd.s32 $0xFFFFC000  }
0x20: {  	s13 =	sor.u32 $0x8000, s14;
	s14 =	sadd.s32 $0x8040, s15;
	s15 =	sadd.s32 $0x40, s15  }
.LBB1_3:
0x21: {  	s16 =	sshll.u32 s16, $0x2  }
0x22: {  	p0 =	por p1, p1;
	s17 =	sshra.s32 s16, $0x2  }
0x23: {  	s18 =	simm.s32 $0x0;
	s16 =	sadd.s32 s17, s14;
	s17 =	sadd.s32 s17, s15  }
.LBB1_4:
0x24: {  	v0 =	vmov s17;
	_ =	sdelay $0x3  }
0x25: {  	s20 =	simm.s32 $0x0  }
0x26: {  	v6 =	vld.idx.msk [tilespmem:v0+s20+$0x30 ss:$0x1], $0xffff  }
0x27: {  	v7 =	vld.idx.msk [tilespmem:v0+s20+$0xFFFFFFC0 ss:$0x1], $0xffff  }
0x28: {  	v5 =	vld.idx.msk [tilespmem:v0+s20+$0xFFFFFFD0 ss:$0x1], $0xffff  }
0x29: {  	v4 =	vld.idx.msk [tilespmem:v0+s20+$0xFFFFFFE0 ss:$0x1], $0xffff  }
0x2a: {  	v3 =	vld.idx.msk [tilespmem:v0+s20+$0xFFFFFFF0 ss:$0x1], $0xffff  }
0x2b: {  	v1 =	vld.idx.msk [tilespmem:v0+s20+$0x0 ss:$0x1], $0xffff  }
0x2c: {  	v2 =	vld.idx.msk [tilespmem:v0+s20+$0x10 ss:$0x1], $0xffff;
	[tilespmem:s16+$0x30] =	vst v6  }
0x2d: {  	s19 =	simm.s32 $0x80;
	s21 =	simm.s32 $0x400;
	[tilespmem:s16+$0xFFFFFFC0] =	vst v7;
	v6 =	vld.idx.msk [tilespmem:v0+s20+$0x20 ss:$0x1], $0xffff;
	s20 =	smov.u32 s16  }
.LBB1_5:
0x2e: {  	p1 =	sne.s32 s21, $0xE00;
	v7 =	vld.idx.msk [tilespmem:v0+s19+$0x30 ss:$0x1], $0xffff;
	[tilespmem:s20+$0xFFFFFFD0] =	vst v5  }
0x2f: {  	v8 =	vld.idx.msk [tilespmem:v0+s19+$0xFFFFFFC0 ss:$0x1], $0xffff;
	[tilespmem:s20+$0xFFFFFFE0] =	vst v4  }
0x30: {  	v5 =	vld.idx.msk [tilespmem:v0+s19+$0xFFFFFFD0 ss:$0x1], $0xffff;
	[tilespmem:s20+$0xFFFFFFF0] =	vst v3  }
.Ltmp3:
0x31: {  	v4 =	vld.idx.msk [tilespmem:v0+s19+$0xFFFFFFE0 ss:$0x1], $0xffff;
	[tilespmem:s20+$0x0] =	vst v1;
	(pc) =	sbr.rel @p1 .LBB1_5-.Ltmp3, $4  }
0x32: {  	v3 =	vld.idx.msk [tilespmem:v0+s19+$0xFFFFFFF0 ss:$0x1], $0xffff;
	[tilespmem:s20+$0x10] =	vst v2  }
0x33: {  	v1 =	vld.idx.msk [tilespmem:v0+s19+$0x0 ss:$0x1], $0xffff;
	[tilespmem:s20+$0x20] =	vst v6;
	s20 =	sadd.s32 $0x400, s20  }
0x34: {  	v2 =	vld.idx.msk [tilespmem:v0+s19+$0x10 ss:$0x1], $0xffff;
	[tilespmem:s20+$0x30] =	vst v7  }
0x35: {  	[tilespmem:s20+$0xFFFFFFC0] =	vst v8;
	v6 =	vld.idx.msk [tilespmem:v0+s19+$0x20 ss:$0x1], $0xffff;
	s19 =	sshra.s32 s21, $0x2;
	s21 =	sadd.s32 $0x200, s21  }
0x36: {  	_ =	sdelay $0x2  }
0x37: {  	[tilespmem:s20+$0xFFFFFFD0] =	vst v5  }
0x38: {  	v56 =	vld.idx.msk [tilespmem:v0+s19+$0x30 ss:$0x1], $0xffff;
	[tilespmem:s20+$0xFFFFFFE0] =	vst v4  }
0x39: {  	v57 =	vld.idx.msk [tilespmem:v0+s19+$0xFFFFFFC0 ss:$0x1], $0xffff;
	[tilespmem:s20+$0xFFFFFFF0] =	vst v3  }
0x3a: {  	v58 =	vld.idx.msk [tilespmem:v0+s19+$0xFFFFFFD0 ss:$0x1], $0xffff;
	[tilespmem:s20+$0x0] =	vst v1  }
0x3b: {  	v59 =	vld.idx.msk [tilespmem:v0+s19+$0xFFFFFFE0 ss:$0x1], $0xffff;
	[tilespmem:s20+$0x10] =	vst v2  }
0x3c: {  	v60 =	vld.idx.msk [tilespmem:v0+s19+$0xFFFFFFF0 ss:$0x1], $0xffff;
	s31 =	sadd.s32 $0x400, s20;
	[tilespmem:s20+$0x20] =	vst v6  }
0x3d: {  	v61 =	vld.idx.msk [tilespmem:v0+s19+$0x0 ss:$0x1], $0xffff;
	[tilespmem:s31+$0x30] =	vst v56  }
0x3e: {  	v62 =	vld.idx.msk [tilespmem:v0+s19+$0x10 ss:$0x1], $0xffff;
	s18 =	sadd.s32 $0x1, s18;
	[tilespmem:s31+$0xFFFFFFC0] =	vst v57  }
0x3f: {  	v63 =	vld.idx.msk [tilespmem:v0+s19+$0x20 ss:$0x1], $0xffff;
	p1 =	sne.s32 s18, $0x8;
	[tilespmem:s31+$0xFFFFFFD0] =	vst v58  }
.Ltmp4:
0x40: {  	[tilespmem:s31+$0xFFFFFFE0] =	vst v59;
	(pc) =	sbr.rel @p1 .LBB1_4-.Ltmp4, $4  }
0x41: {  	[tilespmem:s31+$0xFFFFFFF0] =	vst v60  }
0x42: {  	[tilespmem:s31+$0x0] =	vst v61  }
0x43: {  	[tilespmem:s31+$0x10] =	vst v62  }
0x44: {  	s16 =	sadd.s32 $0x80, s16;
	s17 =	sadd.s32 $0x400, s17;
	[tilespmem:s31+$0x20] =	vst v63  }
.Ltmp5:
0x45: {  	(pc) =	sbr.rel @p0 .LBB1_3-.Ltmp5, $2  }
0x46: {  	_ =	sdelay $0x2  }
0x47: {  	s16 =	simm.s32 $0x2000;
	p1 =	por $0x0, $0x0  }
.Ltmp6:
0x48: {  	(pc) =	sbr.rel .LBB1_9-.Ltmp6, $4  }
0x49: {  	_ = 	snop  }
0x4a: {  	s12 =	sshll.u32 s12, $0xA  }
0x4b: {  	s12 =	sadd.s32 s4, s12  }
0x4c: {  	[hbm4b:s12+s8] =	stream.linear.scatter [tilespmem:s13], [sflag:$0x2], $0x4000, $0x38;
	[tilespmem:$0x10000] =	vst v63  }
.LBB1_10:
0x4d: {  	_ =	sfence.sel $0x180000  }
0x4e: {  	s2 =	simm.s32 $0x1;
	[bflag:$0x0] =	sbarrier.arrive $0xFFFF  }
0x4f: {  	s31 =	simm.s32 $0x2;
	[sflag:s2] =	ssyncpa.u1 $0x1  }
0x50: {  	[sflag:s31] =	ssyncpa.u1 $0x1  }
0x51: {  	p0 =	sne.s32 s0, $0x0;
	_ =	strace $0x9000004A  }
0x52: {  	s0 =	sadd.s32 @!p0 $0x100000, s1;
	[bflag:$0x2] =	sbarrier.arrive $0xFFFF  }
0x53: {  	[sflag:s0] =	ssyncadd.tile.s32 @!p0 $0x1;
	_ =	shalt  }
.Lfunc_end1:
_tile_overlayer_lowered:
.L_overlay_start_2:
0x54: {  	(tag) =	ssettag $0x2  }
0x55: {  	s0 =	rddreg [dreg:$0x0];
	s2 =	stileid.u32  }
0x56: {  	s1 =	rddreg [dreg:$0x1];
	p0 =	sne.s32 s2, $0x0  }
0x57: {  	s3 =	rddreg [dreg:$0x2];
	[bflag:$0x3] =	sbarrier.arrive $0xFFFF;
	s2 =	simm.s32 @!p0 $0x1C01  }
0x58: {  	[timem:s3], [sflag:s2] =	dma.local @!p0 [hbm:s0], s1  }
0x59: {  	s0 =	simm.s32 @!p0 $0x1  }
0x5a: {  	_ =	swait.ge @!p0 [sflag:s0], s1  }
0x5b: {  	s1 =	ssub.s32 @!p0 $0x0, s1;
	[sflag:s0] =	ssyncset.done @!p0 $0x0  }
0x5c: {  	[sflag:s0] =	ssyncadd.s32 @!p0 s1  }
0x5d: {  	[bflag:$0x3] =	sbarrier.arrive $0xFFFF  }
0x5e: {  	_ =	shalt  }

// kernel: sparse-core-data-format-call.cloned.1.call-start
scs
called_computation_lowered:
.L_overlay_start_0:
0x0: {  	s2 =	sld [smem:$0x3FD9]  }
0x1: {  	s3 =	sld [smem:$0x3FFE];
	_ =	sdelay $0x1  }
0x2: {  	s1 =	srdreg.scid  }
0x3: {  	s0 =	sand.u32 $0x1, s1  }
0x4: {  	s18 =	sshll.u32 s0, $0xA;
	s2 =	sadd.s32 s3, s2  }
0x5: {  	s2 =	sadd.s32 s2, s18  }
0x6: {  	[smem:$0x3FC6] =	sst s2  }
0x7: {  	_ = 	snop  }
0x8: {  	s2 =	sld [smem:$0x3FC8];
	(tm) =	ssettm $0x1  }
0x9: {  	s19 =	sld [smem:$0x3FFB];
	_ =	sdelay $0x3  }
0xa: {  	_ =	strace s19  }
0xb: {  	s3 =	sld [smem:$0x3FFC];
	_ =	sdelay $0x3  }
0xc: {  	_ =	strace s3  }
0xd: {  	s3 =	sld [smem:$0x3FFD];
	_ =	sdelay $0x3  }
0xe: {  	_ =	strace s3  }
0xf: {  	_ =	strace $0x8FFFFFFF  }
0x10: {  	s20 =	sld [smem:$0x3FDB];
	_ =	sdelay $0x1  }
0x11: {  	s4 =	simm.s32 $_scs_section_size  }
0x12: {  	s5 =	simm.s32 $_size__tile_overlayer_lowered;
	s6 =	simm.s32 $_tile_overlayer_lowered  }
0x13: {  	s23 =	simm.s32 $0x1BFF;
	s22 =	sshll.u32 s6, $0x1;
	s3 =	sadd.s32 s4, s20  }
0x14: {  	s7 =	simm.s32 $0x0;
	s21 =	sshll.u32 s5, $0x1;
	s5 =	sadd.s32 s22, s3  }
0x15: {  	[timem:s7], [sflag:s23] =	dma.local [hbm:s5], s21  }
0x16: {  	_ =	swait.ge [sflag:s23], s21  }
0x17: {  	s4 =	ssub.s32 $0x0, s21;
	[sflag:s23] =	ssyncset.done $0x0  }
0x18: {  	[sflag:s23] =	ssyncadd.s32 s4;
	_ =	sdelay $0x1  }
0x19: {  	s24 =	simm.s32 $0x1B8B  }
0x1a: {  	_ =	swait.ge [sflag:s24], $0x1  }
0x1b: {  	[sflag:s24] =	ssyncset.done $0x0  }
0x1c: {  	s26 =	simm.s32 $0x1B8E;
	s25 =	sld [smem:$0x3FFE];
	[sflag:s24] =	ssyncadd.s32 $0xFFFFFFFF  }
0x1d: {  	s27 =	simm.s32 $execute0_lowered;
	[smem:$0x3FD2] =	sst s26  }
0x1e: {  	s5 =	sshll.u32 s27, $0x1;
	_ =	strace $0x80000046;
	[dreg:$0x1] =	wrdreg $0xFFFFFFFF  }
0x1f: {  	s28 =	simm.s32 $_size_execute0_lowered;
	s3 =	sadd.s32 s3, s5;
	[dreg:$0x0] =	wrdreg $0x0  }
0x20: {  	s5 =	sshll.u32 s28, $0x1;
	[dreg:$0x2] =	wrdreg s3  }
0x21: {  	[dreg:$0x3] =	wrdreg s5  }
0x22: {  	[dreg:$0x4] =	wrdreg $0xC0  }
0x23: {  	_ =	task [dreg:s7], $0x5FFFF  }
0x24: {  	[dreg:$0x1] =	wrdreg $0xFFFFFFFF  }
0x25: {  	[dreg:$0x0] =	wrdreg $0x60  }
0x26: {  	[dreg:$0x2] =	wrdreg s2  }
0x27: {  	[dreg:$0x3] =	wrdreg s25  }
0x28: {  	[dreg:$0x4] =	wrdreg $0x9  }
0x29: {  	_ =	task.clear_ibuf [dreg:s7], $0x5FFFF;
	_ =	strace $0x90000046  }
0x2a: {  	s29 =	simm.s32 $0x9;
	_ =	strace $0x80000048  }
0x2b: {  	_ =	swait.ge [sflag:s29], $0x1  }
0x2c: {  	[sflag:s29] =	ssyncadd.s32 $0xFFFFFFFF  }
0x2d: {  	_ =	strace $0x90000048  }
0x2e: {  	_ =	sfence  }
0x2f: {  	s30 =	sld [smem:$0x0];
	_ =	sdelay $0x2  }
0x30: {  	s31 =	sshll.u32 s1, $0xD;
	s1 =	sshrl.u32 s1, $0x2  }
0x31: {  	s3 =	sand.u32 $0x4000, s31;
	s1 =	sadd.s32 s1, s30  }
0x32: {  	s0 =	sor.u32 s3, s0;
	s1 =	sshll.u32 s1, $0x11  }
0x33: {  	s0 =	sor.u32 s1, s0  }
0x34: {  	s0 =	sadd.s32 $0x8F2B, s0  }
0x35: {  	[sflag:s0] =	ssyncadd.remote.s32 $0x1  }
0x36: {  	_ =	sfence.sel $0xFFFF  }
0x37: {  	[dreg:$0x0] =	wrdreg $0xFFFFFFFF;
	(pc) =	sbr.abs _section_cstart, $3  }
0x38: {  	[dreg:$0x1] =	wrdreg $0xFFFFFFFF  }
0x39: {  	_ =	task.clear_ibuf [dreg:s7], $0x2FFFF;
	_ =	strace $0x9FFFFFFF  }
0x3a: {  	(tm) =	ssettm $0x7FFFFFFF  }
0x3b: {  	_ =	shalt  }
tec
execute0_lowered:
.L_overlay_start_1:
0x0: {  	(tag) =	ssettag $0x1  }
0x1: {  	s0 =	srdreg.scid  }
0x2: {  	s1 =	sshll.u32 s0, $0x4  }
0x3: {  	s2 =	rddreg [dreg:$0x0];
	s0 =	stileid.u32;
	s1 =	sand.u32 $0x10, s1  }
0x4: {  	s4 =	rddreg [dreg:$0x1];
	s7 =	simm.s32 $0x1;
	s1 =	sor.u32 s0, s1  }
0x5: {  	s8 =	simm.s32 $0x2;
	s9 =	simm.s32 $0x0;
	s3 =	sshll.u32 s1, $0x1  }
0x6: {  	s12 =	simm.s32 $0x0;
	s11 =	simm.s32 $0x0;
	s6 =	ssub.s32 $0x400, s3  }
.Ltmp0:
0x7: {  	s4 =	sadd.s32 $0xC00, s4;
	s5 =	sand.u32 $0x3E, s6;
	(pc) =	sbr.rel .LBB1_1-.Ltmp0, $4  }
0x8: {  	s1 =	rddreg [dreg:$0x2];
	_ =	strace $0x80000047;
	p0 =	sne.s32 s5, $0x0  }
0x9: {  	s6 =	sshrl.u32 s6, $0x6;
	s5 =	simm.s32 $0x1;
	s7 =	simm.s32 @!p0 $0x0  }
0xa: {  	s10 =	smov.u32 s3;
	[sflag:s5] =	ssyncpa.u1 $0x0;
	s6 =	sadd.s32 s7, s6  }
0xb: {  	[sflag:s8] =	ssyncpa.u1 $0x0;
	s8 =	simm.s32 $0x0;
	s7 =	sadd.s32 $0x1, s6  }
.LBB1_9:
0xc: {  	s14 =	sadd.s32 $0x40, s10  }
0xd: {  	p1 =	sgt.s32 s14, $0x3FF  }
0xe: {  	s14 =	smov.u32 @p1 s3;
	p1 =	sne.s32 s11, s7  }
.Ltmp1:
0xf: {  	p0 =	slt.u32 s11, $0x2;
	(pc) =	sbr.rel @!p1 .LBB1_10-.Ltmp1, $4  }
0x10: {  	s13 =	simm.s32 @!p0 $0x2  }
0x11: {  	s15 =	sadd.s32 $0x1, s11;
	_ =	swait.ge @!p0 [sflag:s13], $0x4000  }
0x12: {  	s12 =	smov.u32 s10;
	s9 =	sadd.s32 $0x4000, s9;
	[sflag:s13] =	ssyncset.done @!p0 $0x0  }
0x13: {  	s11 =	smov.u32 s15;
	s10 =	smov.u32 s14;
	[sflag:s13] =	ssyncadd.s32 @!p0 $0xFFFFC000  }
.LBB1_1:
0x14: {  	p0 =	sge.u32 s11, s6  }
0x15: {  	s13 =	sxor.u32 @!p0 $0xFFFFFFFF, s11  }
0x16: {  	s31 =	sadd.s32 $0xFFFFFFFF, s11;
	s14 =	sshll.u32 @!p0 s10, $0xA;
	s13 =	sshll.u32 @!p0 s13, $0xE  }
0x17: {  	s15 =	simm.s32 @!p0 $0x0;
	s14 =	sadd.s32 @!p0 s2, s14;
	s13 =	sand.u32 @!p0 $0x4000, s13  }
0x18: {  	[tilespmem:s13], [sflag:$0x1] =	stream.linear.gather @!p0 [hbm4b:s14+s15], $0x4000, $0x38;
	[tilespmem:$0x10000] =	vst v63  }
0x19: {  	p0 =	sge.u32 s31, s6  }
.Ltmp2:
0x1a: {  	_ = 	snop;
	(pc) =	sbr.rel @p0 .LBB1_9-.Ltmp2, $1  }
0x1b: {  	_ =	sdelay $0x3  }
0x1c: {  	s13 =	sshll.u32 s9, $0x2  }
0x1d: {  	_ =	swait.ge [sflag:s5], $0x4000;
	s14 =	sshll.u32 s11, $0xE;
	s16 =	simm.s32 $0x0  }
0x1e: {  	p1 =	por $0x1, $0x1;
	s13 =	sand.u32 $0x10000, s13;
	[sflag:s5] =	ssyncset.done $0x0  }
0x1f: {  	s14 =	sand.u32 $0x4000, s14;
	s15 =	sshrl.u32 s13, $0x2;
	[sflag:s5] =	ssyncadd.s32 $0xFFFFC000  }
0x20: {  	s13 =	sor.u32 $0x8000, s14;
	s14 =	sadd.s32 $0x8040, s15;
	s15 =	sadd.s32 $0x40, s15  }
.LBB1_3:
0x21: {  	s16 =	sshll.u32 s16, $0x2  }
0x22: {  	p0 =	por p1, p1;
	s17 =	sshra.s32 s16, $0x2  }
0x23: {  	s18 =	simm.s32 $0x0;
	s16 =	sadd.s32 s17, s14;
	s17 =	sadd.s32 s17, s15  }
.LBB1_4:
0x24: {  	v0 =	vmov s17;
	_ =	sdelay $0x3  }
0x25: {  	s20 =	simm.s32 $0x0  }
0x26: {  	v6 =	vld.idx.msk [tilespmem:v0+s20+$0x30 ss:$0x1], $0xffff  }
0x27: {  	v7 =	vld.idx.msk [tilespmem:v0+s20+$0xFFFFFFC0 ss:$0x1], $0xffff  }
0x28: {  	v5 =	vld.idx.msk [tilespmem:v0+s20+$0xFFFFFFD0 ss:$0x1], $0xffff  }
0x29: {  	v4 =	vld.idx.msk [tilespmem:v0+s20+$0xFFFFFFE0 ss:$0x1], $0xffff  }
0x2a: {  	v3 =	vld.idx.msk [tilespmem:v0+s20+$0xFFFFFFF0 ss:$0x1], $0xffff  }
0x2b: {  	v1 =	vld.idx.msk [tilespmem:v0+s20+$0x0 ss:$0x1], $0xffff  }
0x2c: {  	v2 =	vld.idx.msk [tilespmem:v0+s20+$0x10 ss:$0x1], $0xffff;
	[tilespmem:s16+$0x30] =	vst v6  }
0x2d: {  	s19 =	simm.s32 $0x80;
	s21 =	simm.s32 $0x400;
	[tilespmem:s16+$0xFFFFFFC0] =	vst v7;
	v6 =	vld.idx.msk [tilespmem:v0+s20+$0x20 ss:$0x1], $0xffff;
	s20 =	smov.u32 s16  }
.LBB1_5:
0x2e: {  	p1 =	sne.s32 s21, $0xE00;
	v7 =	vld.idx.msk [tilespmem:v0+s19+$0x30 ss:$0x1], $0xffff;
	[tilespmem:s20+$0xFFFFFFD0] =	vst v5  }
0x2f: {  	v8 =	vld.idx.msk [tilespmem:v0+s19+$0xFFFFFFC0 ss:$0x1], $0xffff;
	[tilespmem:s20+$0xFFFFFFE0] =	vst v4  }
0x30: {  	v5 =	vld.idx.msk [tilespmem:v0+s19+$0xFFFFFFD0 ss:$0x1], $0xffff;
	[tilespmem:s20+$0xFFFFFFF0] =	vst v3  }
.Ltmp3:
0x31: {  	v4 =	vld.idx.msk [tilespmem:v0+s19+$0xFFFFFFE0 ss:$0x1], $0xffff;
	[tilespmem:s20+$0x0] =	vst v1;
	(pc) =	sbr.rel @p1 .LBB1_5-.Ltmp3, $4  }
0x32: {  	v3 =	vld.idx.msk [tilespmem:v0+s19+$0xFFFFFFF0 ss:$0x1], $0xffff;
	[tilespmem:s20+$0x10] =	vst v2  }
0x33: {  	v1 =	vld.idx.msk [tilespmem:v0+s19+$0x0 ss:$0x1], $0xffff;
	[tilespmem:s20+$0x20] =	vst v6;
	s20 =	sadd.s32 $0x400, s20  }
0x34: {  	v2 =	vld.idx.msk [tilespmem:v0+s19+$0x10 ss:$0x1], $0xffff;
	[tilespmem:s20+$0x30] =	vst v7  }
0x35: {  	[tilespmem:s20+$0xFFFFFFC0] =	vst v8;
	v6 =	vld.idx.msk [tilespmem:v0+s19+$0x20 ss:$0x1], $0xffff;
	s19 =	sshra.s32 s21, $0x2;
	s21 =	sadd.s32 $0x200, s21  }
0x36: {  	_ =	sdelay $0x2  }
0x37: {  	[tilespmem:s20+$0xFFFFFFD0] =	vst v5  }
0x38: {  	v56 =	vld.idx.msk [tilespmem:v0+s19+$0x30 ss:$0x1], $0xffff;
	[tilespmem:s20+$0xFFFFFFE0] =	vst v4  }
0x39: {  	v57 =	vld.idx.msk [tilespmem:v0+s19+$0xFFFFFFC0 ss:$0x1], $0xffff;
	[tilespmem:s20+$0xFFFFFFF0] =	vst v3  }
0x3a: {  	v58 =	vld.idx.msk [tilespmem:v0+s19+$0xFFFFFFD0 ss:$0x1], $0xffff;
	[tilespmem:s20+$0x0] =	vst v1  }
0x3b: {  	v59 =	vld.idx.msk [tilespmem:v0+s19+$0xFFFFFFE0 ss:$0x1], $0xffff;
	[tilespmem:s20+$0x10] =	vst v2  }
0x3c: {  	v60 =	vld.idx.msk [tilespmem:v0+s19+$0xFFFFFFF0 ss:$0x1], $0xffff;
	s31 =	sadd.s32 $0x400, s20;
	[tilespmem:s20+$0x20] =	vst v6  }
0x3d: {  	v61 =	vld.idx.msk [tilespmem:v0+s19+$0x0 ss:$0x1], $0xffff;
	[tilespmem:s31+$0x30] =	vst v56  }
0x3e: {  	v62 =	vld.idx.msk [tilespmem:v0+s19+$0x10 ss:$0x1], $0xffff;
	s18 =	sadd.s32 $0x1, s18;
	[tilespmem:s31+$0xFFFFFFC0] =	vst v57  }
0x3f: {  	v63 =	vld.idx.msk [tilespmem:v0+s19+$0x20 ss:$0x1], $0xffff;
	p1 =	sne.s32 s18, $0x8;
	[tilespmem:s31+$0xFFFFFFD0] =	vst v58  }
.Ltmp4:
0x40: {  	[tilespmem:s31+$0xFFFFFFE0] =	vst v59;
	(pc) =	sbr.rel @p1 .LBB1_4-.Ltmp4, $4  }
0x41: {  	[tilespmem:s31+$0xFFFFFFF0] =	vst v60  }
0x42: {  	[tilespmem:s31+$0x0] =	vst v61  }
0x43: {  	[tilespmem:s31+$0x10] =	vst v62  }
0x44: {  	s16 =	sadd.s32 $0x80, s16;
	s17 =	sadd.s32 $0x400, s17;
	[tilespmem:s31+$0x20] =	vst v63  }
.Ltmp5:
0x45: {  	(pc) =	sbr.rel @p0 .LBB1_3-.Ltmp5, $2  }
0x46: {  	_ =	sdelay $0x2  }
0x47: {  	s16 =	simm.s32 $0x2000;
	p1 =	por $0x0, $0x0  }
.Ltmp6:
0x48: {  	(pc) =	sbr.rel .LBB1_9-.Ltmp6, $4  }
0x49: {  	_ = 	snop  }
0x4a: {  	s12 =	sshll.u32 s12, $0xA  }
0x4b: {  	s12 =	sadd.s32 s4, s12  }
0x4c: {  	[hbm4b:s12+s8] =	stream.linear.scatter [tilespmem:s13], [sflag:$0x2], $0x4000, $0x38;
	[tilespmem:$0x10000] =	vst v63  }
.LBB1_10:
0x4d: {  	_ =	sfence.sel $0x180000  }
0x4e: {  	s2 =	simm.s32 $0x1;
	[bflag:$0x0] =	sbarrier.arrive $0xFFFF  }
0x4f: {  	s31 =	simm.s32 $0x2;
	[sflag:s2] =	ssyncpa.u1 $0x1  }
0x50: {  	[sflag:s31] =	ssyncpa.u1 $0x1  }
0x51: {  	p0 =	sne.s32 s0, $0x0;
	_ =	strace $0x90000047  }
0x52: {  	s0 =	sadd.s32 @!p0 $0x100000, s1;
	[bflag:$0x2] =	sbarrier.arrive $0xFFFF  }
0x53: {  	[sflag:s0] =	ssyncadd.tile.s32 @!p0 $0x1;
	_ =	shalt  }
.Lfunc_end1:
_tile_overlayer_lowered:
.L_overlay_start_2:
0x54: {  	(tag) =	ssettag $0x2  }
0x55: {  	s0 =	rddreg [dreg:$0x0];
	s2 =	stileid.u32  }
0x56: {  	s1 =	rddreg [dreg:$0x1];
	p0 =	sne.s32 s2, $0x0  }
0x57: {  	s3 =	rddreg [dreg:$0x2];
	[bflag:$0x3] =	sbarrier.arrive $0xFFFF;
	s2 =	simm.s32 @!p0 $0x1C01  }
0x58: {  	[timem:s3], [sflag:s2] =	dma.local @!p0 [hbm:s0], s1  }
0x59: {  	s0 =	simm.s32 @!p0 $0x1  }
0x5a: {  	_ =	swait.ge @!p0 [sflag:s0], s1  }
0x5b: {  	s1 =	ssub.s32 @!p0 $0x0, s1;
	[sflag:s0] =	ssyncset.done @!p0 $0x0  }
0x5c: {  	[sflag:s0] =	ssyncadd.s32 @!p0 s1  }
0x5d: {  	[bflag:$0x3] =	sbarrier.arrive $0xFFFF  }
0x5e: {  	_ =	shalt  }

</sc_bundles>
